<compile_context>
chip_gen: v7x
topology: tpu7x:2x2x1
jax: 0.10.2.dev20260603
libtpu: 0.0.44.dev20260713+nightly
codegen_flags: <defaults>
</compile_context>

<pallas_src>
import functools

import jax
import jax.numpy as jnp
from jax import lax
from jax.experimental import pallas as pl
from jax.experimental.pallas import tpu as pltpu
from jax.experimental.pallas import tpu_sc as plsc

_B = 1024
_V = 768
_D = 8192
_K = 4
_EPS = 1e-3

_DBLK = 4096
_RBLK = 256
_FBLK = 256
_BIGI = 1 << 30


def _bf(v):
    return v.astype(jnp.bfloat16).astype(jnp.float32)


def _match_body(r_ref, xs_ref, maxval_ref, maxidx_ref):
    j = pl.program_id(0)
    inner = lax.dot_general(
        r_ref[...], xs_ref[...], (((1,), (1,)), ((), ())),
        preferred_element_type=jnp.float32)
    base = j * _DBLK
    col = lax.broadcasted_iota(jnp.int32, (_B, _DBLK), 1)
    blkmax = jnp.max(inner, axis=1, keepdims=True)
    blkarg = jnp.min(jnp.where(inner == blkmax, col, _DBLK),
                     axis=1, keepdims=True) + base

    @pl.when(j == 0)
    def _():
        maxval_ref[...] = blkmax
        maxidx_ref[...] = blkarg

    @pl.when(j > 0)
    def _():
        cur = maxval_ref[...]
        upd = blkmax > cur
        maxval_ref[...] = jnp.where(upd, blkmax, cur)
        maxidx_ref[...] = jnp.where(upd, blkarg, maxidx_ref[...])


def _match(r_bf16, xs_bf16):
    return pl.pallas_call(
        _match_body,
        grid=(_D // _DBLK,),
        in_specs=[
            pl.BlockSpec((_B, _V), lambda j: (0, 0)),
            pl.BlockSpec((_DBLK, _V), lambda j: (j, 0)),
        ],
        out_specs=[
            pl.BlockSpec((_B, 1), lambda j: (0, 0)),
            pl.BlockSpec((_B, 1), lambda j: (0, 0)),
        ],
        out_shape=[
            jax.ShapeDtypeStruct((_B, 1), jnp.float32),
            jax.ShapeDtypeStruct((_B, 1), jnp.int32),
        ],
    )(r_bf16, xs_bf16)


def _gather_rows(table, flat_idx):
    n = flat_idx.shape[0]
    info = plsc.get_sparse_core_info()
    nw = info.num_cores * info.num_subcores
    npw = n // nw
    mesh = plsc.VectorSubcoreMesh(core_axis_name="c", subcore_axis_name="s")

    @functools.partial(
        pl.kernel, mesh=mesh,
        out_type=jax.ShapeDtypeStruct((n, _V), jnp.float32),
        scratch_types=[
            pltpu.VMEM((npw,), jnp.int32),
            pltpu.VMEM((npw, _V), jnp.float32),
            pltpu.SemaphoreType.DMA,
        ],
    )
    def gk(table_hbm, idx_hbm, out_hbm, idx_v, rows_v, sem):
        wid = lax.axis_index("s") * info.num_cores + lax.axis_index("c")
        base = wid * npw
        pltpu.sync_copy(idx_hbm.at[pl.ds(base, npw)], idx_v)
        pltpu.async_copy(table_hbm.at[idx_v], rows_v, sem).wait()
        pltpu.sync_copy(rows_v, out_hbm.at[pl.ds(base, npw)])

    return gk(table, flat_idx)


def _update_body(ns, last, x_ref, g_ref, w_ref, *rest):
    atom_refs = rest[:ns]
    out_refs = rest[ns:]
    x = x_ref[...]
    g = g_ref[...]
    w = w_ref[...]
    atoms = [atom_refs[k][...].astype(jnp.float32) for k in range(ns)]
    c = jnp.zeros_like(x)
    rec = jnp.zeros_like(x)
    for k in range(ns):
        c = c + _bf(g[:, k:k + 1]) * atoms[k]
        rec = rec + _bf(w[:, k:k + 1]) * atoms[k]
    r_old = x - rec
    csq = jnp.sum(c * c, axis=1, keepdims=True)
    cr = jnp.sum(c * r_old, axis=1, keepdims=True)
    step = cr / jnp.maximum(csq, _EPS)
    wnew = jnp.maximum(w + step * g, 0.0)
    rec2 = jnp.zeros_like(x)
    for k in range(ns):
        rec2 = rec2 + _bf(wnew[:, k:k + 1]) * atoms[k]
    if last:
        xrec_ref, wnew_ref = out_refs
        xrec_ref[...] = rec2
        wnew_ref[...] = wnew
    else:
        rnew_ref, wnew_ref, svnext_ref = out_refs
        rnew_bf = (x - rec2).astype(jnp.bfloat16)
        rnew_ref[...] = rnew_bf
        wnew_ref[...] = wnew
        rnew_f = rnew_bf.astype(jnp.float32)
        svs = [jnp.sum(rnew_f * atoms[k], axis=1, keepdims=True)
               for k in range(ns)]
        svs += [jnp.zeros((_RBLK, 1), jnp.float32)] * (_K - ns)
        svnext_ref[...] = jnp.concatenate(svs, axis=1)


def _update(ns, last, x, g, w, atoms):
    nb = _B // _RBLK
    atom_specs = [pl.BlockSpec((_RBLK, _V), lambda j: (j, 0)) for _ in range(ns)]
    if last:
        out_specs = [
            pl.BlockSpec((_RBLK, _V), lambda j: (j, 0)),
            pl.BlockSpec((_RBLK, _K), lambda j: (j, 0)),
        ]
        out_shape = [
            jax.ShapeDtypeStruct((_B, _V), jnp.float32),
            jax.ShapeDtypeStruct((_B, _K), jnp.float32),
        ]
    else:
        out_specs = [
            pl.BlockSpec((_RBLK, _V), lambda j: (j, 0)),
            pl.BlockSpec((_RBLK, _K), lambda j: (j, 0)),
            pl.BlockSpec((_RBLK, _K), lambda j: (j, 0)),
        ]
        out_shape = [
            jax.ShapeDtypeStruct((_B, _V), jnp.bfloat16),
            jax.ShapeDtypeStruct((_B, _K), jnp.float32),
            jax.ShapeDtypeStruct((_B, _K), jnp.float32),
        ]
    return pl.pallas_call(
        functools.partial(_update_body, ns, last),
        grid=(nb,),
        in_specs=[
            pl.BlockSpec((_RBLK, _V), lambda j: (j, 0)),
            pl.BlockSpec((_RBLK, _K), lambda j: (j, 0)),
            pl.BlockSpec((_RBLK, _K), lambda j: (j, 0)),
        ] + atom_specs,
        out_specs=out_specs,
        out_shape=out_shape,
    )(x, g, w, *atoms)


def _final_body(y_ref, my_ref, w_ref, i_ref,
                a0, a1, a2, a3,
                wout_ref, iout_ref, yrec_ref, l2_ref, sv_ref):
    j = pl.program_id(0)
    y = y_ref[...]
    w = w_ref[...]
    idx = i_ref[...]
    atoms = [_bf(a0[...]), _bf(a1[...]), _bf(a2[...]), _bf(a3[...])]
    yrec = jnp.zeros_like(y)
    for k in range(_K):
        yrec = yrec + _bf(w[:, k:k + 1]) * atoms[k]
    yrec_ref[...] = yrec
    dlt = y - yrec
    l2_ref[...] = jnp.sum(dlt * dlt, axis=1, keepdims=True)
    dv = y - my_ref[...]
    part = jnp.sum(dv * dv).reshape(1, 1)

    @pl.when(j == 0)
    def _():
        sv_ref[...] = part

    @pl.when(j > 0)
    def _():
        sv_ref[...] = sv_ref[...] + part

    pos = w > 0.0
    fidx = lax.broadcasted_iota(jnp.int32, (_FBLK, 2 * _K), 1)
    fvalid = jnp.ones((_FBLK, 2 * _K), dtype=jnp.bool_)
    for k in range(_K):
        fvalid = fvalid & ~(pos[:, k:k + 1] & (idx[:, k:k + 1] == fidx))
    cand_val = jnp.concatenate(
        [jnp.where(pos, w, -1.0),
         jnp.where(fvalid, 0.0, -1.0)], axis=1)
    cand_idx = jnp.concatenate(
        [jnp.where(pos, idx, _BIGI),
         jnp.where(fvalid, fidx, _BIGI)], axis=1)
    outw, outi = [], []
    for _ in range(_K):
        bv = jnp.max(cand_val, axis=1, keepdims=True)
        bi = jnp.min(jnp.where(cand_val == bv, cand_idx, _BIGI),
                     axis=1, keepdims=True)
        outw.append(bv)
        outi.append(bi)
        cand_val = jnp.where(cand_idx == bi, -2.0, cand_val)
    wout_ref[...] = jnp.concatenate(outw, axis=1)
    iout_ref[...] = jnp.concatenate(outi, axis=1)


def _final(y, mean_y, w, idx, yatoms):
    nb = _B // _FBLK
    atom_specs = [
        pl.BlockSpec((_FBLK, _V), functools.partial(lambda k, j: (k * nb + j, 0), k))
        for k in range(_K)
    ]
    return pl.pallas_call(
        _final_body,
        grid=(nb,),
        in_specs=[
            pl.BlockSpec((_FBLK, _V), lambda j: (j, 0)),
            pl.BlockSpec((1, _V), lambda j: (0, 0)),
            pl.BlockSpec((_FBLK, _K), lambda j: (j, 0)),
            pl.BlockSpec((_FBLK, _K), lambda j: (j, 0)),
        ] + atom_specs,
        out_specs=[
            pl.BlockSpec((_FBLK, _K), lambda j: (j, 0)),
            pl.BlockSpec((_FBLK, _K), lambda j: (j, 0)),
            pl.BlockSpec((_FBLK, _V), lambda j: (j, 0)),
            pl.BlockSpec((_FBLK, 1), lambda j: (j, 0)),
            pl.BlockSpec((1, 1), lambda j: (0, 0)),
        ],
        out_shape=[
            jax.ShapeDtypeStruct((_B, _K), jnp.float32),
            jax.ShapeDtypeStruct((_B, _K), jnp.int32),
            jax.ShapeDtypeStruct((_B, _V), jnp.float32),
            jax.ShapeDtypeStruct((_B, 1), jnp.float32),
            jax.ShapeDtypeStruct((1, 1), jnp.float32),
        ],
    )(y, mean_y, w, idx, *([yatoms] * _K))


def kernel(x, y, xs, ys, mean_y):
    xs_bf = xs.astype(jnp.bfloat16)
    r_bf = x.astype(jnp.bfloat16)
    idx = jnp.zeros((_B, _K), jnp.int32)
    w = jnp.zeros((_B, _K), jnp.float32)
    active = jnp.zeros((_B, _K), jnp.bool_)
    slotvals = jnp.zeros((_B, _K), jnp.float32)
    slot_id = jnp.arange(_K, dtype=jnp.int32)[None, :]
    atoms_bf = []

    for t in range(_K):
        maxval, maxidx = _match(r_bf, xs_bf)
        dup = active & (idx == maxidx)
        isdup = jnp.any(dup, axis=1, keepdims=True)
        ins = (~isdup) & (slot_id == t)
        idx = jnp.where(ins, maxidx, idx)
        active = active | ins
        sv = jnp.where(idx == maxidx, maxval, slotvals)
        selected = active & ((w != 0.0) | (idx == maxidx))
        g = jnp.where(selected, sv, 0.0)
        ns = t + 1
        newatom = _gather_rows(xs, idx[:, t])
        atoms_bf.append(newatom.astype(jnp.bfloat16))
        last = (t == _K - 1)
        if last:
            xrec, w = _update(ns, True, x, g, w, atoms_bf)
        else:
            r_bf, w, slotvals = _update(ns, False, x, g, w, atoms_bf)

    yatoms = _gather_rows(ys, idx.T.reshape(-1))
    wout, iout, yrec, l2, svsum = _final(
        y, mean_y.reshape(1, _V), w, idx, yatoms)
    total_variance = svsum[0, 0] / _B
    losses = l2[:, 0] / total_variance
    return (wout, iout, xrec, yrec, losses)

# --- scband reference (transcript-rebuilt; emitter-appended) ---
"""Pipeline reference for scband-itda-71743133712764 (READ-ONLY COPY).

The authoritative reference and input builder live on the scoring server;
editing this copy changes nothing except your own understanding.
"""

import jax, jax.numpy as jnp
import numpy as np

B = 1024
V = 768   # d_model
D = 8192  # dictionary size (codebook entries)
L0 = 4    # target_l0
EPS = 1e-3


def setup_inputs(seed: int = 0) -> dict:
    key = jax.random.key(seed)
    k1, k2, k3, k4 = jax.random.split(key, 4)
    x = jax.random.normal(k1, (B, V), dtype=jnp.float32)
    y = jax.random.normal(k2, (B, V), dtype=jnp.float32)
    # learned dictionary atoms (ITDA stores past (x, y) pairs as the codebook)
    xs = jax.random.normal(k3, (D, V), dtype=jnp.float32)
    ys = jax.random.normal(k4, (D, V), dtype=jnp.float32)
    mean_y = jnp.zeros((V,), dtype=jnp.float32)
    return {"x": x, "y": y, "xs": xs, "ys": ys, "mean_y": mean_y}


def grad_pursuit_update_step(signal, weights, dictionary, eps=EPS):
    residual = signal - jnp.einsum('fv,bf->bv', dictionary, weights)
    selected = weights != 0
    inner = jnp.einsum('fv,bv->bf', dictionary, residual)
    idx = jnp.argmax(inner, axis=1)
    selected = selected.at[jnp.arange(signal.shape[0]), idx].set(True)
    grad = jnp.where(selected, inner, 0.0)
    c = jnp.einsum('bf,fv->bv', grad, dictionary)
    c_sq = jnp.einsum('bv,bv->b', c, c)
    step = jnp.einsum('bv,bv->b', c, residual) / jnp.maximum(c_sq, jnp.full_like(c_sq, eps))
    weights = weights + step[:, None] * grad
    return jax.nn.relu(weights)


def grad_pursuit(signal, dictionary, target_l0):
    weights = jnp.zeros((signal.shape[0], dictionary.shape[0]), dtype=signal.dtype)
    for _ in range(target_l0):
        weights = grad_pursuit_update_step(signal, weights, dictionary)
    return jax.lax.top_k(weights, target_l0)


def decoder_impl(indices, weights, dictionary):
    # embedding_bag(mode='sum'): gather codebook rows then weighted-sum
    return jnp.einsum('bk,bkv->bv', weights, jnp.take(dictionary, indices, axis=0))


def reference(x, y, xs, ys, mean_y):
    weights, indices = grad_pursuit(x, xs, L0)
    x_reconstructed = decoder_impl(indices, weights, xs)
    y_reconstructed = decoder_impl(indices, weights, ys)
    l2_loss = jnp.sum((y - y_reconstructed) ** 2, axis=-1)
    total_variance = jnp.mean(jnp.sum((y - mean_y) ** 2, axis=-1))
    losses = l2_loss / total_variance
    return (weights, indices, x_reconstructed, y_reconstructed, losses)

if __name__ == "__main__":
    import jax
    _d = setup_inputs()
    print(jax.jit(kernel)(*tuple(_d.values())))

</pallas_src>

<mosaic_0001>
#map = affine_map<(d0, d1) -> (0, 0)>
#map1 = affine_map<(d0, d1) -> (0)>
module attributes {stable_mosaic.version = 14 : i64} {
  func.func @gk(%arg0: i32, %arg1: i32, %arg2: memref<8192x768xf32, #tpu.memory_space<hbm>>, %arg3: memref<1024xi32, #tpu.memory_space<hbm>>, %arg4: memref<1024x768xf32, #tpu.memory_space<hbm>>, %arg5: memref<32xi32, #tpu.memory_space<vmem>>, %arg6: memref<32x768xf32, #tpu.memory_space<vmem>>, %arg7: memref<!tpu.dma_semaphore, #tpu.memory_space<semaphore_mem>>) attributes {dimension_semantics = [#tpu.dimension_semantics<core_parallel>, #tpu.dimension_semantics<subcore_parallel>], iteration_bounds = array<i64: 2, 16>, scalar_prefetch = 0 : i64, scratch_operands = 3 : i64, tpu.core_type = #tpu.core_type<sc_vector_subcore>, window_params = [{transform_indices = #map}, {transform_indices = #map1}, {transform_indices = #map}]} {
    %mul3A = arith.constant 2 : i32
    %mul3A_0 = arith.muli %arg1, %mul3A : i32
    %add3A = arith.addi %mul3A_0, %arg0 : i32
    %mul3A_1 = arith.constant 32 : i32
    %mul3A_2 = arith.muli %add3A, %mul3A_1 : i32
    "tpu.region"() ({
      %run_scoped3A = tpu.sem_alloc : memref<!tpu.dma_semaphore, #tpu.memory_space<semaphore_mem>>
      %dma_start3A_7 = tpu.memref_slice %arg3[%mul3A_2] : memref<1024xi32, #tpu.memory_space<hbm>> -> memref<32xi32, #tpu.memory_space<hbm>>
      %dma_start3A_8 = tpu.memref_slice %arg3[%mul3A_2] : memref<1024xi32, #tpu.memory_space<hbm>> -> memref<32xi32, #tpu.memory_space<hbm>>
      tpu.enqueue_dma source(%dma_start3A_8 : memref<32xi32, #tpu.memory_space<hbm>>) target(%arg5 : memref<32xi32, #tpu.memory_space<vmem>>) target_semaphore(%run_scoped3A : memref<!tpu.dma_semaphore, #tpu.memory_space<semaphore_mem>>)
      %dma_wait3A_9 = tpu.memref_slice %arg3[%mul3A_2] : memref<1024xi32, #tpu.memory_space<hbm>> -> memref<32xi32, #tpu.memory_space<hbm>>
      %dma_wait3A_10 = tpu.memref_slice %arg3[%mul3A_2] : memref<1024xi32, #tpu.memory_space<hbm>> -> memref<32xi32, #tpu.memory_space<hbm>>
      tpu.wait_dma2 semaphore(%run_scoped3A : memref<!tpu.dma_semaphore, #tpu.memory_space<semaphore_mem>>) src(%dma_wait3A_10 : memref<32xi32, #tpu.memory_space<hbm>>) dst(%arg5 : memref<32xi32, #tpu.memory_space<vmem>>)
      tpu.yield
    }) : () -> ()
    %dma_start3A = arith.constant 0 : i32
    %dma_start3A_3 = arith.constant 0 : i32
    %dma_start3A_4 = tpu.memref_slice %arg2[%dma_start3A, %dma_start3A_3] : memref<8192x768xf32, #tpu.memory_space<hbm>> -> memref<8192x768xf32, #tpu.memory_space<hbm>>
    tpu.enqueue_indirect_dma source(%dma_start3A_4 : memref<8192x768xf32, #tpu.memory_space<hbm>>) target(%arg6 : memref<32x768xf32, #tpu.memory_space<vmem>>) offsets(%arg5 : memref<32xi32, #tpu.memory_space<vmem>>) semaphore(%arg7 : memref<!tpu.dma_semaphore, #tpu.memory_space<semaphore_mem>>)
    %dma_wait3A = arith.constant 0 : i32
    %dma_wait3A_5 = arith.constant 0 : i32
    %dma_wait3A_6 = tpu.memref_slice %arg2[%dma_wait3A, %dma_wait3A_5] : memref<8192x768xf32, #tpu.memory_space<hbm>> -> memref<8192x768xf32, #tpu.memory_space<hbm>>
    tpu.wait_indirect_dma semaphore(%arg7 : memref<!tpu.dma_semaphore, #tpu.memory_space<semaphore_mem>>) src(%dma_wait3A_6 : memref<8192x768xf32, #tpu.memory_space<hbm>>) dst(%arg6 : memref<32x768xf32, #tpu.memory_space<vmem>>)
    "tpu.region"() ({
      %run_scoped3A = tpu.sem_alloc : memref<!tpu.dma_semaphore, #tpu.memory_space<semaphore_mem>>
      %dma_start3A_7 = arith.constant 0 : i32
      %dma_start3A_8 = tpu.memref_slice %arg4[%mul3A_2, %dma_start3A_7] : memref<1024x768xf32, #tpu.memory_space<hbm>> -> memref<32x768xf32, #tpu.memory_space<hbm>>
      %dma_start3A_9 = arith.constant 0 : i32
      %dma_start3A_10 = tpu.memref_slice %arg4[%mul3A_2, %dma_start3A_9] : memref<1024x768xf32, #tpu.memory_space<hbm>> -> memref<32x768xf32, #tpu.memory_space<hbm>>
      tpu.enqueue_dma source(%arg6 : memref<32x768xf32, #tpu.memory_space<vmem>>) target(%dma_start3A_10 : memref<32x768xf32, #tpu.memory_space<hbm>>) target_semaphore(%run_scoped3A : memref<!tpu.dma_semaphore, #tpu.memory_space<semaphore_mem>>)
      %dma_wait3A_11 = arith.constant 0 : i32
      %dma_wait3A_12 = tpu.memref_slice %arg4[%mul3A_2, %dma_wait3A_11] : memref<1024x768xf32, #tpu.memory_space<hbm>> -> memref<32x768xf32, #tpu.memory_space<hbm>>
      %dma_wait3A_13 = arith.constant 0 : i32
      %dma_wait3A_14 = tpu.memref_slice %arg4[%mul3A_2, %dma_wait3A_13] : memref<1024x768xf32, #tpu.memory_space<hbm>> -> memref<32x768xf32, #tpu.memory_space<hbm>>
      tpu.wait_dma2 semaphore(%run_scoped3A : memref<!tpu.dma_semaphore, #tpu.memory_space<semaphore_mem>>) src(%arg6 : memref<32x768xf32, #tpu.memory_space<vmem>>) dst(%dma_wait3A_14 : memref<32x768xf32, #tpu.memory_space<hbm>>)
      tpu.yield
    }) : () -> ()
    return
  }
}

#map = affine_map<(d0, d1) -> (0, 0)>
#map1 = affine_map<(d0, d1) -> (0)>
module attributes {stable_mosaic.version = 14 : i64} {
  func.func @gk(%arg0: i32, %arg1: i32, %arg2: memref<8192x768xf32, #tpu.memory_space<hbm>>, %arg3: memref<1024xi32, #tpu.memory_space<hbm>>, %arg4: memref<1024x768xf32, #tpu.memory_space<hbm>>, %arg5: memref<32xi32, #tpu.memory_space<vmem>>, %arg6: memref<32x768xf32, #tpu.memory_space<vmem>>, %arg7: memref<!tpu.dma_semaphore, #tpu.memory_space<semaphore_mem>>) attributes {dimension_semantics = [#tpu.dimension_semantics<core_parallel>, #tpu.dimension_semantics<subcore_parallel>], iteration_bounds = array<i64: 2, 16>, scalar_prefetch = 0 : i64, scratch_operands = 3 : i64, tpu.core_type = #tpu.core_type<sc_vector_subcore>, window_params = [{transform_indices = #map}, {transform_indices = #map1}, {transform_indices = #map}]} {
    %mul3A = arith.constant 2 : i32
    %mul3A_0 = arith.muli %arg1, %mul3A : i32
    %add3A = arith.addi %mul3A_0, %arg0 : i32
    %mul3A_1 = arith.constant 32 : i32
    %mul3A_2 = arith.muli %add3A, %mul3A_1 : i32
    "tpu.region"() ({
      %run_scoped3A = tpu.sem_alloc : memref<!tpu.dma_semaphore, #tpu.memory_space<semaphore_mem>>
      %dma_start3A_7 = tpu.memref_slice %arg3[%mul3A_2] : memref<1024xi32, #tpu.memory_space<hbm>> -> memref<32xi32, #tpu.memory_space<hbm>>
      %dma_start3A_8 = tpu.memref_slice %arg3[%mul3A_2] : memref<1024xi32, #tpu.memory_space<hbm>> -> memref<32xi32, #tpu.memory_space<hbm>>
      tpu.enqueue_dma source(%dma_start3A_8 : memref<32xi32, #tpu.memory_space<hbm>>) target(%arg5 : memref<32xi32, #tpu.memory_space<vmem>>) target_semaphore(%run_scoped3A : memref<!tpu.dma_semaphore, #tpu.memory_space<semaphore_mem>>)
      %dma_wait3A_9 = tpu.memref_slice %arg3[%mul3A_2] : memref<1024xi32, #tpu.memory_space<hbm>> -> memref<32xi32, #tpu.memory_space<hbm>>
      %dma_wait3A_10 = tpu.memref_slice %arg3[%mul3A_2] : memref<1024xi32, #tpu.memory_space<hbm>> -> memref<32xi32, #tpu.memory_space<hbm>>
      tpu.wait_dma2 semaphore(%run_scoped3A : memref<!tpu.dma_semaphore, #tpu.memory_space<semaphore_mem>>) src(%dma_wait3A_10 : memref<32xi32, #tpu.memory_space<hbm>>) dst(%arg5 : memref<32xi32, #tpu.memory_space<vmem>>)
      tpu.yield
    }) : () -> ()
    %dma_start3A = arith.constant 0 : i32
    %dma_start3A_3 = arith.constant 0 : i32
    %dma_start3A_4 = tpu.memref_slice %arg2[%dma_start3A, %dma_start3A_3] : memref<8192x768xf32, #tpu.memory_space<hbm>> -> memref<8192x768xf32, #tpu.memory_space<hbm>>
    tpu.enqueue_indirect_dma source(%dma_start3A_4 : memref<8192x768xf32, #tpu.memory_space<hbm>>) target(%arg6 : memref<32x768xf32, #tpu.memory_space<vmem>>) offsets(%arg5 : memref<32xi32, #tpu.memory_space<vmem>>) semaphore(%arg7 : memref<!tpu.dma_semaphore, #tpu.memory_space<semaphore_mem>>)
    %dma_wait3A = arith.constant 0 : i32
    %dma_wait3A_5 = arith.constant 0 : i32
    %dma_wait3A_6 = tpu.memref_slice %arg2[%dma_wait3A, %dma_wait3A_5] : memref<8192x768xf32, #tpu.memory_space<hbm>> -> memref<8192x768xf32, #tpu.memory_space<hbm>>
    tpu.wait_indirect_dma semaphore(%arg7 : memref<!tpu.dma_semaphore, #tpu.memory_space<semaphore_mem>>) src(%dma_wait3A_6 : memref<8192x768xf32, #tpu.memory_space<hbm>>) dst(%arg6 : memref<32x768xf32, #tpu.memory_space<vmem>>)
    "tpu.region"() ({
      %run_scoped3A = tpu.sem_alloc : memref<!tpu.dma_semaphore, #tpu.memory_space<semaphore_mem>>
      %dma_start3A_7 = arith.constant 0 : i32
      %dma_start3A_8 = tpu.memref_slice %arg4[%mul3A_2, %dma_start3A_7] : memref<1024x768xf32, #tpu.memory_space<hbm>> -> memref<32x768xf32, #tpu.memory_space<hbm>>
      %dma_start3A_9 = arith.constant 0 : i32
      %dma_start3A_10 = tpu.memref_slice %arg4[%mul3A_2, %dma_start3A_9] : memref<1024x768xf32, #tpu.memory_space<hbm>> -> memref<32x768xf32, #tpu.memory_space<hbm>>
      tpu.enqueue_dma source(%arg6 : memref<32x768xf32, #tpu.memory_space<vmem>>) target(%dma_start3A_10 : memref<32x768xf32, #tpu.memory_space<hbm>>) target_semaphore(%run_scoped3A : memref<!tpu.dma_semaphore, #tpu.memory_space<semaphore_mem>>)
      %dma_wait3A_11 = arith.constant 0 : i32
      %dma_wait3A_12 = tpu.memref_slice %arg4[%mul3A_2, %dma_wait3A_11] : memref<1024x768xf32, #tpu.memory_space<hbm>> -> memref<32x768xf32, #tpu.memory_space<hbm>>
      %dma_wait3A_13 = arith.constant 0 : i32
      %dma_wait3A_14 = tpu.memref_slice %arg4[%mul3A_2, %dma_wait3A_13] : memref<1024x768xf32, #tpu.memory_space<hbm>> -> memref<32x768xf32, #tpu.memory_space<hbm>>
      tpu.wait_dma2 semaphore(%run_scoped3A : memref<!tpu.dma_semaphore, #tpu.memory_space<semaphore_mem>>) src(%arg6 : memref<32x768xf32, #tpu.memory_space<vmem>>) dst(%dma_wait3A_14 : memref<32x768xf32, #tpu.memory_space<hbm>>)
      tpu.yield
    }) : () -> ()
    return
  }
}

#map = affine_map<(d0, d1) -> (0, 0)>
#map1 = affine_map<(d0, d1) -> (0)>
module attributes {stable_mosaic.version = 14 : i64} {
  func.func @gk(%arg0: i32, %arg1: i32, %arg2: memref<8192x768xf32, #tpu.memory_space<hbm>>, %arg3: memref<1024xi32, #tpu.memory_space<hbm>>, %arg4: memref<1024x768xf32, #tpu.memory_space<hbm>>, %arg5: memref<32xi32, #tpu.memory_space<vmem>>, %arg6: memref<32x768xf32, #tpu.memory_space<vmem>>, %arg7: memref<!tpu.dma_semaphore, #tpu.memory_space<semaphore_mem>>) attributes {dimension_semantics = [#tpu.dimension_semantics<core_parallel>, #tpu.dimension_semantics<subcore_parallel>], iteration_bounds = array<i64: 2, 16>, scalar_prefetch = 0 : i64, scratch_operands = 3 : i64, tpu.core_type = #tpu.core_type<sc_vector_subcore>, window_params = [{transform_indices = #map}, {transform_indices = #map1}, {transform_indices = #map}]} {
    %mul3A = arith.constant 2 : i32
    %mul3A_0 = arith.muli %arg1, %mul3A : i32
    %add3A = arith.addi %mul3A_0, %arg0 : i32
    %mul3A_1 = arith.constant 32 : i32
    %mul3A_2 = arith.muli %add3A, %mul3A_1 : i32
    "tpu.region"() ({
      %run_scoped3A = tpu.sem_alloc : memref<!tpu.dma_semaphore, #tpu.memory_space<semaphore_mem>>
      %dma_start3A_7 = tpu.memref_slice %arg3[%mul3A_2] : memref<1024xi32, #tpu.memory_space<hbm>> -> memref<32xi32, #tpu.memory_space<hbm>>
      %dma_start3A_8 = tpu.memref_slice %arg3[%mul3A_2] : memref<1024xi32, #tpu.memory_space<hbm>> -> memref<32xi32, #tpu.memory_space<hbm>>
      tpu.enqueue_dma source(%dma_start3A_8 : memref<32xi32, #tpu.memory_space<hbm>>) target(%arg5 : memref<32xi32, #tpu.memory_space<vmem>>) target_semaphore(%run_scoped3A : memref<!tpu.dma_semaphore, #tpu.memory_space<semaphore_mem>>)
      %dma_wait3A_9 = tpu.memref_slice %arg3[%mul3A_2] : memref<1024xi32, #tpu.memory_space<hbm>> -> memref<32xi32, #tpu.memory_space<hbm>>
      %dma_wait3A_10 = tpu.memref_slice %arg3[%mul3A_2] : memref<1024xi32, #tpu.memory_space<hbm>> -> memref<32xi32, #tpu.memory_space<hbm>>
      tpu.wait_dma2 semaphore(%run_scoped3A : memref<!tpu.dma_semaphore, #tpu.memory_space<semaphore_mem>>) src(%dma_wait3A_10 : memref<32xi32, #tpu.memory_space<hbm>>) dst(%arg5 : memref<32xi32, #tpu.memory_space<vmem>>)
      tpu.yield
    }) : () -> ()
    %dma_start3A = arith.constant 0 : i32
    %dma_start3A_3 = arith.constant 0 : i32
    %dma_start3A_4 = tpu.memref_slice %arg2[%dma_start3A, %dma_start3A_3] : memref<8192x768xf32, #tpu.memory_space<hbm>> -> memref<8192x768xf32, #tpu.memory_space<hbm>>
    tpu.enqueue_indirect_dma source(%dma_start3A_4 : memref<8192x768xf32, #tpu.memory_space<hbm>>) target(%arg6 : memref<32x768xf32, #tpu.memory_space<vmem>>) offsets(%arg5 : memref<32xi32, #tpu.memory_space<vmem>>) semaphore(%arg7 : memref<!tpu.dma_semaphore, #tpu.memory_space<semaphore_mem>>)
    %dma_wait3A = arith.constant 0 : i32
    %dma_wait3A_5 = arith.constant 0 : i32
    %dma_wait3A_6 = tpu.memref_slice %arg2[%dma_wait3A, %dma_wait3A_5] : memref<8192x768xf32, #tpu.memory_space<hbm>> -> memref<8192x768xf32, #tpu.memory_space<hbm>>
    tpu.wait_indirect_dma semaphore(%arg7 : memref<!tpu.dma_semaphore, #tpu.memory_space<semaphore_mem>>) src(%dma_wait3A_6 : memref<8192x768xf32, #tpu.memory_space<hbm>>) dst(%arg6 : memref<32x768xf32, #tpu.memory_space<vmem>>)
    "tpu.region"() ({
      %run_scoped3A = tpu.sem_alloc : memref<!tpu.dma_semaphore, #tpu.memory_space<semaphore_mem>>
      %dma_start3A_7 = arith.constant 0 : i32
      %dma_start3A_8 = tpu.memref_slice %arg4[%mul3A_2, %dma_start3A_7] : memref<1024x768xf32, #tpu.memory_space<hbm>> -> memref<32x768xf32, #tpu.memory_space<hbm>>
      %dma_start3A_9 = arith.constant 0 : i32
      %dma_start3A_10 = tpu.memref_slice %arg4[%mul3A_2, %dma_start3A_9] : memref<1024x768xf32, #tpu.memory_space<hbm>> -> memref<32x768xf32, #tpu.memory_space<hbm>>
      tpu.enqueue_dma source(%arg6 : memref<32x768xf32, #tpu.memory_space<vmem>>) target(%dma_start3A_10 : memref<32x768xf32, #tpu.memory_space<hbm>>) target_semaphore(%run_scoped3A : memref<!tpu.dma_semaphore, #tpu.memory_space<semaphore_mem>>)
      %dma_wait3A_11 = arith.constant 0 : i32
      %dma_wait3A_12 = tpu.memref_slice %arg4[%mul3A_2, %dma_wait3A_11] : memref<1024x768xf32, #tpu.memory_space<hbm>> -> memref<32x768xf32, #tpu.memory_space<hbm>>
      %dma_wait3A_13 = arith.constant 0 : i32
      %dma_wait3A_14 = tpu.memref_slice %arg4[%mul3A_2, %dma_wait3A_13] : memref<1024x768xf32, #tpu.memory_space<hbm>> -> memref<32x768xf32, #tpu.memory_space<hbm>>
      tpu.wait_dma2 semaphore(%run_scoped3A : memref<!tpu.dma_semaphore, #tpu.memory_space<semaphore_mem>>) src(%arg6 : memref<32x768xf32, #tpu.memory_space<vmem>>) dst(%dma_wait3A_14 : memref<32x768xf32, #tpu.memory_space<hbm>>)
      tpu.yield
    }) : () -> ()
    return
  }
}

#map = affine_map<(d0, d1) -> (0, 0)>
#map1 = affine_map<(d0, d1) -> (0)>
module attributes {stable_mosaic.version = 14 : i64} {
  func.func @gk(%arg0: i32, %arg1: i32, %arg2: memref<8192x768xf32, #tpu.memory_space<hbm>>, %arg3: memref<1024xi32, #tpu.memory_space<hbm>>, %arg4: memref<1024x768xf32, #tpu.memory_space<hbm>>, %arg5: memref<32xi32, #tpu.memory_space<vmem>>, %arg6: memref<32x768xf32, #tpu.memory_space<vmem>>, %arg7: memref<!tpu.dma_semaphore, #tpu.memory_space<semaphore_mem>>) attributes {dimension_semantics = [#tpu.dimension_semantics<core_parallel>, #tpu.dimension_semantics<subcore_parallel>], iteration_bounds = array<i64: 2, 16>, scalar_prefetch = 0 : i64, scratch_operands = 3 : i64, tpu.core_type = #tpu.core_type<sc_vector_subcore>, window_params = [{transform_indices = #map}, {transform_indices = #map1}, {transform_indices = #map}]} {
    %mul3A = arith.constant 2 : i32
    %mul3A_0 = arith.muli %arg1, %mul3A : i32
    %add3A = arith.addi %mul3A_0, %arg0 : i32
    %mul3A_1 = arith.constant 32 : i32
    %mul3A_2 = arith.muli %add3A, %mul3A_1 : i32
    "tpu.region"() ({
      %run_scoped3A = tpu.sem_alloc : memref<!tpu.dma_semaphore, #tpu.memory_space<semaphore_mem>>
      %dma_start3A_7 = tpu.memref_slice %arg3[%mul3A_2] : memref<1024xi32, #tpu.memory_space<hbm>> -> memref<32xi32, #tpu.memory_space<hbm>>
      %dma_start3A_8 = tpu.memref_slice %arg3[%mul3A_2] : memref<1024xi32, #tpu.memory_space<hbm>> -> memref<32xi32, #tpu.memory_space<hbm>>
      tpu.enqueue_dma source(%dma_start3A_8 : memref<32xi32, #tpu.memory_space<hbm>>) target(%arg5 : memref<32xi32, #tpu.memory_space<vmem>>) target_semaphore(%run_scoped3A : memref<!tpu.dma_semaphore, #tpu.memory_space<semaphore_mem>>)
      %dma_wait3A_9 = tpu.memref_slice %arg3[%mul3A_2] : memref<1024xi32, #tpu.memory_space<hbm>> -> memref<32xi32, #tpu.memory_space<hbm>>
      %dma_wait3A_10 = tpu.memref_slice %arg3[%mul3A_2] : memref<1024xi32, #tpu.memory_space<hbm>> -> memref<32xi32, #tpu.memory_space<hbm>>
      tpu.wait_dma2 semaphore(%run_scoped3A : memref<!tpu.dma_semaphore, #tpu.memory_space<semaphore_mem>>) src(%dma_wait3A_10 : memref<32xi32, #tpu.memory_space<hbm>>) dst(%arg5 : memref<32xi32, #tpu.memory_space<vmem>>)
      tpu.yield
    }) : () -> ()
    %dma_start3A = arith.constant 0 : i32
    %dma_start3A_3 = arith.constant 0 : i32
    %dma_start3A_4 = tpu.memref_slice %arg2[%dma_start3A, %dma_start3A_3] : memref<8192x768xf32, #tpu.memory_space<hbm>> -> memref<8192x768xf32, #tpu.memory_space<hbm>>
    tpu.enqueue_indirect_dma source(%dma_start3A_4 : memref<8192x768xf32, #tpu.memory_space<hbm>>) target(%arg6 : memref<32x768xf32, #tpu.memory_space<vmem>>) offsets(%arg5 : memref<32xi32, #tpu.memory_space<vmem>>) semaphore(%arg7 : memref<!tpu.dma_semaphore, #tpu.memory_space<semaphore_mem>>)
    %dma_wait3A = arith.constant 0 : i32
    %dma_wait3A_5 = arith.constant 0 : i32
    %dma_wait3A_6 = tpu.memref_slice %arg2[%dma_wait3A, %dma_wait3A_5] : memref<8192x768xf32, #tpu.memory_space<hbm>> -> memref<8192x768xf32, #tpu.memory_space<hbm>>
    tpu.wait_indirect_dma semaphore(%arg7 : memref<!tpu.dma_semaphore, #tpu.memory_space<semaphore_mem>>) src(%dma_wait3A_6 : memref<8192x768xf32, #tpu.memory_space<hbm>>) dst(%arg6 : memref<32x768xf32, #tpu.memory_space<vmem>>)
    "tpu.region"() ({
      %run_scoped3A = tpu.sem_alloc : memref<!tpu.dma_semaphore, #tpu.memory_space<semaphore_mem>>
      %dma_start3A_7 = arith.constant 0 : i32
      %dma_start3A_8 = tpu.memref_slice %arg4[%mul3A_2, %dma_start3A_7] : memref<1024x768xf32, #tpu.memory_space<hbm>> -> memref<32x768xf32, #tpu.memory_space<hbm>>
      %dma_start3A_9 = arith.constant 0 : i32
      %dma_start3A_10 = tpu.memref_slice %arg4[%mul3A_2, %dma_start3A_9] : memref<1024x768xf32, #tpu.memory_space<hbm>> -> memref<32x768xf32, #tpu.memory_space<hbm>>
      tpu.enqueue_dma source(%arg6 : memref<32x768xf32, #tpu.memory_space<vmem>>) target(%dma_start3A_10 : memref<32x768xf32, #tpu.memory_space<hbm>>) target_semaphore(%run_scoped3A : memref<!tpu.dma_semaphore, #tpu.memory_space<semaphore_mem>>)
      %dma_wait3A_11 = arith.constant 0 : i32
      %dma_wait3A_12 = tpu.memref_slice %arg4[%mul3A_2, %dma_wait3A_11] : memref<1024x768xf32, #tpu.memory_space<hbm>> -> memref<32x768xf32, #tpu.memory_space<hbm>>
      %dma_wait3A_13 = arith.constant 0 : i32
      %dma_wait3A_14 = tpu.memref_slice %arg4[%mul3A_2, %dma_wait3A_13] : memref<1024x768xf32, #tpu.memory_space<hbm>> -> memref<32x768xf32, #tpu.memory_space<hbm>>
      tpu.wait_dma2 semaphore(%run_scoped3A : memref<!tpu.dma_semaphore, #tpu.memory_space<semaphore_mem>>) src(%arg6 : memref<32x768xf32, #tpu.memory_space<vmem>>) dst(%dma_wait3A_14 : memref<32x768xf32, #tpu.memory_space<hbm>>)
      tpu.yield
    }) : () -> ()
    return
  }
}

#map = affine_map<(d0, d1) -> (0, 0)>
#map1 = affine_map<(d0, d1) -> (0)>
module attributes {stable_mosaic.version = 14 : i64} {
  func.func @gk(%arg0: i32, %arg1: i32, %arg2: memref<8192x768xf32, #tpu.memory_space<hbm>>, %arg3: memref<4096xi32, #tpu.memory_space<hbm>>, %arg4: memref<4096x768xf32, #tpu.memory_space<hbm>>, %arg5: memref<128xi32, #tpu.memory_space<vmem>>, %arg6: memref<128x768xf32, #tpu.memory_space<vmem>>, %arg7: memref<!tpu.dma_semaphore, #tpu.memory_space<semaphore_mem>>) attributes {dimension_semantics = [#tpu.dimension_semantics<core_parallel>, #tpu.dimension_semantics<subcore_parallel>], iteration_bounds = array<i64: 2, 16>, scalar_prefetch = 0 : i64, scratch_operands = 3 : i64, tpu.core_type = #tpu.core_type<sc_vector_subcore>, window_params = [{transform_indices = #map}, {transform_indices = #map1}, {transform_indices = #map}]} {
    %mul3A = arith.constant 2 : i32
    %mul3A_0 = arith.muli %arg1, %mul3A : i32
    %add3A = arith.addi %mul3A_0, %arg0 : i32
    %mul3A_1 = arith.constant 128 : i32
    %mul3A_2 = arith.muli %add3A, %mul3A_1 : i32
    "tpu.region"() ({
      %run_scoped3A = tpu.sem_alloc : memref<!tpu.dma_semaphore, #tpu.memory_space<semaphore_mem>>
      %dma_start3A_7 = tpu.memref_slice %arg3[%mul3A_2] : memref<4096xi32, #tpu.memory_space<hbm>> -> memref<128xi32, #tpu.memory_space<hbm>>
      %dma_start3A_8 = tpu.memref_slice %arg3[%mul3A_2] : memref<4096xi32, #tpu.memory_space<hbm>> -> memref<128xi32, #tpu.memory_space<hbm>>
      tpu.enqueue_dma source(%dma_start3A_8 : memref<128xi32, #tpu.memory_space<hbm>>) target(%arg5 : memref<128xi32, #tpu.memory_space<vmem>>) target_semaphore(%run_scoped3A : memref<!tpu.dma_semaphore, #tpu.memory_space<semaphore_mem>>)
      %dma_wait3A_9 = tpu.memref_slice %arg3[%mul3A_2] : memref<4096xi32, #tpu.memory_space<hbm>> -> memref<128xi32, #tpu.memory_space<hbm>>
      %dma_wait3A_10 = tpu.memref_slice %arg3[%mul3A_2] : memref<4096xi32, #tpu.memory_space<hbm>> -> memref<128xi32, #tpu.memory_space<hbm>>
      tpu.wait_dma2 semaphore(%run_scoped3A : memref<!tpu.dma_semaphore, #tpu.memory_space<semaphore_mem>>) src(%dma_wait3A_10 : memref<128xi32, #tpu.memory_space<hbm>>) dst(%arg5 : memref<128xi32, #tpu.memory_space<vmem>>)
      tpu.yield
    }) : () -> ()
    %dma_start3A = arith.constant 0 : i32
    %dma_start3A_3 = arith.constant 0 : i32
    %dma_start3A_4 = tpu.memref_slice %arg2[%dma_start3A, %dma_start3A_3] : memref<8192x768xf32, #tpu.memory_space<hbm>> -> memref<8192x768xf32, #tpu.memory_space<hbm>>
    tpu.enqueue_indirect_dma source(%dma_start3A_4 : memref<8192x768xf32, #tpu.memory_space<hbm>>) target(%arg6 : memref<128x768xf32, #tpu.memory_space<vmem>>) offsets(%arg5 : memref<128xi32, #tpu.memory_space<vmem>>) semaphore(%arg7 : memref<!tpu.dma_semaphore, #tpu.memory_space<semaphore_mem>>)
    %dma_wait3A = arith.constant 0 : i32
    %dma_wait3A_5 = arith.constant 0 : i32
    %dma_wait3A_6 = tpu.memref_slice %arg2[%dma_wait3A, %dma_wait3A_5] : memref<8192x768xf32, #tpu.memory_space<hbm>> -> memref<8192x768xf32, #tpu.memory_space<hbm>>
    tpu.wait_indirect_dma semaphore(%arg7 : memref<!tpu.dma_semaphore, #tpu.memory_space<semaphore_mem>>) src(%dma_wait3A_6 : memref<8192x768xf32, #tpu.memory_space<hbm>>) dst(%arg6 : memref<128x768xf32, #tpu.memory_space<vmem>>)
    "tpu.region"() ({
      %run_scoped3A = tpu.sem_alloc : memref<!tpu.dma_semaphore, #tpu.memory_space<semaphore_mem>>
      %dma_start3A_7 = arith.constant 0 : i32
      %dma_start3A_8 = tpu.memref_slice %arg4[%mul3A_2, %dma_start3A_7] : memref<4096x768xf32, #tpu.memory_space<hbm>> -> memref<128x768xf32, #tpu.memory_space<hbm>>
      %dma_start3A_9 = arith.constant 0 : i32
      %dma_start3A_10 = tpu.memref_slice %arg4[%mul3A_2, %dma_start3A_9] : memref<4096x768xf32, #tpu.memory_space<hbm>> -> memref<128x768xf32, #tpu.memory_space<hbm>>
      tpu.enqueue_dma source(%arg6 : memref<128x768xf32, #tpu.memory_space<vmem>>) target(%dma_start3A_10 : memref<128x768xf32, #tpu.memory_space<hbm>>) target_semaphore(%run_scoped3A : memref<!tpu.dma_semaphore, #tpu.memory_space<semaphore_mem>>)
      %dma_wait3A_11 = arith.constant 0 : i32
      %dma_wait3A_12 = tpu.memref_slice %arg4[%mul3A_2, %dma_wait3A_11] : memref<4096x768xf32, #tpu.memory_space<hbm>> -> memref<128x768xf32, #tpu.memory_space<hbm>>
      %dma_wait3A_13 = arith.constant 0 : i32
      %dma_wait3A_14 = tpu.memref_slice %arg4[%mul3A_2, %dma_wait3A_13] : memref<4096x768xf32, #tpu.memory_space<hbm>> -> memref<128x768xf32, #tpu.memory_space<hbm>>
      tpu.wait_dma2 semaphore(%run_scoped3A : memref<!tpu.dma_semaphore, #tpu.memory_space<semaphore_mem>>) src(%arg6 : memref<128x768xf32, #tpu.memory_space<vmem>>) dst(%dma_wait3A_14 : memref<128x768xf32, #tpu.memory_space<hbm>>)
      tpu.yield
    }) : () -> ()
    return
  }
}

module attributes {stable_mosaic.version = 14 : i64} {
  func.func @_match_body(%arg0: i32, %arg1: memref<1024x768xbf16, #tpu.memory_space<vmem>>, %arg2: memref<4096x768xbf16, #tpu.memory_space<vmem>>, %arg3: memref<1024x1xf32, #tpu.memory_space<vmem>>, %arg4: memref<1024x1xi32, #tpu.memory_space<vmem>>) attributes {dimension_semantics = [#tpu.dimension_semantics<arbitrary>], iteration_bounds = array<i64: 2>, scalar_prefetch = 0 : i64, scratch_operands = 0 : i64, tpu.core_type = #tpu.core_type<tc>, window_params = [{pipeline_mode = #tpu.pipeline_mode<synchronous>, transform_indices = @transform_0, window_bounds = array<i64: 1024, 768>}, {transform_indices = @transform_1, window_bounds = array<i64: 4096, 768>}, {pipeline_mode = #tpu.pipeline_mode<synchronous>, transform_indices = @transform_2, window_bounds = array<i64: 1024, 1>}, {pipeline_mode = #tpu.pipeline_mode<synchronous>, transform_indices = @transform_3, window_bounds = array<i64: 1024, 1>}]} {
    %get3A = arith.constant 0 : index
    %get3A_0 = arith.constant 0 : index
    %get3A_1 = vector.load %arg1[%get3A, %get3A_0] : memref<1024x768xbf16, #tpu.memory_space<vmem>>, vector<1024x768xbf16>
    %get3A_2 = arith.constant 0 : index
    %get3A_3 = arith.constant 0 : index
    %get3A_4 = vector.load %arg2[%get3A_2, %get3A_3] : memref<4096x768xbf16, #tpu.memory_space<vmem>>, vector<4096x768xbf16>
    %dot_general3A = arith.constant dense<0.000000e+00> : vector<1024x4096xf32>
    %dot_general3A_5 = tpu.matmul %get3A_1, %get3A_4, %dot_general3A {dimension_numbers = #tpu.dot_dimension_numbers<[1], [1], [0], [0], [0, 0, 1, 0], [], []>, transpose_lhs_hint = false} : vector<1024x768xbf16>, vector<4096x768xbf16>, vector<1024x4096xf32> -> vector<1024x4096xf32>
    %mul3A = arith.constant 4096 : i32
    %mul3A_6 = arith.muli %arg0, %mul3A : i32
    %iota3A = tpu.iota {dimensions = array<i32: 1>} : vector<1024x4096xi32>
    %reduce_max3A = arith.constant dense<0xFF800000> : vector<1024xf32>
    %reduce_max3A_7 = vector.multi_reduction <maximumf>, %dot_general3A_5, %reduce_max3A [1] : vector<1024x4096xf32> to vector<1024xf32>
    %broadcast_in_dim3A = vector.shape_cast %reduce_max3A_7 : vector<1024xf32> to vector<1024x1xf32>
    %eq3A = vector.broadcast %broadcast_in_dim3A : vector<1024x1xf32> to vector<1024x4096xf32>
    %eq3A_8 = arith.cmpf oeq, %dot_general3A_5, %eq3A : vector<1024x4096xf32>
    %jit3A = arith.constant 4096 : i32
    %broadcast_in_dim3A_9 = vector.broadcast %jit3A : i32 to vector<1024x4096xi32>
    %select_n3A = arith.select %eq3A_8, %iota3A, %broadcast_in_dim3A_9 : vector<1024x4096xi1>, vector<1024x4096xi32>
    %reduce_min3A = arith.constant dense<2147483647> : vector<1024xi32>
    %reduce_min3A_10 = vector.multi_reduction <minsi>, %select_n3A, %reduce_min3A [1] : vector<1024x4096xi32> to vector<1024xi32>
    %broadcast_in_dim3A_11 = vector.shape_cast %reduce_min3A_10 : vector<1024xi32> to vector<1024x1xi32>
    %add3A = vector.broadcast %mul3A_6 : i32 to vector<1024x1xi32>
    %add3A_12 = arith.addi %broadcast_in_dim3A_11, %add3A : vector<1024x1xi32>
    %eq3A_13 = arith.constant 0 : i32
    %eq3A_14 = arith.cmpi eq, %arg0, %eq3A_13 : i32
    %convert_element_type3A = arith.extui %eq3A_14 : i1 to i32
    %cond3A = arith.constant 0 : i32
    %cond3A_15 = arith.cmpi ne, %convert_element_type3A, %cond3A : i32
    scf.if %cond3A_15 {
      %swap3A = arith.constant 0 : index
      %swap3A_20 = arith.constant 0 : index
      %swap3A_21 = vector.load %arg3[%swap3A, %swap3A_20] : memref<1024x1xf32, #tpu.memory_space<vmem>>, vector<1024x1xf32>
      tpu.vector_store %arg3[%swap3A, %swap3A_20], %broadcast_in_dim3A {strides = array<i32>} : memref<1024x1xf32, #tpu.memory_space<vmem>>, vector<1024x1xf32>,
      %swap3A_22 = arith.constant 0 : index
      %swap3A_23 = arith.constant 0 : index
      %swap3A_24 = vector.load %arg4[%swap3A_22, %swap3A_23] : memref<1024x1xi32, #tpu.memory_space<vmem>>, vector<1024x1xi32>
      tpu.vector_store %arg4[%swap3A_22, %swap3A_23], %add3A_12 {strides = array<i32>} : memref<1024x1xi32, #tpu.memory_space<vmem>>, vector<1024x1xi32>,
    } else {
    }
    %gt3A = arith.constant 0 : i32
    %gt3A_16 = arith.cmpi sgt, %arg0, %gt3A : i32
    %convert_element_type3A_17 = arith.extui %gt3A_16 : i1 to i32
    %cond3A_18 = arith.constant 0 : i32
    %cond3A_19 = arith.cmpi ne, %convert_element_type3A_17, %cond3A_18 : i32
    scf.if %cond3A_19 {
      %get3A_20 = arith.constant 0 : index
      %get3A_21 = arith.constant 0 : index
      %get3A_22 = vector.load %arg3[%get3A_20, %get3A_21] : memref<1024x1xf32, #tpu.memory_space<vmem>>, vector<1024x1xf32>
      %gt3A_23 = arith.cmpf ogt, %broadcast_in_dim3A, %get3A_22 : vector<1024x1xf32>
      %select_n3A_24 = arith.select %gt3A_23, %broadcast_in_dim3A, %get3A_22 : vector<1024x1xi1>, vector<1024x1xf32>
      %swap3A = arith.constant 0 : index
      %swap3A_25 = arith.constant 0 : index
      %swap3A_26 = vector.load %arg3[%swap3A, %swap3A_25] : memref<1024x1xf32, #tpu.memory_space<vmem>>, vector<1024x1xf32>
      tpu.vector_store %arg3[%swap3A, %swap3A_25], %select_n3A_24 {strides = array<i32>} : memref<1024x1xf32, #tpu.memory_space<vmem>>, vector<1024x1xf32>,
      %get3A_27 = arith.constant 0 : index
      %get3A_28 = arith.constant 0 : index
      %get3A_29 = vector.load %arg4[%get3A_27, %get3A_28] : memref<1024x1xi32, #tpu.memory_space<vmem>>, vector<1024x1xi32>
      %select_n3A_30 = arith.select %gt3A_23, %add3A_12, %get3A_29 : vector<1024x1xi1>, vector<1024x1xi32>
      %swap3A_31 = arith.constant 0 : index
      %swap3A_32 = arith.constant 0 : index
      %swap3A_33 = vector.load %arg4[%swap3A_31, %swap3A_32] : memref<1024x1xi32, #tpu.memory_space<vmem>>, vector<1024x1xi32>
      tpu.vector_store %arg4[%swap3A_31, %swap3A_32], %select_n3A_30 {strides = array<i32>} : memref<1024x1xi32, #tpu.memory_space<vmem>>, vector<1024x1xi32>,
    } else {
    }
    return
  }
  func.func @transform_0(%arg0: i32) -> (i32, i32) {
    %c0_i32 = arith.constant 0 : i32
    %c0_i32_0 = arith.constant 0 : i32
    %c0_i32_1 = arith.constant 0 : i32
    return %c0_i32, %c0_i32_0 : i32, i32
  }
  func.func @transform_1(%arg0: i32) -> (i32, i32) {
    %c0_i32 = arith.constant 0 : i32
    %c0_i32_0 = arith.constant 0 : i32
    return %arg0, %c0_i32 : i32, i32
  }
  func.func @transform_2(%arg0: i32) -> (i32, i32) {
    %c0_i32 = arith.constant 0 : i32
    %c0_i32_0 = arith.constant 0 : i32
    %c0_i32_1 = arith.constant 0 : i32
    return %c0_i32, %c0_i32_0 : i32, i32
  }
  func.func @transform_3(%arg0: i32) -> (i32, i32) {
    %c0_i32 = arith.constant 0 : i32
    %c0_i32_0 = arith.constant 0 : i32
    %c0_i32_1 = arith.constant 0 : i32
    return %c0_i32, %c0_i32_0 : i32, i32
  }
}

module attributes {stable_mosaic.version = 14 : i64} {
  func.func @_update_body(%arg0: i32, %arg1: memref<256x768xf32, #tpu.memory_space<vmem>>, %arg2: memref<256x4xf32, #tpu.memory_space<vmem>>, %arg3: memref<256x4xf32, #tpu.memory_space<vmem>>, %arg4: memref<256x768xbf16, #tpu.memory_space<vmem>>, %arg5: memref<256x768xbf16, #tpu.memory_space<vmem>>, %arg6: memref<256x4xf32, #tpu.memory_space<vmem>>, %arg7: memref<256x4xf32, #tpu.memory_space<vmem>>) attributes {dimension_semantics = [#tpu.dimension_semantics<arbitrary>], iteration_bounds = array<i64: 4>, scalar_prefetch = 0 : i64, scratch_operands = 0 : i64, tpu.core_type = #tpu.core_type<tc>, window_params = [{transform_indices = @transform_0, window_bounds = array<i64: 256, 768>}, {transform_indices = @transform_1, window_bounds = array<i64: 256, 4>}, {transform_indices = @transform_2, window_bounds = array<i64: 256, 4>}, {transform_indices = @transform_3, window_bounds = array<i64: 256, 768>}, {transform_indices = @transform_4, window_bounds = array<i64: 256, 768>}, {transform_indices = @transform_5, window_bounds = array<i64: 256, 4>}, {transform_indices = @transform_6, window_bounds = array<i64: 256, 4>}]} {
    %get3A = arith.constant 0 : index
    %get3A_0 = arith.constant 0 : index
    %get3A_1 = vector.load %arg1[%get3A, %get3A_0] : memref<256x768xf32, #tpu.memory_space<vmem>>, vector<256x768xf32>
    %get3A_2 = arith.constant 0 : index
    %get3A_3 = arith.constant 0 : index
    %get3A_4 = vector.load %arg2[%get3A_2, %get3A_3] : memref<256x4xf32, #tpu.memory_space<vmem>>, vector<256x4xf32>
    %get3A_5 = arith.constant 0 : index
    %get3A_6 = arith.constant 0 : index
    %get3A_7 = vector.load %arg3[%get3A_5, %get3A_6] : memref<256x4xf32, #tpu.memory_space<vmem>>, vector<256x4xf32>
    %get3A_8 = arith.constant 0 : index
    %get3A_9 = arith.constant 0 : index
    %get3A_10 = vector.load %arg4[%get3A_8, %get3A_9] : memref<256x768xbf16, #tpu.memory_space<vmem>>, vector<256x768xbf16>
    %convert_element_type3A = arith.extf %get3A_10 : vector<256x768xbf16> to vector<256x768xf32>
    %broadcast_in_dim3A = arith.constant 0.000000e+00 : f32
    %broadcast_in_dim3A_11 = vector.broadcast %broadcast_in_dim3A : f32 to vector<256x768xf32>
    %broadcast_in_dim3A_12 = arith.constant 0.000000e+00 : f32
    %broadcast_in_dim3A_13 = vector.broadcast %broadcast_in_dim3A_12 : f32 to vector<256x768xf32>
    %slice3A = vector.extract_strided_slice %get3A_4 {offsets = [0, 0], sizes = [256, 1], strides = [1, 1]} : vector<256x4xf32> to vector<256x1xf32>
    %convert_element_type3A_14 = arith.truncf %slice3A : vector<256x1xf32> to vector<256x1xbf16>
    %convert_element_type3A_15 = arith.extf %convert_element_type3A_14 : vector<256x1xbf16> to vector<256x1xf32>
    %mul3A = vector.broadcast %convert_element_type3A_15 : vector<256x1xf32> to vector<256x768xf32>
    %mul3A_16 = arith.mulf %mul3A, %convert_element_type3A : vector<256x768xf32>
    %add3A = arith.addf %broadcast_in_dim3A_11, %mul3A_16 : vector<256x768xf32>
    %slice3A_17 = vector.extract_strided_slice %get3A_7 {offsets = [0, 0], sizes = [256, 1], strides = [1, 1]} : vector<256x4xf32> to vector<256x1xf32>
    %convert_element_type3A_18 = arith.truncf %slice3A_17 : vector<256x1xf32> to vector<256x1xbf16>
    %convert_element_type3A_19 = arith.extf %convert_element_type3A_18 : vector<256x1xbf16> to vector<256x1xf32>
    %mul3A_20 = vector.broadcast %convert_element_type3A_19 : vector<256x1xf32> to vector<256x768xf32>
    %mul3A_21 = arith.mulf %mul3A_20, %convert_element_type3A : vector<256x768xf32>
    %add3A_22 = arith.addf %broadcast_in_dim3A_13, %mul3A_21 : vector<256x768xf32>
    %sub3A = arith.subf %get3A_1, %add3A_22 : vector<256x768xf32>
    %mul3A_23 = arith.mulf %add3A, %add3A : vector<256x768xf32>
    %reduce_sum3A = arith.constant dense<0.000000e+00> : vector<256xf32>
    %reduce_sum3A_24 = vector.multi_reduction <add>, %mul3A_23, %reduce_sum3A [1] : vector<256x768xf32> to vector<256xf32>
    %broadcast_in_dim3A_25 = vector.shape_cast %reduce_sum3A_24 : vector<256xf32> to vector<256x1xf32>
    %mul3A_26 = arith.mulf %add3A, %sub3A : vector<256x768xf32>
    %reduce_sum3A_27 = arith.constant dense<0.000000e+00> : vector<256xf32>
    %reduce_sum3A_28 = vector.multi_reduction <add>, %mul3A_26, %reduce_sum3A_27 [1] : vector<256x768xf32> to vector<256xf32>
    %broadcast_in_dim3A_29 = vector.shape_cast %reduce_sum3A_28 : vector<256xf32> to vector<256x1xf32>
    %max3A = arith.constant 1.000000e-03 : f32
    %max3A_30 = vector.broadcast %max3A : f32 to vector<256x1xf32>
    %max3A_31 = arith.maximumf %broadcast_in_dim3A_25, %max3A_30 : vector<256x1xf32>
    %div3A = arith.divf %broadcast_in_dim3A_29, %max3A_31 : vector<256x1xf32>
    %mul3A_32 = vector.broadcast %div3A : vector<256x1xf32> to vector<256x4xf32>
    %mul3A_33 = arith.mulf %mul3A_32, %get3A_4 : vector<256x4xf32>
    %add3A_34 = arith.addf %get3A_7, %mul3A_33 : vector<256x4xf32>
    %max3A_35 = arith.constant 0.000000e+00 : f32
    %max3A_36 = vector.broadcast %max3A_35 : f32 to vector<256x4xf32>
    %max3A_37 = arith.maximumf %add3A_34, %max3A_36 : vector<256x4xf32>
    %broadcast_in_dim3A_38 = arith.constant 0.000000e+00 : f32
    %broadcast_in_dim3A_39 = vector.broadcast %broadcast_in_dim3A_38 : f32 to vector<256x768xf32>
    %slice3A_40 = vector.extract_strided_slice %max3A_37 {offsets = [0, 0], sizes = [256, 1], strides = [1, 1]} : vector<256x4xf32> to vector<256x1xf32>
    %convert_element_type3A_41 = arith.truncf %slice3A_40 : vector<256x1xf32> to vector<256x1xbf16>
    %convert_element_type3A_42 = arith.extf %convert_element_type3A_41 : vector<256x1xbf16> to vector<256x1xf32>
    %mul3A_43 = vector.broadcast %convert_element_type3A_42 : vector<256x1xf32> to vector<256x768xf32>
    %mul3A_44 = arith.mulf %mul3A_43, %convert_element_type3A : vector<256x768xf32>
    %add3A_45 = arith.addf %broadcast_in_dim3A_39, %mul3A_44 : vector<256x768xf32>
    %sub3A_46 = arith.subf %get3A_1, %add3A_45 : vector<256x768xf32>
    %convert_element_type3A_47 = arith.truncf %sub3A_46 : vector<256x768xf32> to vector<256x768xbf16>
    %swap3A = arith.constant 0 : index
    %swap3A_48 = arith.constant 0 : index
    %swap3A_49 = vector.load %arg5[%swap3A, %swap3A_48] : memref<256x768xbf16, #tpu.memory_space<vmem>>, vector<256x768xbf16>
    tpu.vector_store %arg5[%swap3A, %swap3A_48], %convert_element_type3A_47 {strides = array<i32>} : memref<256x768xbf16, #tpu.memory_space<vmem>>, vector<256x768xbf16>,
    %swap3A_50 = arith.constant 0 : index
    %swap3A_51 = arith.constant 0 : index
    %swap3A_52 = vector.load %arg6[%swap3A_50, %swap3A_51] : memref<256x4xf32, #tpu.memory_space<vmem>>, vector<256x4xf32>
    tpu.vector_store %arg6[%swap3A_50, %swap3A_51], %max3A_37 {strides = array<i32>} : memref<256x4xf32, #tpu.memory_space<vmem>>, vector<256x4xf32>,
    %convert_element_type3A_53 = arith.extf %convert_element_type3A_47 : vector<256x768xbf16> to vector<256x768xf32>
    %mul3A_54 = arith.mulf %convert_element_type3A_53, %convert_element_type3A : vector<256x768xf32>
    %reduce_sum3A_55 = arith.constant dense<0.000000e+00> : vector<256xf32>
    %reduce_sum3A_56 = vector.multi_reduction <add>, %mul3A_54, %reduce_sum3A_55 [1] : vector<256x768xf32> to vector<256xf32>
    %broadcast_in_dim3A_57 = vector.shape_cast %reduce_sum3A_56 : vector<256xf32> to vector<256x1xf32>
    %broadcast_in_dim3A_58 = arith.constant 0.000000e+00 : f32
    %broadcast_in_dim3A_59 = vector.broadcast %broadcast_in_dim3A_58 : f32 to vector<256x1xf32>
    %concatenate3A = tpu.concatenate %broadcast_in_dim3A_57, %broadcast_in_dim3A_59, %broadcast_in_dim3A_59, %broadcast_in_dim3A_59 in 1 : vector<256x1xf32>, vector<256x1xf32>, vector<256x1xf32>, vector<256x1xf32> -> vector<256x4xf32>
    %swap3A_60 = arith.constant 0 : index
    %swap3A_61 = arith.constant 0 : index
    %swap3A_62 = vector.load %arg7[%swap3A_60, %swap3A_61] : memref<256x4xf32, #tpu.memory_space<vmem>>, vector<256x4xf32>
    tpu.vector_store %arg7[%swap3A_60, %swap3A_61], %concatenate3A {strides = array<i32>} : memref<256x4xf32, #tpu.memory_space<vmem>>, vector<256x4xf32>,
    return
  }
  func.func @transform_0(%arg0: i32) -> (i32, i32) {
    %c0_i32 = arith.constant 0 : i32
    %c0_i32_0 = arith.constant 0 : i32
    return %arg0, %c0_i32 : i32, i32
  }
  func.func @transform_1(%arg0: i32) -> (i32, i32) {
    %c0_i32 = arith.constant 0 : i32
    %c0_i32_0 = arith.constant 0 : i32
    return %arg0, %c0_i32 : i32, i32
  }
  func.func @transform_2(%arg0: i32) -> (i32, i32) {
    %c0_i32 = arith.constant 0 : i32
    %c0_i32_0 = arith.constant 0 : i32
    return %arg0, %c0_i32 : i32, i32
  }
  func.func @transform_3(%arg0: i32) -> (i32, i32) {
    %c0_i32 = arith.constant 0 : i32
    %c0_i32_0 = arith.constant 0 : i32
    return %arg0, %c0_i32 : i32, i32
  }
  func.func @transform_4(%arg0: i32) -> (i32, i32) {
    %c0_i32 = arith.constant 0 : i32
    %c0_i32_0 = arith.constant 0 : i32
    return %arg0, %c0_i32 : i32, i32
  }
  func.func @transform_5(%arg0: i32) -> (i32, i32) {
    %c0_i32 = arith.constant 0 : i32
    %c0_i32_0 = arith.constant 0 : i32
    return %arg0, %c0_i32 : i32, i32
  }
  func.func @transform_6(%arg0: i32) -> (i32, i32) {
    %c0_i32 = arith.constant 0 : i32
    %c0_i32_0 = arith.constant 0 : i32
    return %arg0, %c0_i32 : i32, i32
  }
}

module attributes {stable_mosaic.version = 14 : i64} {
  func.func @_update_body(%arg0: i32, %arg1: memref<256x768xf32, #tpu.memory_space<vmem>>, %arg2: memref<256x4xf32, #tpu.memory_space<vmem>>, %arg3: memref<256x4xf32, #tpu.memory_space<vmem>>, %arg4: memref<256x768xbf16, #tpu.memory_space<vmem>>, %arg5: memref<256x768xbf16, #tpu.memory_space<vmem>>, %arg6: memref<256x768xbf16, #tpu.memory_space<vmem>>, %arg7: memref<256x4xf32, #tpu.memory_space<vmem>>, %arg8: memref<256x4xf32, #tpu.memory_space<vmem>>) attributes {dimension_semantics = [#tpu.dimension_semantics<arbitrary>], iteration_bounds = array<i64: 4>, scalar_prefetch = 0 : i64, scratch_operands = 0 : i64, tpu.core_type = #tpu.core_type<tc>, window_params = [{transform_indices = @transform_0, window_bounds = array<i64: 256, 768>}, {transform_indices = @transform_1, window_bounds = array<i64: 256, 4>}, {transform_indices = @transform_2, window_bounds = array<i64: 256, 4>}, {transform_indices = @transform_3, window_bounds = array<i64: 256, 768>}, {transform_indices = @transform_4, window_bounds = array<i64: 256, 768>}, {transform_indices = @transform_5, window_bounds = array<i64: 256, 768>}, {transform_indices = @transform_6, window_bounds = array<i64: 256, 4>}, {transform_indices = @transform_7, window_bounds = array<i64: 256, 4>}]} {
    %get3A = arith.constant 0 : index
    %get3A_0 = arith.constant 0 : index
    %get3A_1 = vector.load %arg1[%get3A, %get3A_0] : memref<256x768xf32, #tpu.memory_space<vmem>>, vector<256x768xf32>
    %get3A_2 = arith.constant 0 : index
    %get3A_3 = arith.constant 0 : index
    %get3A_4 = vector.load %arg2[%get3A_2, %get3A_3] : memref<256x4xf32, #tpu.memory_space<vmem>>, vector<256x4xf32>
    %get3A_5 = arith.constant 0 : index
    %get3A_6 = arith.constant 0 : index
    %get3A_7 = vector.load %arg3[%get3A_5, %get3A_6] : memref<256x4xf32, #tpu.memory_space<vmem>>, vector<256x4xf32>
    %get3A_8 = arith.constant 0 : index
    %get3A_9 = arith.constant 0 : index
    %get3A_10 = vector.load %arg4[%get3A_8, %get3A_9] : memref<256x768xbf16, #tpu.memory_space<vmem>>, vector<256x768xbf16>
    %convert_element_type3A = arith.extf %get3A_10 : vector<256x768xbf16> to vector<256x768xf32>
    %get3A_11 = arith.constant 0 : index
    %get3A_12 = arith.constant 0 : index
    %get3A_13 = vector.load %arg5[%get3A_11, %get3A_12] : memref<256x768xbf16, #tpu.memory_space<vmem>>, vector<256x768xbf16>
    %convert_element_type3A_14 = arith.extf %get3A_13 : vector<256x768xbf16> to vector<256x768xf32>
    %broadcast_in_dim3A = arith.constant 0.000000e+00 : f32
    %broadcast_in_dim3A_15 = vector.broadcast %broadcast_in_dim3A : f32 to vector<256x768xf32>
    %broadcast_in_dim3A_16 = arith.constant 0.000000e+00 : f32
    %broadcast_in_dim3A_17 = vector.broadcast %broadcast_in_dim3A_16 : f32 to vector<256x768xf32>
    %slice3A = vector.extract_strided_slice %get3A_4 {offsets = [0, 0], sizes = [256, 1], strides = [1, 1]} : vector<256x4xf32> to vector<256x1xf32>
    %convert_element_type3A_18 = arith.truncf %slice3A : vector<256x1xf32> to vector<256x1xbf16>
    %convert_element_type3A_19 = arith.extf %convert_element_type3A_18 : vector<256x1xbf16> to vector<256x1xf32>
    %mul3A = vector.broadcast %convert_element_type3A_19 : vector<256x1xf32> to vector<256x768xf32>
    %mul3A_20 = arith.mulf %mul3A, %convert_element_type3A : vector<256x768xf32>
    %add3A = arith.addf %broadcast_in_dim3A_15, %mul3A_20 : vector<256x768xf32>
    %slice3A_21 = vector.extract_strided_slice %get3A_7 {offsets = [0, 0], sizes = [256, 1], strides = [1, 1]} : vector<256x4xf32> to vector<256x1xf32>
    %convert_element_type3A_22 = arith.truncf %slice3A_21 : vector<256x1xf32> to vector<256x1xbf16>
    %convert_element_type3A_23 = arith.extf %convert_element_type3A_22 : vector<256x1xbf16> to vector<256x1xf32>
    %mul3A_24 = vector.broadcast %convert_element_type3A_23 : vector<256x1xf32> to vector<256x768xf32>
    %mul3A_25 = arith.mulf %mul3A_24, %convert_element_type3A : vector<256x768xf32>
    %add3A_26 = arith.addf %broadcast_in_dim3A_17, %mul3A_25 : vector<256x768xf32>
    %slice3A_27 = vector.extract_strided_slice %get3A_4 {offsets = [0, 1], sizes = [256, 1], strides = [1, 1]} : vector<256x4xf32> to vector<256x1xf32>
    %convert_element_type3A_28 = arith.truncf %slice3A_27 : vector<256x1xf32> to vector<256x1xbf16>
    %convert_element_type3A_29 = arith.extf %convert_element_type3A_28 : vector<256x1xbf16> to vector<256x1xf32>
    %mul3A_30 = vector.broadcast %convert_element_type3A_29 : vector<256x1xf32> to vector<256x768xf32>
    %mul3A_31 = arith.mulf %mul3A_30, %convert_element_type3A_14 : vector<256x768xf32>
    %add3A_32 = arith.addf %add3A, %mul3A_31 : vector<256x768xf32>
    %slice3A_33 = vector.extract_strided_slice %get3A_7 {offsets = [0, 1], sizes = [256, 1], strides = [1, 1]} : vector<256x4xf32> to vector<256x1xf32>
    %convert_element_type3A_34 = arith.truncf %slice3A_33 : vector<256x1xf32> to vector<256x1xbf16>
    %convert_element_type3A_35 = arith.extf %convert_element_type3A_34 : vector<256x1xbf16> to vector<256x1xf32>
    %mul3A_36 = vector.broadcast %convert_element_type3A_35 : vector<256x1xf32> to vector<256x768xf32>
    %mul3A_37 = arith.mulf %mul3A_36, %convert_element_type3A_14 : vector<256x768xf32>
    %add3A_38 = arith.addf %add3A_26, %mul3A_37 : vector<256x768xf32>
    %sub3A = arith.subf %get3A_1, %add3A_38 : vector<256x768xf32>
    %mul3A_39 = arith.mulf %add3A_32, %add3A_32 : vector<256x768xf32>
    %reduce_sum3A = arith.constant dense<0.000000e+00> : vector<256xf32>
    %reduce_sum3A_40 = vector.multi_reduction <add>, %mul3A_39, %reduce_sum3A [1] : vector<256x768xf32> to vector<256xf32>
    %broadcast_in_dim3A_41 = vector.shape_cast %reduce_sum3A_40 : vector<256xf32> to vector<256x1xf32>
    %mul3A_42 = arith.mulf %add3A_32, %sub3A : vector<256x768xf32>
    %reduce_sum3A_43 = arith.constant dense<0.000000e+00> : vector<256xf32>
    %reduce_sum3A_44 = vector.multi_reduction <add>, %mul3A_42, %reduce_sum3A_43 [1] : vector<256x768xf32> to vector<256xf32>
    %broadcast_in_dim3A_45 = vector.shape_cast %reduce_sum3A_44 : vector<256xf32> to vector<256x1xf32>
    %max3A = arith.constant 1.000000e-03 : f32
    %max3A_46 = vector.broadcast %max3A : f32 to vector<256x1xf32>
    %max3A_47 = arith.maximumf %broadcast_in_dim3A_41, %max3A_46 : vector<256x1xf32>
    %div3A = arith.divf %broadcast_in_dim3A_45, %max3A_47 : vector<256x1xf32>
    %mul3A_48 = vector.broadcast %div3A : vector<256x1xf32> to vector<256x4xf32>
    %mul3A_49 = arith.mulf %mul3A_48, %get3A_4 : vector<256x4xf32>
    %add3A_50 = arith.addf %get3A_7, %mul3A_49 : vector<256x4xf32>
    %max3A_51 = arith.constant 0.000000e+00 : f32
    %max3A_52 = vector.broadcast %max3A_51 : f32 to vector<256x4xf32>
    %max3A_53 = arith.maximumf %add3A_50, %max3A_52 : vector<256x4xf32>
    %broadcast_in_dim3A_54 = arith.constant 0.000000e+00 : f32
    %broadcast_in_dim3A_55 = vector.broadcast %broadcast_in_dim3A_54 : f32 to vector<256x768xf32>
    %slice3A_56 = vector.extract_strided_slice %max3A_53 {offsets = [0, 0], sizes = [256, 1], strides = [1, 1]} : vector<256x4xf32> to vector<256x1xf32>
    %convert_element_type3A_57 = arith.truncf %slice3A_56 : vector<256x1xf32> to vector<256x1xbf16>
    %convert_element_type3A_58 = arith.extf %convert_element_type3A_57 : vector<256x1xbf16> to vector<256x1xf32>
    %mul3A_59 = vector.broadcast %convert_element_type3A_58 : vector<256x1xf32> to vector<256x768xf32>
    %mul3A_60 = arith.mulf %mul3A_59, %convert_element_type3A : vector<256x768xf32>
    %add3A_61 = arith.addf %broadcast_in_dim3A_55, %mul3A_60 : vector<256x768xf32>
    %slice3A_62 = vector.extract_strided_slice %max3A_53 {offsets = [0, 1], sizes = [256, 1], strides = [1, 1]} : vector<256x4xf32> to vector<256x1xf32>
    %convert_element_type3A_63 = arith.truncf %slice3A_62 : vector<256x1xf32> to vector<256x1xbf16>
    %convert_element_type3A_64 = arith.extf %convert_element_type3A_63 : vector<256x1xbf16> to vector<256x1xf32>
    %mul3A_65 = vector.broadcast %convert_element_type3A_64 : vector<256x1xf32> to vector<256x768xf32>
    %mul3A_66 = arith.mulf %mul3A_65, %convert_element_type3A_14 : vector<256x768xf32>
    %add3A_67 = arith.addf %add3A_61, %mul3A_66 : vector<256x768xf32>
    %sub3A_68 = arith.subf %get3A_1, %add3A_67 : vector<256x768xf32>
    %convert_element_type3A_69 = arith.truncf %sub3A_68 : vector<256x768xf32> to vector<256x768xbf16>
    %swap3A = arith.constant 0 : index
    %swap3A_70 = arith.constant 0 : index
    %swap3A_71 = vector.load %arg6[%swap3A, %swap3A_70] : memref<256x768xbf16, #tpu.memory_space<vmem>>, vector<256x768xbf16>
    tpu.vector_store %arg6[%swap3A, %swap3A_70], %convert_element_type3A_69 {strides = array<i32>} : memref<256x768xbf16, #tpu.memory_space<vmem>>, vector<256x768xbf16>,
    %swap3A_72 = arith.constant 0 : index
    %swap3A_73 = arith.constant 0 : index
    %swap3A_74 = vector.load %arg7[%swap3A_72, %swap3A_73] : memref<256x4xf32, #tpu.memory_space<vmem>>, vector<256x4xf32>
    tpu.vector_store %arg7[%swap3A_72, %swap3A_73], %max3A_53 {strides = array<i32>} : memref<256x4xf32, #tpu.memory_space<vmem>>, vector<256x4xf32>,
    %convert_element_type3A_75 = arith.extf %convert_element_type3A_69 : vector<256x768xbf16> to vector<256x768xf32>
    %mul3A_76 = arith.mulf %convert_element_type3A_75, %convert_element_type3A : vector<256x768xf32>
    %reduce_sum3A_77 = arith.constant dense<0.000000e+00> : vector<256xf32>
    %reduce_sum3A_78 = vector.multi_reduction <add>, %mul3A_76, %reduce_sum3A_77 [1] : vector<256x768xf32> to vector<256xf32>
    %broadcast_in_dim3A_79 = vector.shape_cast %reduce_sum3A_78 : vector<256xf32> to vector<256x1xf32>
    %mul3A_80 = arith.mulf %convert_element_type3A_75, %convert_element_type3A_14 : vector<256x768xf32>
    %reduce_sum3A_81 = arith.constant dense<0.000000e+00> : vector<256xf32>
    %reduce_sum3A_82 = vector.multi_reduction <add>, %mul3A_80, %reduce_sum3A_81 [1] : vector<256x768xf32> to vector<256xf32>
    %broadcast_in_dim3A_83 = vector.shape_cast %reduce_sum3A_82 : vector<256xf32> to vector<256x1xf32>
    %broadcast_in_dim3A_84 = arith.constant 0.000000e+00 : f32
    %broadcast_in_dim3A_85 = vector.broadcast %broadcast_in_dim3A_84 : f32 to vector<256x1xf32>
    %concatenate3A = tpu.concatenate %broadcast_in_dim3A_79, %broadcast_in_dim3A_83, %broadcast_in_dim3A_85, %broadcast_in_dim3A_85 in 1 : vector<256x1xf32>, vector<256x1xf32>, vector<256x1xf32>, vector<256x1xf32> -> vector<256x4xf32>
    %swap3A_86 = arith.constant 0 : index
    %swap3A_87 = arith.constant 0 : index
    %swap3A_88 = vector.load %arg8[%swap3A_86, %swap3A_87] : memref<256x4xf32, #tpu.memory_space<vmem>>, vector<256x4xf32>
    tpu.vector_store %arg8[%swap3A_86, %swap3A_87], %concatenate3A {strides = array<i32>} : memref<256x4xf32, #tpu.memory_space<vmem>>, vector<256x4xf32>,
    return
  }
  func.func @transform_0(%arg0: i32) -> (i32, i32) {
    %c0_i32 = arith.constant 0 : i32
    %c0_i32_0 = arith.constant 0 : i32
    return %arg0, %c0_i32 : i32, i32
  }
  func.func @transform_1(%arg0: i32) -> (i32, i32) {
    %c0_i32 = arith.constant 0 : i32
    %c0_i32_0 = arith.constant 0 : i32
    return %arg0, %c0_i32 : i32, i32
  }
  func.func @transform_2(%arg0: i32) -> (i32, i32) {
    %c0_i32 = arith.constant 0 : i32
    %c0_i32_0 = arith.constant 0 : i32
    return %arg0, %c0_i32 : i32, i32
  }
  func.func @transform_3(%arg0: i32) -> (i32, i32) {
    %c0_i32 = arith.constant 0 : i32
    %c0_i32_0 = arith.constant 0 : i32
    return %arg0, %c0_i32 : i32, i32
  }
  func.func @transform_4(%arg0: i32) -> (i32, i32) {
    %c0_i32 = arith.constant 0 : i32
    %c0_i32_0 = arith.constant 0 : i32
    return %arg0, %c0_i32 : i32, i32
  }
  func.func @transform_5(%arg0: i32) -> (i32, i32) {
    %c0_i32 = arith.constant 0 : i32
    %c0_i32_0 = arith.constant 0 : i32
    return %arg0, %c0_i32 : i32, i32
  }
  func.func @transform_6(%arg0: i32) -> (i32, i32) {
    %c0_i32 = arith.constant 0 : i32
    %c0_i32_0 = arith.constant 0 : i32
    return %arg0, %c0_i32 : i32, i32
  }
  func.func @transform_7(%arg0: i32) -> (i32, i32) {
    %c0_i32 = arith.constant 0 : i32
    %c0_i32_0 = arith.constant 0 : i32
    return %arg0, %c0_i32 : i32, i32
  }
}

module attributes {stable_mosaic.version = 14 : i64} {
  func.func @_update_body(%arg0: i32, %arg1: memref<256x768xf32, #tpu.memory_space<vmem>>, %arg2: memref<256x4xf32, #tpu.memory_space<vmem>>, %arg3: memref<256x4xf32, #tpu.memory_space<vmem>>, %arg4: memref<256x768xbf16, #tpu.memory_space<vmem>>, %arg5: memref<256x768xbf16, #tpu.memory_space<vmem>>, %arg6: memref<256x768xbf16, #tpu.memory_space<vmem>>, %arg7: memref<256x768xbf16, #tpu.memory_space<vmem>>, %arg8: memref<256x4xf32, #tpu.memory_space<vmem>>, %arg9: memref<256x4xf32, #tpu.memory_space<vmem>>) attributes {dimension_semantics = [#tpu.dimension_semantics<arbitrary>], iteration_bounds = array<i64: 4>, scalar_prefetch = 0 : i64, scratch_operands = 0 : i64, tpu.core_type = #tpu.core_type<tc>, window_params = [{transform_indices = @transform_0, window_bounds = array<i64: 256, 768>}, {transform_indices = @transform_1, window_bounds = array<i64: 256, 4>}, {transform_indices = @transform_2, window_bounds = array<i64: 256, 4>}, {transform_indices = @transform_3, window_bounds = array<i64: 256, 768>}, {transform_indices = @transform_4, window_bounds = array<i64: 256, 768>}, {transform_indices = @transform_5, window_bounds = array<i64: 256, 768>}, {transform_indices = @transform_6, window_bounds = array<i64: 256, 768>}, {transform_indices = @transform_7, window_bounds = array<i64: 256, 4>}, {transform_indices = @transform_8, window_bounds = array<i64: 256, 4>}]} {
    %get3A = arith.constant 0 : index
    %get3A_0 = arith.constant 0 : index
    %get3A_1 = vector.load %arg1[%get3A, %get3A_0] : memref<256x768xf32, #tpu.memory_space<vmem>>, vector<256x768xf32>
    %get3A_2 = arith.constant 0 : index
    %get3A_3 = arith.constant 0 : index
    %get3A_4 = vector.load %arg2[%get3A_2, %get3A_3] : memref<256x4xf32, #tpu.memory_space<vmem>>, vector<256x4xf32>
    %get3A_5 = arith.constant 0 : index
    %get3A_6 = arith.constant 0 : index
    %get3A_7 = vector.load %arg3[%get3A_5, %get3A_6] : memref<256x4xf32, #tpu.memory_space<vmem>>, vector<256x4xf32>
    %get3A_8 = arith.constant 0 : index
    %get3A_9 = arith.constant 0 : index
    %get3A_10 = vector.load %arg4[%get3A_8, %get3A_9] : memref<256x768xbf16, #tpu.memory_space<vmem>>, vector<256x768xbf16>
    %convert_element_type3A = arith.extf %get3A_10 : vector<256x768xbf16> to vector<256x768xf32>
    %get3A_11 = arith.constant 0 : index
    %get3A_12 = arith.constant 0 : index
    %get3A_13 = vector.load %arg5[%get3A_11, %get3A_12] : memref<256x768xbf16, #tpu.memory_space<vmem>>, vector<256x768xbf16>
    %convert_element_type3A_14 = arith.extf %get3A_13 : vector<256x768xbf16> to vector<256x768xf32>
    %get3A_15 = arith.constant 0 : index
    %get3A_16 = arith.constant 0 : index
    %get3A_17 = vector.load %arg6[%get3A_15, %get3A_16] : memref<256x768xbf16, #tpu.memory_space<vmem>>, vector<256x768xbf16>
    %convert_element_type3A_18 = arith.extf %get3A_17 : vector<256x768xbf16> to vector<256x768xf32>
    %broadcast_in_dim3A = arith.constant 0.000000e+00 : f32
    %broadcast_in_dim3A_19 = vector.broadcast %broadcast_in_dim3A : f32 to vector<256x768xf32>
    %broadcast_in_dim3A_20 = arith.constant 0.000000e+00 : f32
    %broadcast_in_dim3A_21 = vector.broadcast %broadcast_in_dim3A_20 : f32 to vector<256x768xf32>
    %slice3A = vector.extract_strided_slice %get3A_4 {offsets = [0, 0], sizes = [256, 1], strides = [1, 1]} : vector<256x4xf32> to vector<256x1xf32>
    %convert_element_type3A_22 = arith.truncf %slice3A : vector<256x1xf32> to vector<256x1xbf16>
    %convert_element_type3A_23 = arith.extf %convert_element_type3A_22 : vector<256x1xbf16> to vector<256x1xf32>
    %mul3A = vector.broadcast %convert_element_type3A_23 : vector<256x1xf32> to vector<256x768xf32>
    %mul3A_24 = arith.mulf %mul3A, %convert_element_type3A : vector<256x768xf32>
    %add3A = arith.addf %broadcast_in_dim3A_19, %mul3A_24 : vector<256x768xf32>
    %slice3A_25 = vector.extract_strided_slice %get3A_7 {offsets = [0, 0], sizes = [256, 1], strides = [1, 1]} : vector<256x4xf32> to vector<256x1xf32>
    %convert_element_type3A_26 = arith.truncf %slice3A_25 : vector<256x1xf32> to vector<256x1xbf16>
    %convert_element_type3A_27 = arith.extf %convert_element_type3A_26 : vector<256x1xbf16> to vector<256x1xf32>
    %mul3A_28 = vector.broadcast %convert_element_type3A_27 : vector<256x1xf32> to vector<256x768xf32>
    %mul3A_29 = arith.mulf %mul3A_28, %convert_element_type3A : vector<256x768xf32>
    %add3A_30 = arith.addf %broadcast_in_dim3A_21, %mul3A_29 : vector<256x768xf32>
    %slice3A_31 = vector.extract_strided_slice %get3A_4 {offsets = [0, 1], sizes = [256, 1], strides = [1, 1]} : vector<256x4xf32> to vector<256x1xf32>
    %convert_element_type3A_32 = arith.truncf %slice3A_31 : vector<256x1xf32> to vector<256x1xbf16>
    %convert_element_type3A_33 = arith.extf %convert_element_type3A_32 : vector<256x1xbf16> to vector<256x1xf32>
    %mul3A_34 = vector.broadcast %convert_element_type3A_33 : vector<256x1xf32> to vector<256x768xf32>
    %mul3A_35 = arith.mulf %mul3A_34, %convert_element_type3A_14 : vector<256x768xf32>
    %add3A_36 = arith.addf %add3A, %mul3A_35 : vector<256x768xf32>
    %slice3A_37 = vector.extract_strided_slice %get3A_7 {offsets = [0, 1], sizes = [256, 1], strides = [1, 1]} : vector<256x4xf32> to vector<256x1xf32>
    %convert_element_type3A_38 = arith.truncf %slice3A_37 : vector<256x1xf32> to vector<256x1xbf16>
    %convert_element_type3A_39 = arith.extf %convert_element_type3A_38 : vector<256x1xbf16> to vector<256x1xf32>
    %mul3A_40 = vector.broadcast %convert_element_type3A_39 : vector<256x1xf32> to vector<256x768xf32>
    %mul3A_41 = arith.mulf %mul3A_40, %convert_element_type3A_14 : vector<256x768xf32>
    %add3A_42 = arith.addf %add3A_30, %mul3A_41 : vector<256x768xf32>
    %slice3A_43 = vector.extract_strided_slice %get3A_4 {offsets = [0, 2], sizes = [256, 1], strides = [1, 1]} : vector<256x4xf32> to vector<256x1xf32>
    %convert_element_type3A_44 = arith.truncf %slice3A_43 : vector<256x1xf32> to vector<256x1xbf16>
    %convert_element_type3A_45 = arith.extf %convert_element_type3A_44 : vector<256x1xbf16> to vector<256x1xf32>
    %mul3A_46 = vector.broadcast %convert_element_type3A_45 : vector<256x1xf32> to vector<256x768xf32>
    %mul3A_47 = arith.mulf %mul3A_46, %convert_element_type3A_18 : vector<256x768xf32>
    %add3A_48 = arith.addf %add3A_36, %mul3A_47 : vector<256x768xf32>
    %slice3A_49 = vector.extract_strided_slice %get3A_7 {offsets = [0, 2], sizes = [256, 1], strides = [1, 1]} : vector<256x4xf32> to vector<256x1xf32>
    %convert_element_type3A_50 = arith.truncf %slice3A_49 : vector<256x1xf32> to vector<256x1xbf16>
    %convert_element_type3A_51 = arith.extf %convert_element_type3A_50 : vector<256x1xbf16> to vector<256x1xf32>
    %mul3A_52 = vector.broadcast %convert_element_type3A_51 : vector<256x1xf32> to vector<256x768xf32>
    %mul3A_53 = arith.mulf %mul3A_52, %convert_element_type3A_18 : vector<256x768xf32>
    %add3A_54 = arith.addf %add3A_42, %mul3A_53 : vector<256x768xf32>
    %sub3A = arith.subf %get3A_1, %add3A_54 : vector<256x768xf32>
    %mul3A_55 = arith.mulf %add3A_48, %add3A_48 : vector<256x768xf32>
    %reduce_sum3A = arith.constant dense<0.000000e+00> : vector<256xf32>
    %reduce_sum3A_56 = vector.multi_reduction <add>, %mul3A_55, %reduce_sum3A [1] : vector<256x768xf32> to vector<256xf32>
    %broadcast_in_dim3A_57 = vector.shape_cast %reduce_sum3A_56 : vector<256xf32> to vector<256x1xf32>
    %mul3A_58 = arith.mulf %add3A_48, %sub3A : vector<256x768xf32>
    %reduce_sum3A_59 = arith.constant dense<0.000000e+00> : vector<256xf32>
    %reduce_sum3A_60 = vector.multi_reduction <add>, %mul3A_58, %reduce_sum3A_59 [1] : vector<256x768xf32> to vector<256xf32>
    %broadcast_in_dim3A_61 = vector.shape_cast %reduce_sum3A_60 : vector<256xf32> to vector<256x1xf32>
    %max3A = arith.constant 1.000000e-03 : f32
    %max3A_62 = vector.broadcast %max3A : f32 to vector<256x1xf32>
    %max3A_63 = arith.maximumf %broadcast_in_dim3A_57, %max3A_62 : vector<256x1xf32>
    %div3A = arith.divf %broadcast_in_dim3A_61, %max3A_63 : vector<256x1xf32>
    %mul3A_64 = vector.broadcast %div3A : vector<256x1xf32> to vector<256x4xf32>
    %mul3A_65 = arith.mulf %mul3A_64, %get3A_4 : vector<256x4xf32>
    %add3A_66 = arith.addf %get3A_7, %mul3A_65 : vector<256x4xf32>
    %max3A_67 = arith.constant 0.000000e+00 : f32
    %max3A_68 = vector.broadcast %max3A_67 : f32 to vector<256x4xf32>
    %max3A_69 = arith.maximumf %add3A_66, %max3A_68 : vector<256x4xf32>
    %broadcast_in_dim3A_70 = arith.constant 0.000000e+00 : f32
    %broadcast_in_dim3A_71 = vector.broadcast %broadcast_in_dim3A_70 : f32 to vector<256x768xf32>
    %slice3A_72 = vector.extract_strided_slice %max3A_69 {offsets = [0, 0], sizes = [256, 1], strides = [1, 1]} : vector<256x4xf32> to vector<256x1xf32>
    %convert_element_type3A_73 = arith.truncf %slice3A_72 : vector<256x1xf32> to vector<256x1xbf16>
    %convert_element_type3A_74 = arith.extf %convert_element_type3A_73 : vector<256x1xbf16> to vector<256x1xf32>
    %mul3A_75 = vector.broadcast %convert_element_type3A_74 : vector<256x1xf32> to vector<256x768xf32>
    %mul3A_76 = arith.mulf %mul3A_75, %convert_element_type3A : vector<256x768xf32>
    %add3A_77 = arith.addf %broadcast_in_dim3A_71, %mul3A_76 : vector<256x768xf32>
    %slice3A_78 = vector.extract_strided_slice %max3A_69 {offsets = [0, 1], sizes = [256, 1], strides = [1, 1]} : vector<256x4xf32> to vector<256x1xf32>
    %convert_element_type3A_79 = arith.truncf %slice3A_78 : vector<256x1xf32> to vector<256x1xbf16>
    %convert_element_type3A_80 = arith.extf %convert_element_type3A_79 : vector<256x1xbf16> to vector<256x1xf32>
    %mul3A_81 = vector.broadcast %convert_element_type3A_80 : vector<256x1xf32> to vector<256x768xf32>
    %mul3A_82 = arith.mulf %mul3A_81, %convert_element_type3A_14 : vector<256x768xf32>
    %add3A_83 = arith.addf %add3A_77, %mul3A_82 : vector<256x768xf32>
    %slice3A_84 = vector.extract_strided_slice %max3A_69 {offsets = [0, 2], sizes = [256, 1], strides = [1, 1]} : vector<256x4xf32> to vector<256x1xf32>
    %convert_element_type3A_85 = arith.truncf %slice3A_84 : vector<256x1xf32> to vector<256x1xbf16>
    %convert_element_type3A_86 = arith.extf %convert_element_type3A_85 : vector<256x1xbf16> to vector<256x1xf32>
    %mul3A_87 = vector.broadcast %convert_element_type3A_86 : vector<256x1xf32> to vector<256x768xf32>
    %mul3A_88 = arith.mulf %mul3A_87, %convert_element_type3A_18 : vector<256x768xf32>
    %add3A_89 = arith.addf %add3A_83, %mul3A_88 : vector<256x768xf32>
    %sub3A_90 = arith.subf %get3A_1, %add3A_89 : vector<256x768xf32>
    %convert_element_type3A_91 = arith.truncf %sub3A_90 : vector<256x768xf32> to vector<256x768xbf16>
    %swap3A = arith.constant 0 : index
    %swap3A_92 = arith.constant 0 : index
    %swap3A_93 = vector.load %arg7[%swap3A, %swap3A_92] : memref<256x768xbf16, #tpu.memory_space<vmem>>, vector<256x768xbf16>
    tpu.vector_store %arg7[%swap3A, %swap3A_92], %convert_element_type3A_91 {strides = array<i32>} : memref<256x768xbf16, #tpu.memory_space<vmem>>, vector<256x768xbf16>,
    %swap3A_94 = arith.constant 0 : index
    %swap3A_95 = arith.constant 0 : index
    %swap3A_96 = vector.load %arg8[%swap3A_94, %swap3A_95] : memref<256x4xf32, #tpu.memory_space<vmem>>, vector<256x4xf32>
    tpu.vector_store %arg8[%swap3A_94, %swap3A_95], %max3A_69 {strides = array<i32>} : memref<256x4xf32, #tpu.memory_space<vmem>>, vector<256x4xf32>,
    %convert_element_type3A_97 = arith.extf %convert_element_type3A_91 : vector<256x768xbf16> to vector<256x768xf32>
    %mul3A_98 = arith.mulf %convert_element_type3A_97, %convert_element_type3A : vector<256x768xf32>
    %reduce_sum3A_99 = arith.constant dense<0.000000e+00> : vector<256xf32>
    %reduce_sum3A_100 = vector.multi_reduction <add>, %mul3A_98, %reduce_sum3A_99 [1] : vector<256x768xf32> to vector<256xf32>
    %broadcast_in_dim3A_101 = vector.shape_cast %reduce_sum3A_100 : vector<256xf32> to vector<256x1xf32>
    %mul3A_102 = arith.mulf %convert_element_type3A_97, %convert_element_type3A_14 : vector<256x768xf32>
    %reduce_sum3A_103 = arith.constant dense<0.000000e+00> : vector<256xf32>
    %reduce_sum3A_104 = vector.multi_reduction <add>, %mul3A_102, %reduce_sum3A_103 [1] : vector<256x768xf32> to vector<256xf32>
    %broadcast_in_dim3A_105 = vector.shape_cast %reduce_sum3A_104 : vector<256xf32> to vector<256x1xf32>
    %mul3A_106 = arith.mulf %convert_element_type3A_97, %convert_element_type3A_18 : vector<256x768xf32>
    %reduce_sum3A_107 = arith.constant dense<0.000000e+00> : vector<256xf32>
    %reduce_sum3A_108 = vector.multi_reduction <add>, %mul3A_106, %reduce_sum3A_107 [1] : vector<256x768xf32> to vector<256xf32>
    %broadcast_in_dim3A_109 = vector.shape_cast %reduce_sum3A_108 : vector<256xf32> to vector<256x1xf32>
    %broadcast_in_dim3A_110 = arith.constant 0.000000e+00 : f32
    %broadcast_in_dim3A_111 = vector.broadcast %broadcast_in_dim3A_110 : f32 to vector<256x1xf32>
    %concatenate3A = tpu.concatenate %broadcast_in_dim3A_101, %broadcast_in_dim3A_105, %broadcast_in_dim3A_109, %broadcast_in_dim3A_111 in 1 : vector<256x1xf32>, vector<256x1xf32>, vector<256x1xf32>, vector<256x1xf32> -> vector<256x4xf32>
    %swap3A_112 = arith.constant 0 : index
    %swap3A_113 = arith.constant 0 : index
    %swap3A_114 = vector.load %arg9[%swap3A_112, %swap3A_113] : memref<256x4xf32, #tpu.memory_space<vmem>>, vector<256x4xf32>
    tpu.vector_store %arg9[%swap3A_112, %swap3A_113], %concatenate3A {strides = array<i32>} : memref<256x4xf32, #tpu.memory_space<vmem>>, vector<256x4xf32>,
    return
  }
  func.func @transform_0(%arg0: i32) -> (i32, i32) {
    %c0_i32 = arith.constant 0 : i32
    %c0_i32_0 = arith.constant 0 : i32
    return %arg0, %c0_i32 : i32, i32
  }
  func.func @transform_1(%arg0: i32) -> (i32, i32) {
    %c0_i32 = arith.constant 0 : i32
    %c0_i32_0 = arith.constant 0 : i32
    return %arg0, %c0_i32 : i32, i32
  }
  func.func @transform_2(%arg0: i32) -> (i32, i32) {
    %c0_i32 = arith.constant 0 : i32
    %c0_i32_0 = arith.constant 0 : i32
    return %arg0, %c0_i32 : i32, i32
  }
  func.func @transform_3(%arg0: i32) -> (i32, i32) {
    %c0_i32 = arith.constant 0 : i32
    %c0_i32_0 = arith.constant 0 : i32
    return %arg0, %c0_i32 : i32, i32
  }
  func.func @transform_4(%arg0: i32) -> (i32, i32) {
    %c0_i32 = arith.constant 0 : i32
    %c0_i32_0 = arith.constant 0 : i32
    return %arg0, %c0_i32 : i32, i32
  }
  func.func @transform_5(%arg0: i32) -> (i32, i32) {
    %c0_i32 = arith.constant 0 : i32
    %c0_i32_0 = arith.constant 0 : i32
    return %arg0, %c0_i32 : i32, i32
  }
  func.func @transform_6(%arg0: i32) -> (i32, i32) {
    %c0_i32 = arith.constant 0 : i32
    %c0_i32_0 = arith.constant 0 : i32
    return %arg0, %c0_i32 : i32, i32
  }
  func.func @transform_7(%arg0: i32) -> (i32, i32) {
    %c0_i32 = arith.constant 0 : i32
    %c0_i32_0 = arith.constant 0 : i32
    return %arg0, %c0_i32 : i32, i32
  }
  func.func @transform_8(%arg0: i32) -> (i32, i32) {
    %c0_i32 = arith.constant 0 : i32
    %c0_i32_0 = arith.constant 0 : i32
    return %arg0, %c0_i32 : i32, i32
  }
}

module attributes {stable_mosaic.version = 14 : i64} {
  func.func @_update_body(%arg0: i32, %arg1: memref<256x768xf32, #tpu.memory_space<vmem>>, %arg2: memref<256x4xf32, #tpu.memory_space<vmem>>, %arg3: memref<256x4xf32, #tpu.memory_space<vmem>>, %arg4: memref<256x768xbf16, #tpu.memory_space<vmem>>, %arg5: memref<256x768xbf16, #tpu.memory_space<vmem>>, %arg6: memref<256x768xbf16, #tpu.memory_space<vmem>>, %arg7: memref<256x768xbf16, #tpu.memory_space<vmem>>, %arg8: memref<256x768xf32, #tpu.memory_space<vmem>>, %arg9: memref<256x4xf32, #tpu.memory_space<vmem>>) attributes {dimension_semantics = [#tpu.dimension_semantics<arbitrary>], iteration_bounds = array<i64: 4>, scalar_prefetch = 0 : i64, scratch_operands = 0 : i64, tpu.core_type = #tpu.core_type<tc>, window_params = [{transform_indices = @transform_0, window_bounds = array<i64: 256, 768>}, {transform_indices = @transform_1, window_bounds = array<i64: 256, 4>}, {transform_indices = @transform_2, window_bounds = array<i64: 256, 4>}, {transform_indices = @transform_3, window_bounds = array<i64: 256, 768>}, {transform_indices = @transform_4, window_bounds = array<i64: 256, 768>}, {transform_indices = @transform_5, window_bounds = array<i64: 256, 768>}, {transform_indices = @transform_6, window_bounds = array<i64: 256, 768>}, {transform_indices = @transform_7, window_bounds = array<i64: 256, 768>}, {transform_indices = @transform_8, window_bounds = array<i64: 256, 4>}]} {
    %get3A = arith.constant 0 : index
    %get3A_0 = arith.constant 0 : index
    %get3A_1 = vector.load %arg1[%get3A, %get3A_0] : memref<256x768xf32, #tpu.memory_space<vmem>>, vector<256x768xf32>
    %get3A_2 = arith.constant 0 : index
    %get3A_3 = arith.constant 0 : index
    %get3A_4 = vector.load %arg2[%get3A_2, %get3A_3] : memref<256x4xf32, #tpu.memory_space<vmem>>, vector<256x4xf32>
    %get3A_5 = arith.constant 0 : index
    %get3A_6 = arith.constant 0 : index
    %get3A_7 = vector.load %arg3[%get3A_5, %get3A_6] : memref<256x4xf32, #tpu.memory_space<vmem>>, vector<256x4xf32>
    %get3A_8 = arith.constant 0 : index
    %get3A_9 = arith.constant 0 : index
    %get3A_10 = vector.load %arg4[%get3A_8, %get3A_9] : memref<256x768xbf16, #tpu.memory_space<vmem>>, vector<256x768xbf16>
    %convert_element_type3A = arith.extf %get3A_10 : vector<256x768xbf16> to vector<256x768xf32>
    %get3A_11 = arith.constant 0 : index
    %get3A_12 = arith.constant 0 : index
    %get3A_13 = vector.load %arg5[%get3A_11, %get3A_12] : memref<256x768xbf16, #tpu.memory_space<vmem>>, vector<256x768xbf16>
    %convert_element_type3A_14 = arith.extf %get3A_13 : vector<256x768xbf16> to vector<256x768xf32>
    %get3A_15 = arith.constant 0 : index
    %get3A_16 = arith.constant 0 : index
    %get3A_17 = vector.load %arg6[%get3A_15, %get3A_16] : memref<256x768xbf16, #tpu.memory_space<vmem>>, vector<256x768xbf16>
    %convert_element_type3A_18 = arith.extf %get3A_17 : vector<256x768xbf16> to vector<256x768xf32>
    %get3A_19 = arith.constant 0 : index
    %get3A_20 = arith.constant 0 : index
    %get3A_21 = vector.load %arg7[%get3A_19, %get3A_20] : memref<256x768xbf16, #tpu.memory_space<vmem>>, vector<256x768xbf16>
    %convert_element_type3A_22 = arith.extf %get3A_21 : vector<256x768xbf16> to vector<256x768xf32>
    %broadcast_in_dim3A = arith.constant 0.000000e+00 : f32
    %broadcast_in_dim3A_23 = vector.broadcast %broadcast_in_dim3A : f32 to vector<256x768xf32>
    %broadcast_in_dim3A_24 = arith.constant 0.000000e+00 : f32
    %broadcast_in_dim3A_25 = vector.broadcast %broadcast_in_dim3A_24 : f32 to vector<256x768xf32>
    %slice3A = vector.extract_strided_slice %get3A_4 {offsets = [0, 0], sizes = [256, 1], strides = [1, 1]} : vector<256x4xf32> to vector<256x1xf32>
    %convert_element_type3A_26 = arith.truncf %slice3A : vector<256x1xf32> to vector<256x1xbf16>
    %convert_element_type3A_27 = arith.extf %convert_element_type3A_26 : vector<256x1xbf16> to vector<256x1xf32>
    %mul3A = vector.broadcast %convert_element_type3A_27 : vector<256x1xf32> to vector<256x768xf32>
    %mul3A_28 = arith.mulf %mul3A, %convert_element_type3A : vector<256x768xf32>
    %add3A = arith.addf %broadcast_in_dim3A_23, %mul3A_28 : vector<256x768xf32>
    %slice3A_29 = vector.extract_strided_slice %get3A_7 {offsets = [0, 0], sizes = [256, 1], strides = [1, 1]} : vector<256x4xf32> to vector<256x1xf32>
    %convert_element_type3A_30 = arith.truncf %slice3A_29 : vector<256x1xf32> to vector<256x1xbf16>
    %convert_element_type3A_31 = arith.extf %convert_element_type3A_30 : vector<256x1xbf16> to vector<256x1xf32>
    %mul3A_32 = vector.broadcast %convert_element_type3A_31 : vector<256x1xf32> to vector<256x768xf32>
    %mul3A_33 = arith.mulf %mul3A_32, %convert_element_type3A : vector<256x768xf32>
    %add3A_34 = arith.addf %broadcast_in_dim3A_25, %mul3A_33 : vector<256x768xf32>
    %slice3A_35 = vector.extract_strided_slice %get3A_4 {offsets = [0, 1], sizes = [256, 1], strides = [1, 1]} : vector<256x4xf32> to vector<256x1xf32>
    %convert_element_type3A_36 = arith.truncf %slice3A_35 : vector<256x1xf32> to vector<256x1xbf16>
    %convert_element_type3A_37 = arith.extf %convert_element_type3A_36 : vector<256x1xbf16> to vector<256x1xf32>
    %mul3A_38 = vector.broadcast %convert_element_type3A_37 : vector<256x1xf32> to vector<256x768xf32>
    %mul3A_39 = arith.mulf %mul3A_38, %convert_element_type3A_14 : vector<256x768xf32>
    %add3A_40 = arith.addf %add3A, %mul3A_39 : vector<256x768xf32>
    %slice3A_41 = vector.extract_strided_slice %get3A_7 {offsets = [0, 1], sizes = [256, 1], strides = [1, 1]} : vector<256x4xf32> to vector<256x1xf32>
    %convert_element_type3A_42 = arith.truncf %slice3A_41 : vector<256x1xf32> to vector<256x1xbf16>
    %convert_element_type3A_43 = arith.extf %convert_element_type3A_42 : vector<256x1xbf16> to vector<256x1xf32>
    %mul3A_44 = vector.broadcast %convert_element_type3A_43 : vector<256x1xf32> to vector<256x768xf32>
    %mul3A_45 = arith.mulf %mul3A_44, %convert_element_type3A_14 : vector<256x768xf32>
    %add3A_46 = arith.addf %add3A_34, %mul3A_45 : vector<256x768xf32>
    %slice3A_47 = vector.extract_strided_slice %get3A_4 {offsets = [0, 2], sizes = [256, 1], strides = [1, 1]} : vector<256x4xf32> to vector<256x1xf32>
    %convert_element_type3A_48 = arith.truncf %slice3A_47 : vector<256x1xf32> to vector<256x1xbf16>
    %convert_element_type3A_49 = arith.extf %convert_element_type3A_48 : vector<256x1xbf16> to vector<256x1xf32>
    %mul3A_50 = vector.broadcast %convert_element_type3A_49 : vector<256x1xf32> to vector<256x768xf32>
    %mul3A_51 = arith.mulf %mul3A_50, %convert_element_type3A_18 : vector<256x768xf32>
    %add3A_52 = arith.addf %add3A_40, %mul3A_51 : vector<256x768xf32>
    %slice3A_53 = vector.extract_strided_slice %get3A_7 {offsets = [0, 2], sizes = [256, 1], strides = [1, 1]} : vector<256x4xf32> to vector<256x1xf32>
    %convert_element_type3A_54 = arith.truncf %slice3A_53 : vector<256x1xf32> to vector<256x1xbf16>
    %convert_element_type3A_55 = arith.extf %convert_element_type3A_54 : vector<256x1xbf16> to vector<256x1xf32>
    %mul3A_56 = vector.broadcast %convert_element_type3A_55 : vector<256x1xf32> to vector<256x768xf32>
    %mul3A_57 = arith.mulf %mul3A_56, %convert_element_type3A_18 : vector<256x768xf32>
    %add3A_58 = arith.addf %add3A_46, %mul3A_57 : vector<256x768xf32>
    %slice3A_59 = vector.extract_strided_slice %get3A_4 {offsets = [0, 3], sizes = [256, 1], strides = [1, 1]} : vector<256x4xf32> to vector<256x1xf32>
    %convert_element_type3A_60 = arith.truncf %slice3A_59 : vector<256x1xf32> to vector<256x1xbf16>
    %convert_element_type3A_61 = arith.extf %convert_element_type3A_60 : vector<256x1xbf16> to vector<256x1xf32>
    %mul3A_62 = vector.broadcast %convert_element_type3A_61 : vector<256x1xf32> to vector<256x768xf32>
    %mul3A_63 = arith.mulf %mul3A_62, %convert_element_type3A_22 : vector<256x768xf32>
    %add3A_64 = arith.addf %add3A_52, %mul3A_63 : vector<256x768xf32>
    %slice3A_65 = vector.extract_strided_slice %get3A_7 {offsets = [0, 3], sizes = [256, 1], strides = [1, 1]} : vector<256x4xf32> to vector<256x1xf32>
    %convert_element_type3A_66 = arith.truncf %slice3A_65 : vector<256x1xf32> to vector<256x1xbf16>
    %convert_element_type3A_67 = arith.extf %convert_element_type3A_66 : vector<256x1xbf16> to vector<256x1xf32>
    %mul3A_68 = vector.broadcast %convert_element_type3A_67 : vector<256x1xf32> to vector<256x768xf32>
    %mul3A_69 = arith.mulf %mul3A_68, %convert_element_type3A_22 : vector<256x768xf32>
    %add3A_70 = arith.addf %add3A_58, %mul3A_69 : vector<256x768xf32>
    %sub3A = arith.subf %get3A_1, %add3A_70 : vector<256x768xf32>
    %mul3A_71 = arith.mulf %add3A_64, %add3A_64 : vector<256x768xf32>
    %reduce_sum3A = arith.constant dense<0.000000e+00> : vector<256xf32>
    %reduce_sum3A_72 = vector.multi_reduction <add>, %mul3A_71, %reduce_sum3A [1] : vector<256x768xf32> to vector<256xf32>
    %broadcast_in_dim3A_73 = vector.shape_cast %reduce_sum3A_72 : vector<256xf32> to vector<256x1xf32>
    %mul3A_74 = arith.mulf %add3A_64, %sub3A : vector<256x768xf32>
    %reduce_sum3A_75 = arith.constant dense<0.000000e+00> : vector<256xf32>
    %reduce_sum3A_76 = vector.multi_reduction <add>, %mul3A_74, %reduce_sum3A_75 [1] : vector<256x768xf32> to vector<256xf32>
    %broadcast_in_dim3A_77 = vector.shape_cast %reduce_sum3A_76 : vector<256xf32> to vector<256x1xf32>
    %max3A = arith.constant 1.000000e-03 : f32
    %max3A_78 = vector.broadcast %max3A : f32 to vector<256x1xf32>
    %max3A_79 = arith.maximumf %broadcast_in_dim3A_73, %max3A_78 : vector<256x1xf32>
    %div3A = arith.divf %broadcast_in_dim3A_77, %max3A_79 : vector<256x1xf32>
    %mul3A_80 = vector.broadcast %div3A : vector<256x1xf32> to vector<256x4xf32>
    %mul3A_81 = arith.mulf %mul3A_80, %get3A_4 : vector<256x4xf32>
    %add3A_82 = arith.addf %get3A_7, %mul3A_81 : vector<256x4xf32>
    %max3A_83 = arith.constant 0.000000e+00 : f32
    %max3A_84 = vector.broadcast %max3A_83 : f32 to vector<256x4xf32>
    %max3A_85 = arith.maximumf %add3A_82, %max3A_84 : vector<256x4xf32>
    %broadcast_in_dim3A_86 = arith.constant 0.000000e+00 : f32
    %broadcast_in_dim3A_87 = vector.broadcast %broadcast_in_dim3A_86 : f32 to vector<256x768xf32>
    %slice3A_88 = vector.extract_strided_slice %max3A_85 {offsets = [0, 0], sizes = [256, 1], strides = [1, 1]} : vector<256x4xf32> to vector<256x1xf32>
    %convert_element_type3A_89 = arith.truncf %slice3A_88 : vector<256x1xf32> to vector<256x1xbf16>
    %convert_element_type3A_90 = arith.extf %convert_element_type3A_89 : vector<256x1xbf16> to vector<256x1xf32>
    %mul3A_91 = vector.broadcast %convert_element_type3A_90 : vector<256x1xf32> to vector<256x768xf32>
    %mul3A_92 = arith.mulf %mul3A_91, %convert_element_type3A : vector<256x768xf32>
    %add3A_93 = arith.addf %broadcast_in_dim3A_87, %mul3A_92 : vector<256x768xf32>
    %slice3A_94 = vector.extract_strided_slice %max3A_85 {offsets = [0, 1], sizes = [256, 1], strides = [1, 1]} : vector<256x4xf32> to vector<256x1xf32>
    %convert_element_type3A_95 = arith.truncf %slice3A_94 : vector<256x1xf32> to vector<256x1xbf16>
    %convert_element_type3A_96 = arith.extf %convert_element_type3A_95 : vector<256x1xbf16> to vector<256x1xf32>
    %mul3A_97 = vector.broadcast %convert_element_type3A_96 : vector<256x1xf32> to vector<256x768xf32>
    %mul3A_98 = arith.mulf %mul3A_97, %convert_element_type3A_14 : vector<256x768xf32>
    %add3A_99 = arith.addf %add3A_93, %mul3A_98 : vector<256x768xf32>
    %slice3A_100 = vector.extract_strided_slice %max3A_85 {offsets = [0, 2], sizes = [256, 1], strides = [1, 1]} : vector<256x4xf32> to vector<256x1xf32>
    %convert_element_type3A_101 = arith.truncf %slice3A_100 : vector<256x1xf32> to vector<256x1xbf16>
    %convert_element_type3A_102 = arith.extf %convert_element_type3A_101 : vector<256x1xbf16> to vector<256x1xf32>
    %mul3A_103 = vector.broadcast %convert_element_type3A_102 : vector<256x1xf32> to vector<256x768xf32>
    %mul3A_104 = arith.mulf %mul3A_103, %convert_element_type3A_18 : vector<256x768xf32>
    %add3A_105 = arith.addf %add3A_99, %mul3A_104 : vector<256x768xf32>
    %slice3A_106 = vector.extract_strided_slice %max3A_85 {offsets = [0, 3], sizes = [256, 1], strides = [1, 1]} : vector<256x4xf32> to vector<256x1xf32>
    %convert_element_type3A_107 = arith.truncf %slice3A_106 : vector<256x1xf32> to vector<256x1xbf16>
    %convert_element_type3A_108 = arith.extf %convert_element_type3A_107 : vector<256x1xbf16> to vector<256x1xf32>
    %mul3A_109 = vector.broadcast %convert_element_type3A_108 : vector<256x1xf32> to vector<256x768xf32>
    %mul3A_110 = arith.mulf %mul3A_109, %convert_element_type3A_22 : vector<256x768xf32>
    %add3A_111 = arith.addf %add3A_105, %mul3A_110 : vector<256x768xf32>
    %swap3A = arith.constant 0 : index
    %swap3A_112 = arith.constant 0 : index
    %swap3A_113 = vector.load %arg8[%swap3A, %swap3A_112] : memref<256x768xf32, #tpu.memory_space<vmem>>, vector<256x768xf32>
    tpu.vector_store %arg8[%swap3A, %swap3A_112], %add3A_111 {strides = array<i32>} : memref<256x768xf32, #tpu.memory_space<vmem>>, vector<256x768xf32>,
    %swap3A_114 = arith.constant 0 : index
    %swap3A_115 = arith.constant 0 : index
    %swap3A_116 = vector.load %arg9[%swap3A_114, %swap3A_115] : memref<256x4xf32, #tpu.memory_space<vmem>>, vector<256x4xf32>
    tpu.vector_store %arg9[%swap3A_114, %swap3A_115], %max3A_85 {strides = array<i32>} : memref<256x4xf32, #tpu.memory_space<vmem>>, vector<256x4xf32>,
    return
  }
  func.func @transform_0(%arg0: i32) -> (i32, i32) {
    %c0_i32 = arith.constant 0 : i32
    %c0_i32_0 = arith.constant 0 : i32
    return %arg0, %c0_i32 : i32, i32
  }
  func.func @transform_1(%arg0: i32) -> (i32, i32) {
    %c0_i32 = arith.constant 0 : i32
    %c0_i32_0 = arith.constant 0 : i32
    return %arg0, %c0_i32 : i32, i32
  }
  func.func @transform_2(%arg0: i32) -> (i32, i32) {
    %c0_i32 = arith.constant 0 : i32
    %c0_i32_0 = arith.constant 0 : i32
    return %arg0, %c0_i32 : i32, i32
  }
  func.func @transform_3(%arg0: i32) -> (i32, i32) {
    %c0_i32 = arith.constant 0 : i32
    %c0_i32_0 = arith.constant 0 : i32
    return %arg0, %c0_i32 : i32, i32
  }
  func.func @transform_4(%arg0: i32) -> (i32, i32) {
    %c0_i32 = arith.constant 0 : i32
    %c0_i32_0 = arith.constant 0 : i32
    return %arg0, %c0_i32 : i32, i32
  }
  func.func @transform_5(%arg0: i32) -> (i32, i32) {
    %c0_i32 = arith.constant 0 : i32
    %c0_i32_0 = arith.constant 0 : i32
    return %arg0, %c0_i32 : i32, i32
  }
  func.func @transform_6(%arg0: i32) -> (i32, i32) {
    %c0_i32 = arith.constant 0 : i32
    %c0_i32_0 = arith.constant 0 : i32
    return %arg0, %c0_i32 : i32, i32
  }
  func.func @transform_7(%arg0: i32) -> (i32, i32) {
    %c0_i32 = arith.constant 0 : i32
    %c0_i32_0 = arith.constant 0 : i32
    return %arg0, %c0_i32 : i32, i32
  }
  func.func @transform_8(%arg0: i32) -> (i32, i32) {
    %c0_i32 = arith.constant 0 : i32
    %c0_i32_0 = arith.constant 0 : i32
    return %arg0, %c0_i32 : i32, i32
  }
}

module attributes {stable_mosaic.version = 14 : i64} {
  func.func @_final_body(%arg0: i32, %arg1: memref<256x768xf32, #tpu.memory_space<vmem>>, %arg2: memref<1x768xf32, #tpu.memory_space<vmem>>, %arg3: memref<256x4xf32, #tpu.memory_space<vmem>>, %arg4: memref<256x4xi32, #tpu.memory_space<vmem>>, %arg5: memref<256x768xf32, #tpu.memory_space<vmem>>, %arg6: memref<256x768xf32, #tpu.memory_space<vmem>>, %arg7: memref<256x768xf32, #tpu.memory_space<vmem>>, %arg8: memref<256x768xf32, #tpu.memory_space<vmem>>, %arg9: memref<256x4xf32, #tpu.memory_space<vmem>>, %arg10: memref<256x4xi32, #tpu.memory_space<vmem>>, %arg11: memref<256x768xf32, #tpu.memory_space<vmem>>, %arg12: memref<256x1xf32, #tpu.memory_space<vmem>>, %arg13: memref<1x1xf32, #tpu.memory_space<vmem>>) attributes {dimension_semantics = [#tpu.dimension_semantics<arbitrary>], iteration_bounds = array<i64: 4>, scalar_prefetch = 0 : i64, scratch_operands = 0 : i64, tpu.core_type = #tpu.core_type<tc>, window_params = [{transform_indices = @transform_0, window_bounds = array<i64: 256, 768>}, {pipeline_mode = #tpu.pipeline_mode<synchronous>, transform_indices = @transform_1, window_bounds = array<i64: 1, 768>}, {transform_indices = @transform_2, window_bounds = array<i64: 256, 4>}, {transform_indices = @transform_3, window_bounds = array<i64: 256, 4>}, {transform_indices = @transform_4, window_bounds = array<i64: 256, 768>}, {transform_indices = @transform_5, window_bounds = array<i64: 256, 768>}, {transform_indices = @transform_6, window_bounds = array<i64: 256, 768>}, {transform_indices = @transform_7, window_bounds = array<i64: 256, 768>}, {transform_indices = @transform_8, window_bounds = array<i64: 256, 4>}, {transform_indices = @transform_9, window_bounds = array<i64: 256, 4>}, {transform_indices = @transform_10, window_bounds = array<i64: 256, 768>}, {transform_indices = @transform_11, window_bounds = array<i64: 256, 1>}, {pipeline_mode = #tpu.pipeline_mode<synchronous>, transform_indices = @transform_12, window_bounds = array<i64: 1, 1>}]} {
    %get3A = arith.constant 0 : index
    %get3A_0 = arith.constant 0 : index
    %get3A_1 = vector.load %arg1[%get3A, %get3A_0] : memref<256x768xf32, #tpu.memory_space<vmem>>, vector<256x768xf32>
    %get3A_2 = arith.constant 0 : index
    %get3A_3 = arith.constant 0 : index
    %get3A_4 = vector.load %arg3[%get3A_2, %get3A_3] : memref<256x4xf32, #tpu.memory_space<vmem>>, vector<256x4xf32>
    %get3A_5 = arith.constant 0 : index
    %get3A_6 = arith.constant 0 : index
    %get3A_7 = vector.load %arg4[%get3A_5, %get3A_6] : memref<256x4xi32, #tpu.memory_space<vmem>>, vector<256x4xi32>
    %get3A_8 = arith.constant 0 : index
    %get3A_9 = arith.constant 0 : index
    %get3A_10 = vector.load %arg5[%get3A_8, %get3A_9] : memref<256x768xf32, #tpu.memory_space<vmem>>, vector<256x768xf32>
    %convert_element_type3A = arith.truncf %get3A_10 : vector<256x768xf32> to vector<256x768xbf16>
    %convert_element_type3A_11 = arith.extf %convert_element_type3A : vector<256x768xbf16> to vector<256x768xf32>
    %get3A_12 = arith.constant 0 : index
    %get3A_13 = arith.constant 0 : index
    %get3A_14 = vector.load %arg6[%get3A_12, %get3A_13] : memref<256x768xf32, #tpu.memory_space<vmem>>, vector<256x768xf32>
    %convert_element_type3A_15 = arith.truncf %get3A_14 : vector<256x768xf32> to vector<256x768xbf16>
    %convert_element_type3A_16 = arith.extf %convert_element_type3A_15 : vector<256x768xbf16> to vector<256x768xf32>
    %get3A_17 = arith.constant 0 : index
    %get3A_18 = arith.constant 0 : index
    %get3A_19 = vector.load %arg7[%get3A_17, %get3A_18] : memref<256x768xf32, #tpu.memory_space<vmem>>, vector<256x768xf32>
    %convert_element_type3A_20 = arith.truncf %get3A_19 : vector<256x768xf32> to vector<256x768xbf16>
    %convert_element_type3A_21 = arith.extf %convert_element_type3A_20 : vector<256x768xbf16> to vector<256x768xf32>
    %get3A_22 = arith.constant 0 : index
    %get3A_23 = arith.constant 0 : index
    %get3A_24 = vector.load %arg8[%get3A_22, %get3A_23] : memref<256x768xf32, #tpu.memory_space<vmem>>, vector<256x768xf32>
    %convert_element_type3A_25 = arith.truncf %get3A_24 : vector<256x768xf32> to vector<256x768xbf16>
    %convert_element_type3A_26 = arith.extf %convert_element_type3A_25 : vector<256x768xbf16> to vector<256x768xf32>
    %broadcast_in_dim3A = arith.constant 0.000000e+00 : f32
    %broadcast_in_dim3A_27 = vector.broadcast %broadcast_in_dim3A : f32 to vector<256x768xf32>
    %slice3A = vector.extract_strided_slice %get3A_4 {offsets = [0, 0], sizes = [256, 1], strides = [1, 1]} : vector<256x4xf32> to vector<256x1xf32>
    %convert_element_type3A_28 = arith.truncf %slice3A : vector<256x1xf32> to vector<256x1xbf16>
    %convert_element_type3A_29 = arith.extf %convert_element_type3A_28 : vector<256x1xbf16> to vector<256x1xf32>
    %mul3A = vector.broadcast %convert_element_type3A_29 : vector<256x1xf32> to vector<256x768xf32>
    %mul3A_30 = arith.mulf %mul3A, %convert_element_type3A_11 : vector<256x768xf32>
    %add3A = arith.addf %broadcast_in_dim3A_27, %mul3A_30 : vector<256x768xf32>
    %slice3A_31 = vector.extract_strided_slice %get3A_4 {offsets = [0, 1], sizes = [256, 1], strides = [1, 1]} : vector<256x4xf32> to vector<256x1xf32>
    %convert_element_type3A_32 = arith.truncf %slice3A_31 : vector<256x1xf32> to vector<256x1xbf16>
    %convert_element_type3A_33 = arith.extf %convert_element_type3A_32 : vector<256x1xbf16> to vector<256x1xf32>
    %mul3A_34 = vector.broadcast %convert_element_type3A_33 : vector<256x1xf32> to vector<256x768xf32>
    %mul3A_35 = arith.mulf %mul3A_34, %convert_element_type3A_16 : vector<256x768xf32>
    %add3A_36 = arith.addf %add3A, %mul3A_35 : vector<256x768xf32>
    %slice3A_37 = vector.extract_strided_slice %get3A_4 {offsets = [0, 2], sizes = [256, 1], strides = [1, 1]} : vector<256x4xf32> to vector<256x1xf32>
    %convert_element_type3A_38 = arith.truncf %slice3A_37 : vector<256x1xf32> to vector<256x1xbf16>
    %convert_element_type3A_39 = arith.extf %convert_element_type3A_38 : vector<256x1xbf16> to vector<256x1xf32>
    %mul3A_40 = vector.broadcast %convert_element_type3A_39 : vector<256x1xf32> to vector<256x768xf32>
    %mul3A_41 = arith.mulf %mul3A_40, %convert_element_type3A_21 : vector<256x768xf32>
    %add3A_42 = arith.addf %add3A_36, %mul3A_41 : vector<256x768xf32>
    %slice3A_43 = vector.extract_strided_slice %get3A_4 {offsets = [0, 3], sizes = [256, 1], strides = [1, 1]} : vector<256x4xf32> to vector<256x1xf32>
    %convert_element_type3A_44 = arith.truncf %slice3A_43 : vector<256x1xf32> to vector<256x1xbf16>
    %convert_element_type3A_45 = arith.extf %convert_element_type3A_44 : vector<256x1xbf16> to vector<256x1xf32>
    %mul3A_46 = vector.broadcast %convert_element_type3A_45 : vector<256x1xf32> to vector<256x768xf32>
    %mul3A_47 = arith.mulf %mul3A_46, %convert_element_type3A_26 : vector<256x768xf32>
    %add3A_48 = arith.addf %add3A_42, %mul3A_47 : vector<256x768xf32>
    %swap3A = arith.constant 0 : index
    %swap3A_49 = arith.constant 0 : index
    %swap3A_50 = vector.load %arg11[%swap3A, %swap3A_49] : memref<256x768xf32, #tpu.memory_space<vmem>>, vector<256x768xf32>
    tpu.vector_store %arg11[%swap3A, %swap3A_49], %add3A_48 {strides = array<i32>} : memref<256x768xf32, #tpu.memory_space<vmem>>, vector<256x768xf32>,
    %sub3A = arith.subf %get3A_1, %add3A_48 : vector<256x768xf32>
    %mul3A_51 = arith.mulf %sub3A, %sub3A : vector<256x768xf32>
    %reduce_sum3A = arith.constant dense<0.000000e+00> : vector<256xf32>
    %reduce_sum3A_52 = vector.multi_reduction <add>, %mul3A_51, %reduce_sum3A [1] : vector<256x768xf32> to vector<256xf32>
    %broadcast_in_dim3A_53 = vector.shape_cast %reduce_sum3A_52 : vector<256xf32> to vector<256x1xf32>
    %swap3A_54 = arith.constant 0 : index
    %swap3A_55 = arith.constant 0 : index
    %swap3A_56 = vector.load %arg12[%swap3A_54, %swap3A_55] : memref<256x1xf32, #tpu.memory_space<vmem>>, vector<256x1xf32>
    tpu.vector_store %arg12[%swap3A_54, %swap3A_55], %broadcast_in_dim3A_53 {strides = array<i32>} : memref<256x1xf32, #tpu.memory_space<vmem>>, vector<256x1xf32>,
    %get3A_57 = arith.constant 0 : index
    %get3A_58 = arith.constant 0 : index
    %get3A_59 = vector.load %arg2[%get3A_57, %get3A_58] : memref<1x768xf32, #tpu.memory_space<vmem>>, vector<1x768xf32>
    %sub3A_60 = vector.broadcast %get3A_59 : vector<1x768xf32> to vector<256x768xf32>
    %sub3A_61 = arith.subf %get3A_1, %sub3A_60 : vector<256x768xf32>
    %mul3A_62 = arith.mulf %sub3A_61, %sub3A_61 : vector<256x768xf32>
    %reduce_sum3A_63 = vector.shape_cast %mul3A_62 : vector<256x768xf32> to vector<1x256x768xf32>
    %reduce_sum3A_64 = arith.constant dense<0.000000e+00> : vector<1xf32>
    %reduce_sum3A_65 = vector.multi_reduction <add>, %reduce_sum3A_63, %reduce_sum3A_64 [1, 2] : vector<1x256x768xf32> to vector<1xf32>
    %reduce_sum3A_66 = vector.shape_cast %reduce_sum3A_65 : vector<1xf32> to vector<1x1x1xf32>
    %reduce_sum3A_67 = vector.extract %reduce_sum3A_66[0, 0, 0] : f32 from vector<1x1x1xf32>
    %reshape3A = vector.broadcast %reduce_sum3A_67 : f32 to vector<1x1xf32>
    %eq3A = arith.constant 0 : i32
    %eq3A_68 = arith.cmpi eq, %arg0, %eq3A : i32
    %convert_element_type3A_69 = arith.extui %eq3A_68 : i1 to i32
    %cond3A = arith.constant 0 : i32
    %cond3A_70 = arith.cmpi ne, %convert_element_type3A_69, %cond3A : i32
    scf.if %cond3A_70 {
      %swap3A_192 = arith.constant 0 : index
      %swap3A_193 = arith.constant 0 : index
      %swap3A_194 = vector.load %arg13[%swap3A_192, %swap3A_193] : memref<1x1xf32, #tpu.memory_space<vmem>>, vector<1x1xf32>
      tpu.vector_store %arg13[%swap3A_192, %swap3A_193], %reshape3A {strides = array<i32>} : memref<1x1xf32, #tpu.memory_space<vmem>>, vector<1x1xf32>,
    } else {
    }
    %gt3A = arith.constant 0 : i32
    %gt3A_71 = arith.cmpi sgt, %arg0, %gt3A : i32
    %convert_element_type3A_72 = arith.extui %gt3A_71 : i1 to i32
    %cond3A_73 = arith.constant 0 : i32
    %cond3A_74 = arith.cmpi ne, %convert_element_type3A_72, %cond3A_73 : i32
    scf.if %cond3A_74 {
      %get3A_192 = arith.constant 0 : index
      %get3A_193 = arith.constant 0 : index
      %get3A_194 = vector.load %arg13[%get3A_192, %get3A_193] : memref<1x1xf32, #tpu.memory_space<vmem>>, vector<1x1xf32>
      %add3A_195 = arith.addf %get3A_194, %reshape3A : vector<1x1xf32>
      %swap3A_196 = arith.constant 0 : index
      %swap3A_197 = arith.constant 0 : index
      %swap3A_198 = vector.load %arg13[%swap3A_196, %swap3A_197] : memref<1x1xf32, #tpu.memory_space<vmem>>, vector<1x1xf32>
      tpu.vector_store %arg13[%swap3A_196, %swap3A_197], %add3A_195 {strides = array<i32>} : memref<1x1xf32, #tpu.memory_space<vmem>>, vector<1x1xf32>,
    } else {
    }
    %gt3A_75 = arith.constant 0.000000e+00 : f32
    %gt3A_76 = vector.broadcast %gt3A_75 : f32 to vector<256x4xf32>
    %gt3A_77 = arith.cmpf ogt, %get3A_4, %gt3A_76 : vector<256x4xf32>
    %iota3A = tpu.iota {dimensions = array<i32: 1>} : vector<256x8xi32>
    %broadcast_in_dim3A_78 = arith.constant true
    %broadcast_in_dim3A_79 = vector.broadcast %broadcast_in_dim3A_78 : i1 to vector<256x8xi1>
    %slice3A_80 = vector.extract_strided_slice %gt3A_77 {offsets = [0, 0], sizes = [256, 1], strides = [1, 1]} : vector<256x4xi1> to vector<256x1xi1>
    %slice3A_81 = vector.extract_strided_slice %get3A_7 {offsets = [0, 0], sizes = [256, 1], strides = [1, 1]} : vector<256x4xi32> to vector<256x1xi32>
    %eq3A_82 = vector.broadcast %slice3A_81 : vector<256x1xi32> to vector<256x8xi32>
    %eq3A_83 = arith.cmpi eq, %eq3A_82, %iota3A : vector<256x8xi32>
    %and3A = vector.broadcast %slice3A_80 : vector<256x1xi1> to vector<256x8xi1>
    %and3A_84 = arith.andi %and3A, %eq3A_83 : vector<256x8xi1>
    %not3A = arith.constant dense<true> : vector<256x8xi1>
    %not3A_85 = arith.xori %and3A_84, %not3A : vector<256x8xi1>
    %and3A_86 = arith.andi %broadcast_in_dim3A_79, %not3A_85 : vector<256x8xi1>
    %slice3A_87 = vector.extract_strided_slice %gt3A_77 {offsets = [0, 1], sizes = [256, 1], strides = [1, 1]} : vector<256x4xi1> to vector<256x1xi1>
    %slice3A_88 = vector.extract_strided_slice %get3A_7 {offsets = [0, 1], sizes = [256, 1], strides = [1, 1]} : vector<256x4xi32> to vector<256x1xi32>
    %eq3A_89 = vector.broadcast %slice3A_88 : vector<256x1xi32> to vector<256x8xi32>
    %eq3A_90 = arith.cmpi eq, %eq3A_89, %iota3A : vector<256x8xi32>
    %and3A_91 = vector.broadcast %slice3A_87 : vector<256x1xi1> to vector<256x8xi1>
    %and3A_92 = arith.andi %and3A_91, %eq3A_90 : vector<256x8xi1>
    %not3A_93 = arith.constant dense<true> : vector<256x8xi1>
    %not3A_94 = arith.xori %and3A_92, %not3A_93 : vector<256x8xi1>
    %and3A_95 = arith.andi %and3A_86, %not3A_94 : vector<256x8xi1>
    %slice3A_96 = vector.extract_strided_slice %gt3A_77 {offsets = [0, 2], sizes = [256, 1], strides = [1, 1]} : vector<256x4xi1> to vector<256x1xi1>
    %slice3A_97 = vector.extract_strided_slice %get3A_7 {offsets = [0, 2], sizes = [256, 1], strides = [1, 1]} : vector<256x4xi32> to vector<256x1xi32>
    %eq3A_98 = vector.broadcast %slice3A_97 : vector<256x1xi32> to vector<256x8xi32>
    %eq3A_99 = arith.cmpi eq, %eq3A_98, %iota3A : vector<256x8xi32>
    %and3A_100 = vector.broadcast %slice3A_96 : vector<256x1xi1> to vector<256x8xi1>
    %and3A_101 = arith.andi %and3A_100, %eq3A_99 : vector<256x8xi1>
    %not3A_102 = arith.constant dense<true> : vector<256x8xi1>
    %not3A_103 = arith.xori %and3A_101, %not3A_102 : vector<256x8xi1>
    %and3A_104 = arith.andi %and3A_95, %not3A_103 : vector<256x8xi1>
    %slice3A_105 = vector.extract_strided_slice %gt3A_77 {offsets = [0, 3], sizes = [256, 1], strides = [1, 1]} : vector<256x4xi1> to vector<256x1xi1>
    %slice3A_106 = vector.extract_strided_slice %get3A_7 {offsets = [0, 3], sizes = [256, 1], strides = [1, 1]} : vector<256x4xi32> to vector<256x1xi32>
    %eq3A_107 = vector.broadcast %slice3A_106 : vector<256x1xi32> to vector<256x8xi32>
    %eq3A_108 = arith.cmpi eq, %eq3A_107, %iota3A : vector<256x8xi32>
    %and3A_109 = vector.broadcast %slice3A_105 : vector<256x1xi1> to vector<256x8xi1>
    %and3A_110 = arith.andi %and3A_109, %eq3A_108 : vector<256x8xi1>
    %not3A_111 = arith.constant dense<true> : vector<256x8xi1>
    %not3A_112 = arith.xori %and3A_110, %not3A_111 : vector<256x8xi1>
    %and3A_113 = arith.andi %and3A_104, %not3A_112 : vector<256x8xi1>
    %jit3A = arith.constant -1.000000e+00 : f32
    %broadcast_in_dim3A_114 = vector.broadcast %jit3A : f32 to vector<256x4xf32>
    %select_n3A = arith.select %gt3A_77, %get3A_4, %broadcast_in_dim3A_114 : vector<256x4xi1>, vector<256x4xf32>
    %jit3A_115 = arith.constant 0.000000e+00 : f32
    %jit3A_116 = arith.constant -1.000000e+00 : f32
    %broadcast_in_dim3A_117 = vector.broadcast %jit3A_115 : f32 to vector<256x8xf32>
    %broadcast_in_dim3A_118 = vector.broadcast %jit3A_116 : f32 to vector<256x8xf32>
    %select_n3A_119 = arith.select %and3A_113, %broadcast_in_dim3A_117, %broadcast_in_dim3A_118 : vector<256x8xi1>, vector<256x8xf32>
    %concatenate3A = tpu.concatenate %select_n3A, %select_n3A_119 in 1 : vector<256x4xf32>, vector<256x8xf32> -> vector<256x12xf32>
    %jit3A_120 = arith.constant 1073741824 : i32
    %broadcast_in_dim3A_121 = vector.broadcast %jit3A_120 : i32 to vector<256x4xi32>
    %select_n3A_122 = arith.select %gt3A_77, %get3A_7, %broadcast_in_dim3A_121 : vector<256x4xi1>, vector<256x4xi32>
    %jit3A_123 = arith.constant 1073741824 : i32
    %broadcast_in_dim3A_124 = vector.broadcast %jit3A_123 : i32 to vector<256x8xi32>
    %select_n3A_125 = arith.select %and3A_113, %iota3A, %broadcast_in_dim3A_124 : vector<256x8xi1>, vector<256x8xi32>
    %concatenate3A_126 = tpu.concatenate %select_n3A_122, %select_n3A_125 in 1 : vector<256x4xi32>, vector<256x8xi32> -> vector<256x12xi32>
    %reduce_max3A = arith.constant dense<0xFF800000> : vector<256xf32>
    %reduce_max3A_127 = vector.multi_reduction <maximumf>, %concatenate3A, %reduce_max3A [1] : vector<256x12xf32> to vector<256xf32>
    %broadcast_in_dim3A_128 = vector.shape_cast %reduce_max3A_127 : vector<256xf32> to vector<256x1xf32>
    %eq3A_129 = vector.broadcast %broadcast_in_dim3A_128 : vector<256x1xf32> to vector<256x12xf32>
    %eq3A_130 = arith.cmpf oeq, %concatenate3A, %eq3A_129 : vector<256x12xf32>
    %jit3A_131 = arith.constant 1073741824 : i32
    %broadcast_in_dim3A_132 = vector.broadcast %jit3A_131 : i32 to vector<256x12xi32>
    %select_n3A_133 = arith.select %eq3A_130, %concatenate3A_126, %broadcast_in_dim3A_132 : vector<256x12xi1>, vector<256x12xi32>
    %reduce_min3A = arith.constant dense<2147483647> : vector<256xi32>
    %reduce_min3A_134 = vector.multi_reduction <minsi>, %select_n3A_133, %reduce_min3A [1] : vector<256x12xi32> to vector<256xi32>
    %broadcast_in_dim3A_135 = vector.shape_cast %reduce_min3A_134 : vector<256xi32> to vector<256x1xi32>
    %eq3A_136 = vector.broadcast %broadcast_in_dim3A_135 : vector<256x1xi32> to vector<256x12xi32>
    %eq3A_137 = arith.cmpi eq, %concatenate3A_126, %eq3A_136 : vector<256x12xi32>
    %jit3A_138 = arith.constant -2.000000e+00 : f32
    %broadcast_in_dim3A_139 = vector.broadcast %jit3A_138 : f32 to vector<256x12xf32>
    %select_n3A_140 = arith.select %eq3A_137, %broadcast_in_dim3A_139, %concatenate3A : vector<256x12xi1>, vector<256x12xf32>
    %reduce_max3A_141 = arith.constant dense<0xFF800000> : vector<256xf32>
    %reduce_max3A_142 = vector.multi_reduction <maximumf>, %select_n3A_140, %reduce_max3A_141 [1] : vector<256x12xf32> to vector<256xf32>
    %broadcast_in_dim3A_143 = vector.shape_cast %reduce_max3A_142 : vector<256xf32> to vector<256x1xf32>
    %eq3A_144 = vector.broadcast %broadcast_in_dim3A_143 : vector<256x1xf32> to vector<256x12xf32>
    %eq3A_145 = arith.cmpf oeq, %select_n3A_140, %eq3A_144 : vector<256x12xf32>
    %jit3A_146 = arith.constant 1073741824 : i32
    %broadcast_in_dim3A_147 = vector.broadcast %jit3A_146 : i32 to vector<256x12xi32>
    %select_n3A_148 = arith.select %eq3A_145, %concatenate3A_126, %broadcast_in_dim3A_147 : vector<256x12xi1>, vector<256x12xi32>
    %reduce_min3A_149 = arith.constant dense<2147483647> : vector<256xi32>
    %reduce_min3A_150 = vector.multi_reduction <minsi>, %select_n3A_148, %reduce_min3A_149 [1] : vector<256x12xi32> to vector<256xi32>
    %broadcast_in_dim3A_151 = vector.shape_cast %reduce_min3A_150 : vector<256xi32> to vector<256x1xi32>
    %eq3A_152 = vector.broadcast %broadcast_in_dim3A_151 : vector<256x1xi32> to vector<256x12xi32>
    %eq3A_153 = arith.cmpi eq, %concatenate3A_126, %eq3A_152 : vector<256x12xi32>
    %jit3A_154 = arith.constant -2.000000e+00 : f32
    %broadcast_in_dim3A_155 = vector.broadcast %jit3A_154 : f32 to vector<256x12xf32>
    %select_n3A_156 = arith.select %eq3A_153, %broadcast_in_dim3A_155, %select_n3A_140 : vector<256x12xi1>, vector<256x12xf32>
    %reduce_max3A_157 = arith.constant dense<0xFF800000> : vector<256xf32>
    %reduce_max3A_158 = vector.multi_reduction <maximumf>, %select_n3A_156, %reduce_max3A_157 [1] : vector<256x12xf32> to vector<256xf32>
    %broadcast_in_dim3A_159 = vector.shape_cast %reduce_max3A_158 : vector<256xf32> to vector<256x1xf32>
    %eq3A_160 = vector.broadcast %broadcast_in_dim3A_159 : vector<256x1xf32> to vector<256x12xf32>
    %eq3A_161 = arith.cmpf oeq, %select_n3A_156, %eq3A_160 : vector<256x12xf32>
    %jit3A_162 = arith.constant 1073741824 : i32
    %broadcast_in_dim3A_163 = vector.broadcast %jit3A_162 : i32 to vector<256x12xi32>
    %select_n3A_164 = arith.select %eq3A_161, %concatenate3A_126, %broadcast_in_dim3A_163 : vector<256x12xi1>, vector<256x12xi32>
    %reduce_min3A_165 = arith.constant dense<2147483647> : vector<256xi32>
    %reduce_min3A_166 = vector.multi_reduction <minsi>, %select_n3A_164, %reduce_min3A_165 [1] : vector<256x12xi32> to vector<256xi32>
    %broadcast_in_dim3A_167 = vector.shape_cast %reduce_min3A_166 : vector<256xi32> to vector<256x1xi32>
    %eq3A_168 = vector.broadcast %broadcast_in_dim3A_167 : vector<256x1xi32> to vector<256x12xi32>
    %eq3A_169 = arith.cmpi eq, %concatenate3A_126, %eq3A_168 : vector<256x12xi32>
    %jit3A_170 = arith.constant -2.000000e+00 : f32
    %broadcast_in_dim3A_171 = vector.broadcast %jit3A_170 : f32 to vector<256x12xf32>
    %select_n3A_172 = arith.select %eq3A_169, %broadcast_in_dim3A_171, %select_n3A_156 : vector<256x12xi1>, vector<256x12xf32>
    %reduce_max3A_173 = arith.constant dense<0xFF800000> : vector<256xf32>
    %reduce_max3A_174 = vector.multi_reduction <maximumf>, %select_n3A_172, %reduce_max3A_173 [1] : vector<256x12xf32> to vector<256xf32>
    %broadcast_in_dim3A_175 = vector.shape_cast %reduce_max3A_174 : vector<256xf32> to vector<256x1xf32>
    %eq3A_176 = vector.broadcast %broadcast_in_dim3A_175 : vector<256x1xf32> to vector<256x12xf32>
    %eq3A_177 = arith.cmpf oeq, %select_n3A_172, %eq3A_176 : vector<256x12xf32>
    %jit3A_178 = arith.constant 1073741824 : i32
    %broadcast_in_dim3A_179 = vector.broadcast %jit3A_178 : i32 to vector<256x12xi32>
    %select_n3A_180 = arith.select %eq3A_177, %concatenate3A_126, %broadcast_in_dim3A_179 : vector<256x12xi1>, vector<256x12xi32>
    %reduce_min3A_181 = arith.constant dense<2147483647> : vector<256xi32>
    %reduce_min3A_182 = vector.multi_reduction <minsi>, %select_n3A_180, %reduce_min3A_181 [1] : vector<256x12xi32> to vector<256xi32>
    %broadcast_in_dim3A_183 = vector.shape_cast %reduce_min3A_182 : vector<256xi32> to vector<256x1xi32>
    %concatenate3A_184 = tpu.concatenate %broadcast_in_dim3A_128, %broadcast_in_dim3A_143, %broadcast_in_dim3A_159, %broadcast_in_dim3A_175 in 1 : vector<256x1xf32>, vector<256x1xf32>, vector<256x1xf32>, vector<256x1xf32> -> vector<256x4xf32>
    %swap3A_185 = arith.constant 0 : index
    %swap3A_186 = arith.constant 0 : index
    %swap3A_187 = vector.load %arg9[%swap3A_185, %swap3A_186] : memref<256x4xf32, #tpu.memory_space<vmem>>, vector<256x4xf32>
    tpu.vector_store %arg9[%swap3A_185, %swap3A_186], %concatenate3A_184 {strides = array<i32>} : memref<256x4xf32, #tpu.memory_space<vmem>>, vector<256x4xf32>,
    %concatenate3A_188 = tpu.concatenate %broadcast_in_dim3A_135, %broadcast_in_dim3A_151, %broadcast_in_dim3A_167, %broadcast_in_dim3A_183 in 1 : vector<256x1xi32>, vector<256x1xi32>, vector<256x1xi32>, vector<256x1xi32> -> vector<256x4xi32>
    %swap3A_189 = arith.constant 0 : index
    %swap3A_190 = arith.constant 0 : index
    %swap3A_191 = vector.load %arg10[%swap3A_189, %swap3A_190] : memref<256x4xi32, #tpu.memory_space<vmem>>, vector<256x4xi32>
    tpu.vector_store %arg10[%swap3A_189, %swap3A_190], %concatenate3A_188 {strides = array<i32>} : memref<256x4xi32, #tpu.memory_space<vmem>>, vector<256x4xi32>,
    return
  }
  func.func @transform_0(%arg0: i32) -> (i32, i32) {
    %c0_i32 = arith.constant 0 : i32
    %c0_i32_0 = arith.constant 0 : i32
    return %arg0, %c0_i32 : i32, i32
  }
  func.func @transform_1(%arg0: i32) -> (i32, i32) {
    %c0_i32 = arith.constant 0 : i32
    %c0_i32_0 = arith.constant 0 : i32
    %c0_i32_1 = arith.constant 0 : i32
    return %c0_i32, %c0_i32_0 : i32, i32
  }
  func.func @transform_2(%arg0: i32) -> (i32, i32) {
    %c0_i32 = arith.constant 0 : i32
    %c0_i32_0 = arith.constant 0 : i32
    return %arg0, %c0_i32 : i32, i32
  }
  func.func @transform_3(%arg0: i32) -> (i32, i32) {
    %c0_i32 = arith.constant 0 : i32
    %c0_i32_0 = arith.constant 0 : i32
    return %arg0, %c0_i32 : i32, i32
  }
  func.func @transform_4(%arg0: i32) -> (i32, i32) {
    %add3A = arith.constant 0 : i32
    %add3A_0 = arith.addi %add3A, %arg0 : i32
    %c0_i32 = arith.constant 0 : i32
    %c0_i32_1 = arith.constant 0 : i32
    return %add3A_0, %c0_i32 : i32, i32
  }
  func.func @transform_5(%arg0: i32) -> (i32, i32) {
    %add3A = arith.constant 4 : i32
    %add3A_0 = arith.addi %add3A, %arg0 : i32
    %c0_i32 = arith.constant 0 : i32
    %c0_i32_1 = arith.constant 0 : i32
    return %add3A_0, %c0_i32 : i32, i32
  }
  func.func @transform_6(%arg0: i32) -> (i32, i32) {
    %add3A = arith.constant 8 : i32
    %add3A_0 = arith.addi %add3A, %arg0 : i32
    %c0_i32 = arith.constant 0 : i32
    %c0_i32_1 = arith.constant 0 : i32
    return %add3A_0, %c0_i32 : i32, i32
  }
  func.func @transform_7(%arg0: i32) -> (i32, i32) {
    %add3A = arith.constant 12 : i32
    %add3A_0 = arith.addi %add3A, %arg0 : i32
    %c0_i32 = arith.constant 0 : i32
    %c0_i32_1 = arith.constant 0 : i32
    return %add3A_0, %c0_i32 : i32, i32
  }
  func.func @transform_8(%arg0: i32) -> (i32, i32) {
    %c0_i32 = arith.constant 0 : i32
    %c0_i32_0 = arith.constant 0 : i32
    return %arg0, %c0_i32 : i32, i32
  }
  func.func @transform_9(%arg0: i32) -> (i32, i32) {
    %c0_i32 = arith.constant 0 : i32
    %c0_i32_0 = arith.constant 0 : i32
    return %arg0, %c0_i32 : i32, i32
  }
  func.func @transform_10(%arg0: i32) -> (i32, i32) {
    %c0_i32 = arith.constant 0 : i32
    %c0_i32_0 = arith.constant 0 : i32
    return %arg0, %c0_i32 : i32, i32
  }
  func.func @transform_11(%arg0: i32) -> (i32, i32) {
    %c0_i32 = arith.constant 0 : i32
    %c0_i32_0 = arith.constant 0 : i32
    return %arg0, %c0_i32 : i32, i32
  }
  func.func @transform_12(%arg0: i32) -> (i32, i32) {
    %c0_i32 = arith.constant 0 : i32
    %c0_i32_0 = arith.constant 0 : i32
    %c0_i32_1 = arith.constant 0 : i32
    return %c0_i32, %c0_i32_0 : i32, i32
  }
}

</mosaic_0001>

<sc_bundles>
// kernel: kernel.16.cloned.1.call-start
scs
__scs_entry_jumppad:
0x0: {  	(pc) =	sbr.rel $0x88, $3  }
0x1: {  	(tag) =	ssettag $0x0;
	lr =	simm.s32 $0x1  }
0x2: {  	[smem:$0x3F9C] =	sst lr;
	_ =	strace $0xD0000000  }
0x3: {  	_ = 	snop  }
0x4: {  	_ = 	snop  }
0x5: {  	_ = 	snop  }
0x6: {  	_ = 	snop  }
0x7: {  	_ = 	snop  }
__scs_overlays_trampoline_lowered:
0x8: {  	[smem:$0x3FAB] =	sst s0  }
0x9: {  	[smem:$0x3FAC] =	sst s1  }
0xa: {  	[smem:$0x3FAD] =	sst s2  }
0xb: {  	[smem:$0x3FAE] =	sst s3  }
0xc: {  	[smem:$0x3FAF] =	sst s4  }
0xd: {  	[smem:$0x3FB0] =	sst s5  }
0xe: {  	[smem:$0x3FB1] =	sst s6  }
0xf: {  	[smem:$0x3FB2] =	sst s7  }
0x10: {  	[smem:$0x3FB3] =	sst s8  }
0x11: {  	[smem:$0x3FB4] =	sst s9;
	s0 =	simm.s32 @!p0 $0x0  }
0x12: {  	s1 =	sld [smem:$0x3F9A];
	s0 =	simm.s32 @p0 $0x1  }
0x13: {  	[smem:$0x3FB5] =	sst s0;
	s0 =	simm.s32 @!p1 $0x0  }
0x14: {  	s2 =	sld [smem:$0x3F99];
	s0 =	simm.s32 @p1 $0x1  }
0x15: {  	[smem:$0x3FB6] =	sst s0;
	s0 =	simm.s32 @!p2 $0x0  }
0x16: {  	s3 =	sld [smem:$0x3FDB];
	s0 =	simm.s32 @p2 $0x1  }
0x17: {  	s4 =	simm.s32 $0x1BF5;
	[smem:$0x3FB8] =	sst s0  }
0x18: {  	s0 =	sld [smem:$0x3F9B];
	_ =	swait.ge [sflag:s4], $0x0  }
0x19: {  	s7 =	sld [smem:$0x3F9C]  }
0x1a: {  	s8 =	sadd.s32 $0xFFFFE003, lr  }
0x1b: {  	s9 =	sadd.s32 $0xFFFFFEF7, lr;
	s5 =	simm.s32 $0xFFFFFFFF;
	p2 =	slt.u32 s8, $0xFFFFF086  }
0x1c: {  	p1 =	slt.u32 s9, $0xF7A;
	s5 =	simm.s32 @!p2 $0x0  }
0x1d: {  	s5 =	simm.s32 @p1 $0x1;
	p0 =	seq.s32 s7, s2  }
0x1e: {  	s7 =	smul.u32 @!p0 $0xF7A, s2;
	p2 =	seq.s32 @!p0 s5, $0x0  }
0x1f: {  	s9 =	smul.u32 $0xF7A, s1;
	s8 =	simm.s32 @!p0 $0x1BF5;
	p2 =	por !p2, p0  }
0x20: {  	[sflag:s8] =	ssyncset.s32 @!p0 $0xFFFFF086;
	s6 =	sadd.s32 @!p0 s3, s7;
	s7 =	simm.s32 @!p0 $0x108  }
0x21: {  	s3 =	sadd.s32 s3, s9;
	s6 =	sadd.s32 @!p0 $0x88, s6;
	s7 =	simm.s32 @p2 $0x1082  }
0x22: {  	[simem:s7], [sflag:s8] =	dma.local @!p0 [hbm:s6], $0xF7A  }
0x23: {  	s9 =	sor.u32 $0xD0000000, s2;
	s6 =	simm.s32 $0x108;
	_ =	swait.ge @!p0 [sflag:s8], $0x0  }
0x24: {  	s3 =	sadd.s32 $0x88, s3;
	s6 =	simm.s32 @!p1 $0x1082;
	[sflag:s4] =	ssyncset.s32 $0xFFFFF086  }
0x25: {  	[simem:s6], [sflag:s4] =	dma.local [hbm:s3], $0xF7A  }
0x26: {  	[smem:$0x3F9C] =	sst s1;
	(tag) =	ssettag s2;
	_ =	strace s9  }
0x27: {  	s1 =	sld [smem:$0x3FAC]  }
0x28: {  	s2 =	sld [smem:$0x3FAD]  }
0x29: {  	s4 =	sld [smem:$0x3FAF]  }
0x2a: {  	p0 =	seq.s32 s5, $0x0;
	s5 =	sld [smem:$0x3FB0]  }
0x2b: {  	s6 =	sld [smem:$0x3FB1]  }
0x2c: {  	s7 =	sld [smem:$0x3FB2]  }
0x2d: {  	s3 =	simm.s32 $0x108;
	s8 =	sld [smem:$0x3FB3]  }
0x2e: {  	s3 =	simm.s32 @!p0 $0x1082;
	s9 =	sld [smem:$0x3FB4]  }
0x2f: {  	lr =	sadd.s32 s0, s3;
	s0 =	sld [smem:$0x3FAB]  }
0x30: {  	s3 =	sld [smem:$0x3FAE]  }
0x31: {  	[smem:$0x3FB7] =	sst s10  }
0x32: {  	s10 =	sld [smem:$0x3FB5];
	_ =	sdelay $0x3  }
0x33: {  	p0 =	seq.s32 s10, $0x1;
	s10 =	sld [smem:$0x3FB7];
	_ =	sdelay $0x3  }
0x34: {  	[smem:$0x3FB7] =	sst s10  }
0x35: {  	s10 =	sld [smem:$0x3FB6];
	_ =	sdelay $0x3  }
0x36: {  	p1 =	seq.s32 s10, $0x1;
	s10 =	sld [smem:$0x3FB7];
	_ =	sdelay $0x3  }
0x37: {  	[smem:$0x3FB7] =	sst s10  }
0x38: {  	s10 =	sld [smem:$0x3FB8]  }
0x39: {  	_ = 	snop;
	(pc) =	sbr.ind lr, $3  }
0x3a: {  	_ = 	snop  }
0x3b: {  	_ = 	snop  }
0x3c: {  	p2 =	seq.s32 s10, $0x1;
	s10 =	sld [smem:$0x3FB7]  }
0x3d: {  	_ =	shalt  }
0x3e: {  	_ =	shalt  }
0x3f: {  	_ =	shalt  }
0x40: {  	_ =	shalt  }
0x41: {  	_ =	shalt  }
0x42: {  	_ =	shalt  }
0x43: {  	_ =	shalt  }
0x44: {  	_ =	shalt  }
0x45: {  	_ =	shalt  }
0x46: {  	_ =	shalt  }
0x47: {  	_ =	shalt  }
0x48: {  	_ =	shalt  }
0x49: {  	_ =	shalt  }
0x4a: {  	_ =	shalt  }
0x4b: {  	_ =	shalt  }
0x4c: {  	_ =	shalt  }
0x4d: {  	_ =	shalt  }
0x4e: {  	_ =	shalt  }
0x4f: {  	_ =	shalt  }
0x50: {  	_ =	shalt  }
0x51: {  	_ =	shalt  }
0x52: {  	_ =	shalt  }
0x53: {  	_ =	shalt  }
0x54: {  	_ =	shalt  }
0x55: {  	_ =	shalt  }
0x56: {  	_ =	shalt  }
0x57: {  	_ =	shalt  }
0x58: {  	_ =	shalt  }
0x59: {  	_ =	shalt  }
0x5a: {  	_ =	shalt  }
0x5b: {  	_ =	shalt  }
0x5c: {  	_ =	shalt  }
0x5d: {  	_ =	shalt  }
0x5e: {  	_ =	shalt  }
0x5f: {  	_ =	shalt  }
0x60: {  	_ =	shalt  }
0x61: {  	_ =	shalt  }
0x62: {  	_ =	shalt  }
0x63: {  	_ =	shalt  }
0x64: {  	_ =	shalt  }
0x65: {  	_ =	shalt  }
0x66: {  	_ =	shalt  }
0x67: {  	_ =	shalt  }
0x68: {  	_ =	shalt  }
0x69: {  	_ =	shalt  }
0x6a: {  	_ =	shalt  }
0x6b: {  	_ =	shalt  }
0x6c: {  	_ =	shalt  }
0x6d: {  	_ =	shalt  }
0x6e: {  	_ =	shalt  }
0x6f: {  	_ =	shalt  }
0x70: {  	_ =	shalt  }
0x71: {  	_ =	shalt  }
0x72: {  	_ =	shalt  }
0x73: {  	_ =	shalt  }
0x74: {  	_ =	shalt  }
0x75: {  	_ =	shalt  }
0x76: {  	_ =	shalt  }
0x77: {  	_ =	shalt  }
0x78: {  	_ =	shalt  }
0x79: {  	_ =	shalt  }
0x7a: {  	_ =	shalt  }
0x7b: {  	_ =	shalt  }
0x7c: {  	_ =	shalt  }
0x7d: {  	_ =	shalt  }
0x7e: {  	_ =	shalt  }
0x7f: {  	_ =	shalt  }
0x80: {  	_ =	shalt  }
0x81: {  	_ =	shalt  }
0x82: {  	_ =	shalt  }
0x83: {  	_ =	shalt  }
0x84: {  	_ =	shalt  }
0x85: {  	_ =	shalt  }
0x86: {  	_ =	shalt  }
0x87: {  	_ =	shalt  }
.Lfunc_end0:
.L_simem_size_0:
called_computation_lowered:
.L_overlay_start_0:
0x88: {  	s2 =	sld [smem:$0x3FD9]  }
0x89: {  	s3 =	sld [smem:$0x3FFE];
	_ =	sdelay $0x1  }
0x8a: {  	s1 =	srdreg.scid  }
0x8b: {  	s0 =	sand.u32 $0x1, s1  }
0x8c: {  	s15 =	sshll.u32 s0, $0xA;
	s2 =	sadd.s32 s3, s2  }
0x8d: {  	s2 =	sadd.s32 s2, s15  }
0x8e: {  	[smem:$0x3FC3] =	sst s2  }
0x8f: {  	_ = 	snop  }
0x90: {  	s2 =	sld [smem:$0x3FD0];
	_ =	sdelay $0x2  }
0x91: {  	s4 =	simm.s32 $0xB;
	s5 =	simm.s32 $0x10;
	s16 =	sld [smem:$0x3FC7]  }
0x92: {  	[smem:s5], [sflag:s4] =	dma.local [hbm:s2], $0x1  }
0x93: {  	_ =	swait.eq [sflag:s4], $0x1  }
0x94: {  	[sflag:s4] =	ssyncset.done $0x0  }
0x95: {  	s17 =	sld [smem:$0x13];
	[sflag:s4] =	ssyncadd.s32 $0xFFFFFFFF  }
0x96: {  	s18 =	sld [smem:$0x14];
	(tm) =	ssettm $0x1  }
0x97: {  	s19 =	sld [smem:$0x3FFB];
	_ =	sdelay $0x3  }
0x98: {  	_ =	strace s19  }
0x99: {  	s5 =	sld [smem:$0x3FFC];
	_ =	sdelay $0x3  }
0x9a: {  	_ =	strace s5  }
0x9b: {  	s5 =	sld [smem:$0x3FFD];
	_ =	sdelay $0x3  }
0x9c: {  	_ =	strace s5  }
0x9d: {  	_ =	strace $0x8FFFFFFF  }
0x9e: {  	s20 =	sld [smem:$0x3FDB];
	_ =	sdelay $0x1  }
0x9f: {  	s6 =	simm.s32 $_scs_section_size  }
0xa0: {  	s7 =	simm.s32 $_size__tile_overlayer_lowered;
	s8 =	simm.s32 $_tile_overlayer_lowered  }
0xa1: {  	s23 =	simm.s32 $0x1BFF;
	s22 =	sshll.u32 s8, $0x1;
	s5 =	sadd.s32 s6, s20  }
0xa2: {  	s9 =	simm.s32 $0x0;
	s21 =	sshll.u32 s7, $0x1;
	s7 =	sadd.s32 s22, s5  }
0xa3: {  	[timem:s9], [sflag:s23] =	dma.local [hbm:s7], s21  }
0xa4: {  	_ =	swait.ge [sflag:s23], s21  }
0xa5: {  	s6 =	ssub.s32 $0x0, s21;
	[sflag:s23] =	ssyncset.done $0x0  }
0xa6: {  	[sflag:s23] =	ssyncadd.s32 s6;
	_ =	sdelay $0x1  }
0xa7: {  	s24 =	simm.s32 $0x1B8B  }
0xa8: {  	_ =	swait.ge [sflag:s24], $0x1  }
0xa9: {  	[sflag:s24] =	ssyncset.done $0x0  }
0xaa: {  	s25 =	simm.s32 $0x1B8E;
	[sflag:s24] =	ssyncadd.s32 $0xFFFFFFFF  }
0xab: {  	s26 =	simm.s32 $execute0_lowered;
	[smem:$0x3FD2] =	sst s25  }
0xac: {  	s6 =	sshll.u32 s26, $0x1;
	_ =	strace $0x80000046;
	[dreg:$0x1] =	wrdreg $0xFFFFFFFF  }
0xad: {  	s28 =	simm.s32 $_size_execute0_lowered;
	s5 =	sadd.s32 s5, s6;
	[dreg:$0x0] =	wrdreg $0x0  }
0xae: {  	s6 =	sshll.u32 s28, $0x1;
	[dreg:$0x2] =	wrdreg s5  }
0xaf: {  	[dreg:$0x3] =	wrdreg s6  }
0xb0: {  	[dreg:$0x4] =	wrdreg $0xC0  }
0xb1: {  	_ =	task [dreg:s9], $0x5FFFF  }
0xb2: {  	[dreg:$0x1] =	wrdreg $0xFFFFFFFF  }
0xb3: {  	[dreg:$0x0] =	wrdreg $0x60  }
0xb4: {  	[dreg:$0x2] =	wrdreg s16  }
0xb5: {  	[dreg:$0x3] =	wrdreg s18  }
0xb6: {  	[dreg:$0x4] =	wrdreg s17  }
0xb7: {  	[dreg:$0x5] =	wrdreg $0x9  }
0xb8: {  	_ =	task.clear_ibuf [dreg:s9], $0x6FFFF;
	_ =	strace $0x90000046  }
0xb9: {  	s29 =	simm.s32 $0x9;
	_ =	strace $0x80000048  }
0xba: {  	_ =	swait.ge [sflag:s29], $0x1  }
0xbb: {  	[sflag:s29] =	ssyncadd.s32 $0xFFFFFFFF  }
0xbc: {  	_ =	strace $0x90000048  }
0xbd: {  	_ =	sfence  }
0xbe: {  	s30 =	sld [smem:$0x0];
	_ =	sdelay $0x2  }
0xbf: {  	s31 =	sshll.u32 s1, $0xD;
	s1 =	sshrl.u32 s1, $0x2  }
0xc0: {  	s3 =	sand.u32 $0x4000, s31;
	s1 =	sadd.s32 s1, s30  }
0xc1: {  	s0 =	sor.u32 s3, s0;
	s1 =	sshll.u32 s1, $0x11  }
0xc2: {  	s0 =	sor.u32 s1, s0  }
0xc3: {  	s0 =	sadd.s32 $0x8F2B, s0  }
0xc4: {  	[sflag:s0] =	ssyncadd.remote.s32 $0x1  }
0xc5: {  	_ =	sfence.sel $0xFFFF  }
0xc6: {  	[dreg:$0x0] =	wrdreg $0xFFFFFFFF;
	(pc) =	sbr.abs _section_cstart, $3  }
0xc7: {  	[dreg:$0x1] =	wrdreg $0xFFFFFFFF  }
0xc8: {  	_ =	task.clear_ibuf [dreg:s9], $0x2FFFF;
	_ =	strace $0x9FFFFFFF  }
0xc9: {  	(tm) =	ssettm $0x7FFFFFFF  }
tec
execute0_lowered:
.L_overlay_start_1:
0x0: {  	(tag) =	ssettag $0x1  }
0x1: {  	s2 =	rddreg [dreg:$0x0]  }
0x2: {  	s4 =	rddreg [dreg:$0x1];
	s0 =	srdreg.scid  }
0x3: {  	s7 =	rddreg [dreg:$0x2];
	s1 =	stileid.u32;
	s3 =	simm.s32 $0x0  }
0x4: {  	s10 =	simm.s32 $0x80;
	s11 =	simm.s32 $0x880;
	s12 =	simm.s32 $0x1080  }
0x5: {  	s13 =	simm.s32 $0x1880;
	s14 =	simm.s32 $0x2080;
	s15 =	simm.s32 $0x2880  }
0x6: {  	s16 =	simm.s32 $0x3080;
	s17 =	simm.s32 $0x3880;
	s18 =	simm.s32 $0x4080  }
0x7: {  	s19 =	simm.s32 $0x4880;
	s20 =	simm.s32 $0x5080;
	s21 =	simm.s32 $0x5880  }
0x8: {  	s22 =	simm.s32 $0x1;
	s5 =	sand.u32 $0x1, s0;
	s0 =	rddreg [dreg:$0x3]  }
0x9: {  	s6 =	sshll.u32 s1, $0x3;
	s8 =	sshll.u32 s5, $0x2;
	s5 =	ssub.s32 $0x2, s5  }
0xa: {  	[smem:$0x7FF] =	sst s3;
	s6 =	sor.u32 s8, s6;
	s31 =	sshrl.u32 s5, $0x1  }
0xb: {  	v2 =	vlaneseq.u32;
	_ =	strace $0x80000047;
	s9 =	smul.u32 $0x300, s6;
	s8 =	ssub.s32 s5, s31  }
0xc: {  	vm0 =	vmmov $0xffff;
	v1 =	vshrl.u32 v2, $0x3;
	s4 =	sadd.s32 s4, s6;
	s5 =	sadd.s32 $0x100, s2;
	s6 =	sadd.s32 $0x200, s2  }
0xd: {  	v0 =	vand.u32 $0x7, v2;
	v2 =	vor.u32 $0x8, v2;
	v1 =	vmul.u32 $0x8, v1;
	s8 =	smax.u32 s8, $0x1;
	s7 =	sadd.s32 s7, s9;
	s9 =	simm.s32 $0x2  }
.LBB2_1:
0xe: {  	[tilespmem:s3], [sflag:$0x2] =	stream.linear.gather [hbm4b:s4+s3], $0x20, $0x38;
	[tilespmem:$0x6080] =	vst v63  }
0xf: {  	_ =	swait.ge [sflag:s9], $0x20  }
0x10: {  	[sflag:s9] =	ssyncset.done $0x0  }
0x11: {  	[sflag:s9] =	ssyncadd.s32 $0xFFFFFFE0  }
0x12: {  	v3 =	vld [tilespmem:$0x0];
	_ =	sdelay $0x4  }
0x13: {  	v4 =	vshrl.u32 v3, $0x3  }
0x14: {  	v4 =	vmul.u32 $0x30, v4  }
0x15: {  	v3 =	vand.u32 $0x7, v3  }
0x16: {  	v3 =	vor.u32 v3, v4  }
0x17: {  	v4 =	vperm.xlane v3, v0;
	_ =	sdelay $0x1  }
0x18: {  	v4 =	vadd.s32 v1, v4;
	_ =	sdelay $0x3  }
0x19: {  	v3 =	vperm.xlane v3, v2  }
0x1a: {  	[tilespmem:s10], [sflag:$0x1] =	stream.indirect_vreg.gather [hbm4b:s2+s3], $0x80, v4, vm0, $0xb8;
	[tilespmem:$0x6080] =	vst v63  }
0x1b: {  	v3 =	vadd.s32 v1, v3  }
0x1c: {  	[tilespmem:s11], [sflag:$0x1] =	stream.indirect_vreg.gather [hbm4b:s5+s3], $0x80, v4, vm0, $0xb8;
	[tilespmem:$0x6080] =	vst v63  }
0x1d: {  	_ = 	snop  }
0x1e: {  	[tilespmem:s12], [sflag:$0x1] =	stream.indirect_vreg.gather [hbm4b:s6+s3], $0x80, v4, vm0, $0xb8;
	[tilespmem:$0x6080] =	vst v63  }
0x1f: {  	_ = 	snop  }
0x20: {  	[tilespmem:s13], [sflag:$0x1] =	stream.indirect_vreg.gather [hbm4b:s2+s3], $0x80, v3, vm0, $0xb8;
	[tilespmem:$0x6080] =	vst v63  }
0x21: {  	_ = 	snop  }
0x22: {  	[tilespmem:s14], [sflag:$0x1] =	stream.indirect_vreg.gather [hbm4b:s5+s3], $0x80, v3, vm0, $0xb8;
	[tilespmem:$0x6080] =	vst v63  }
0x23: {  	_ = 	snop  }
0x24: {  	[tilespmem:s15], [sflag:$0x1] =	stream.indirect_vreg.gather [hbm4b:s6+s3], $0x80, v3, vm0, $0xb8;
	[tilespmem:$0x6080] =	vst v63  }
0x25: {  	v3 =	vld [tilespmem:$0x10];
	_ =	sdelay $0x4  }
0x26: {  	v63 =	vshrl.u32 v3, $0x3  }
0x27: {  	v4 =	vmul.u32 $0x30, v63  }
0x28: {  	v3 =	vand.u32 $0x7, v3  }
0x29: {  	v3 =	vor.u32 v3, v4  }
0x2a: {  	v4 =	vperm.xlane v3, v0;
	_ =	sdelay $0x1  }
0x2b: {  	v4 =	vadd.s32 v1, v4;
	_ =	sdelay $0x3  }
0x2c: {  	v3 =	vperm.xlane v3, v2  }
0x2d: {  	[tilespmem:s16], [sflag:$0x1] =	stream.indirect_vreg.gather [hbm4b:s2+s3], $0x80, v4, vm0, $0xb8;
	[tilespmem:$0x6080] =	vst v63  }
0x2e: {  	v3 =	vadd.s32 v1, v3  }
0x2f: {  	[tilespmem:s17], [sflag:$0x1] =	stream.indirect_vreg.gather [hbm4b:s5+s3], $0x80, v4, vm0, $0xb8;
	[tilespmem:$0x6080] =	vst v63  }
0x30: {  	_ = 	snop  }
0x31: {  	[tilespmem:s18], [sflag:$0x1] =	stream.indirect_vreg.gather [hbm4b:s6+s3], $0x80, v4, vm0, $0xb8;
	[tilespmem:$0x6080] =	vst v63  }
0x32: {  	_ = 	snop  }
0x33: {  	[tilespmem:s19], [sflag:$0x1] =	stream.indirect_vreg.gather [hbm4b:s2+s3], $0x80, v3, vm0, $0xb8;
	[tilespmem:$0x6080] =	vst v63  }
0x34: {  	_ = 	snop  }
0x35: {  	[tilespmem:s20], [sflag:$0x1] =	stream.indirect_vreg.gather [hbm4b:s5+s3], $0x80, v3, vm0, $0xb8;
	[tilespmem:$0x6080] =	vst v63  }
0x36: {  	_ = 	snop  }
0x37: {  	[tilespmem:s21], [sflag:$0x1] =	stream.indirect_vreg.gather [hbm4b:s6+s3], $0x80, v3, vm0, $0xb8;
	[tilespmem:$0x6080] =	vst v63  }
0x38: {  	_ =	swait.ge [sflag:s22], $0x6000  }
0x39: {  	p0 =	sne.s32 s8, $0x1;
	[sflag:s22] =	ssyncset.done $0x0  }
.Ltmp0:
0x3a: {  	[sflag:s22] =	ssyncadd.s32 $0xFFFFA000;
	(pc) =	sbr.rel @p0 .LBB2_1-.Ltmp0, $4  }
0x3b: {  	[hbm4b:s7+s3] =	stream.linear.scatter [tilespmem:s10], [sflag:$0x2], $0x6000, $0x38;
	[tilespmem:$0x6080] =	vst v63  }
0x3c: {  	_ =	swait.ge [sflag:s9], $0x6000  }
0x3d: {  	[sflag:s9] =	ssyncset.done $0x0  }
0x3e: {  	s8 =	sadd.s32 $0xFFFFFFFF, s8;
	[sflag:s9] =	ssyncadd.s32 $0xFFFFA000  }
0x3f: {  	_ =	sfence.sel $0x180000  }
0x40: {  	[bflag:$0x0] =	sbarrier.arrive $0xFFFF  }
0x41: {  	p0 =	sne.s32 s1, $0x0;
	_ =	strace $0x90000047  }
0x42: {  	s0 =	sadd.s32 @!p0 $0x100000, s0;
	[bflag:$0x2] =	sbarrier.arrive $0xFFFF  }
0x43: {  	[sflag:s0] =	ssyncadd.tile.s32 @!p0 $0x1;
	_ =	shalt  }
.Lfunc_end2:
_tile_overlayer_lowered:
.L_overlay_start_2:
0x44: {  	(tag) =	ssettag $0x2  }
0x45: {  	s0 =	rddreg [dreg:$0x0];
	s2 =	stileid.u32  }
0x46: {  	s1 =	rddreg [dreg:$0x1];
	p0 =	sne.s32 s2, $0x0  }
0x47: {  	s3 =	rddreg [dreg:$0x2];
	[bflag:$0x3] =	sbarrier.arrive $0xFFFF;
	s2 =	simm.s32 @!p0 $0x1C02  }
0x48: {  	[timem:s3], [sflag:s2] =	dma.local @!p0 [hbm:s0], s1  }
0x49: {  	s0 =	simm.s32 @!p0 $0x2  }
0x4a: {  	_ =	swait.ge @!p0 [sflag:s0], s1  }
0x4b: {  	s1 =	ssub.s32 @!p0 $0x0, s1;
	[sflag:s0] =	ssyncset.done @!p0 $0x0  }
0x4c: {  	[sflag:s0] =	ssyncadd.s32 @!p0 s1  }
0x4d: {  	[bflag:$0x3] =	sbarrier.arrive $0xFFFF  }
0x4e: {  	_ =	shalt  }

// kernel: kernel.19.cloned.1.call-start
scs
__scs_entry_jumppad:
0x0: {  	(pc) =	sbr.rel $0x88, $3  }
0x1: {  	(tag) =	ssettag $0x0;
	lr =	simm.s32 $0x1  }
0x2: {  	[smem:$0x3F9C] =	sst lr;
	_ =	strace $0xD0000000  }
0x3: {  	_ = 	snop  }
0x4: {  	_ = 	snop  }
0x5: {  	_ = 	snop  }
0x6: {  	_ = 	snop  }
0x7: {  	_ = 	snop  }
__scs_overlays_trampoline_lowered:
0x8: {  	[smem:$0x3FAB] =	sst s0  }
0x9: {  	[smem:$0x3FAC] =	sst s1  }
0xa: {  	[smem:$0x3FAD] =	sst s2  }
0xb: {  	[smem:$0x3FAE] =	sst s3  }
0xc: {  	[smem:$0x3FAF] =	sst s4  }
0xd: {  	[smem:$0x3FB0] =	sst s5  }
0xe: {  	[smem:$0x3FB1] =	sst s6  }
0xf: {  	[smem:$0x3FB2] =	sst s7  }
0x10: {  	[smem:$0x3FB3] =	sst s8  }
0x11: {  	[smem:$0x3FB4] =	sst s9;
	s0 =	simm.s32 @!p0 $0x0  }
0x12: {  	s1 =	sld [smem:$0x3F9A];
	s0 =	simm.s32 @p0 $0x1  }
0x13: {  	[smem:$0x3FB5] =	sst s0;
	s0 =	simm.s32 @!p1 $0x0  }
0x14: {  	s2 =	sld [smem:$0x3F99];
	s0 =	simm.s32 @p1 $0x1  }
0x15: {  	[smem:$0x3FB6] =	sst s0;
	s0 =	simm.s32 @!p2 $0x0  }
0x16: {  	s3 =	sld [smem:$0x3FDB];
	s0 =	simm.s32 @p2 $0x1  }
0x17: {  	s4 =	simm.s32 $0x1BF5;
	[smem:$0x3FB8] =	sst s0  }
0x18: {  	s0 =	sld [smem:$0x3F9B];
	_ =	swait.ge [sflag:s4], $0x0  }
0x19: {  	s7 =	sld [smem:$0x3F9C]  }
0x1a: {  	s8 =	sadd.s32 $0xFFFFE003, lr  }
0x1b: {  	s9 =	sadd.s32 $0xFFFFFEF7, lr;
	s5 =	simm.s32 $0xFFFFFFFF;
	p2 =	slt.u32 s8, $0xFFFFF086  }
0x1c: {  	p1 =	slt.u32 s9, $0xF7A;
	s5 =	simm.s32 @!p2 $0x0  }
0x1d: {  	s5 =	simm.s32 @p1 $0x1;
	p0 =	seq.s32 s7, s2  }
0x1e: {  	s7 =	smul.u32 @!p0 $0xF7A, s2;
	p2 =	seq.s32 @!p0 s5, $0x0  }
0x1f: {  	s9 =	smul.u32 $0xF7A, s1;
	s8 =	simm.s32 @!p0 $0x1BF5;
	p2 =	por !p2, p0  }
0x20: {  	[sflag:s8] =	ssyncset.s32 @!p0 $0xFFFFF086;
	s6 =	sadd.s32 @!p0 s3, s7;
	s7 =	simm.s32 @!p0 $0x108  }
0x21: {  	s3 =	sadd.s32 s3, s9;
	s6 =	sadd.s32 @!p0 $0x88, s6;
	s7 =	simm.s32 @p2 $0x1082  }
0x22: {  	[simem:s7], [sflag:s8] =	dma.local @!p0 [hbm:s6], $0xF7A  }
0x23: {  	s9 =	sor.u32 $0xD0000000, s2;
	s6 =	simm.s32 $0x108;
	_ =	swait.ge @!p0 [sflag:s8], $0x0  }
0x24: {  	s3 =	sadd.s32 $0x88, s3;
	s6 =	simm.s32 @!p1 $0x1082;
	[sflag:s4] =	ssyncset.s32 $0xFFFFF086  }
0x25: {  	[simem:s6], [sflag:s4] =	dma.local [hbm:s3], $0xF7A  }
0x26: {  	[smem:$0x3F9C] =	sst s1;
	(tag) =	ssettag s2;
	_ =	strace s9  }
0x27: {  	s1 =	sld [smem:$0x3FAC]  }
0x28: {  	s2 =	sld [smem:$0x3FAD]  }
0x29: {  	s4 =	sld [smem:$0x3FAF]  }
0x2a: {  	p0 =	seq.s32 s5, $0x0;
	s5 =	sld [smem:$0x3FB0]  }
0x2b: {  	s6 =	sld [smem:$0x3FB1]  }
0x2c: {  	s7 =	sld [smem:$0x3FB2]  }
0x2d: {  	s3 =	simm.s32 $0x108;
	s8 =	sld [smem:$0x3FB3]  }
0x2e: {  	s3 =	simm.s32 @!p0 $0x1082;
	s9 =	sld [smem:$0x3FB4]  }
0x2f: {  	lr =	sadd.s32 s0, s3;
	s0 =	sld [smem:$0x3FAB]  }
0x30: {  	s3 =	sld [smem:$0x3FAE]  }
0x31: {  	[smem:$0x3FB7] =	sst s10  }
0x32: {  	s10 =	sld [smem:$0x3FB5];
	_ =	sdelay $0x3  }
0x33: {  	p0 =	seq.s32 s10, $0x1;
	s10 =	sld [smem:$0x3FB7];
	_ =	sdelay $0x3  }
0x34: {  	[smem:$0x3FB7] =	sst s10  }
0x35: {  	s10 =	sld [smem:$0x3FB6];
	_ =	sdelay $0x3  }
0x36: {  	p1 =	seq.s32 s10, $0x1;
	s10 =	sld [smem:$0x3FB7];
	_ =	sdelay $0x3  }
0x37: {  	[smem:$0x3FB7] =	sst s10  }
0x38: {  	s10 =	sld [smem:$0x3FB8]  }
0x39: {  	_ = 	snop;
	(pc) =	sbr.ind lr, $3  }
0x3a: {  	_ = 	snop  }
0x3b: {  	_ = 	snop  }
0x3c: {  	p2 =	seq.s32 s10, $0x1;
	s10 =	sld [smem:$0x3FB7]  }
0x3d: {  	_ =	shalt  }
0x3e: {  	_ =	shalt  }
0x3f: {  	_ =	shalt  }
0x40: {  	_ =	shalt  }
0x41: {  	_ =	shalt  }
0x42: {  	_ =	shalt  }
0x43: {  	_ =	shalt  }
0x44: {  	_ =	shalt  }
0x45: {  	_ =	shalt  }
0x46: {  	_ =	shalt  }
0x47: {  	_ =	shalt  }
0x48: {  	_ =	shalt  }
0x49: {  	_ =	shalt  }
0x4a: {  	_ =	shalt  }
0x4b: {  	_ =	shalt  }
0x4c: {  	_ =	shalt  }
0x4d: {  	_ =	shalt  }
0x4e: {  	_ =	shalt  }
0x4f: {  	_ =	shalt  }
0x50: {  	_ =	shalt  }
0x51: {  	_ =	shalt  }
0x52: {  	_ =	shalt  }
0x53: {  	_ =	shalt  }
0x54: {  	_ =	shalt  }
0x55: {  	_ =	shalt  }
0x56: {  	_ =	shalt  }
0x57: {  	_ =	shalt  }
0x58: {  	_ =	shalt  }
0x59: {  	_ =	shalt  }
0x5a: {  	_ =	shalt  }
0x5b: {  	_ =	shalt  }
0x5c: {  	_ =	shalt  }
0x5d: {  	_ =	shalt  }
0x5e: {  	_ =	shalt  }
0x5f: {  	_ =	shalt  }
0x60: {  	_ =	shalt  }
0x61: {  	_ =	shalt  }
0x62: {  	_ =	shalt  }
0x63: {  	_ =	shalt  }
0x64: {  	_ =	shalt  }
0x65: {  	_ =	shalt  }
0x66: {  	_ =	shalt  }
0x67: {  	_ =	shalt  }
0x68: {  	_ =	shalt  }
0x69: {  	_ =	shalt  }
0x6a: {  	_ =	shalt  }
0x6b: {  	_ =	shalt  }
0x6c: {  	_ =	shalt  }
0x6d: {  	_ =	shalt  }
0x6e: {  	_ =	shalt  }
0x6f: {  	_ =	shalt  }
0x70: {  	_ =	shalt  }
0x71: {  	_ =	shalt  }
0x72: {  	_ =	shalt  }
0x73: {  	_ =	shalt  }
0x74: {  	_ =	shalt  }
0x75: {  	_ =	shalt  }
0x76: {  	_ =	shalt  }
0x77: {  	_ =	shalt  }
0x78: {  	_ =	shalt  }
0x79: {  	_ =	shalt  }
0x7a: {  	_ =	shalt  }
0x7b: {  	_ =	shalt  }
0x7c: {  	_ =	shalt  }
0x7d: {  	_ =	shalt  }
0x7e: {  	_ =	shalt  }
0x7f: {  	_ =	shalt  }
0x80: {  	_ =	shalt  }
0x81: {  	_ =	shalt  }
0x82: {  	_ =	shalt  }
0x83: {  	_ =	shalt  }
0x84: {  	_ =	shalt  }
0x85: {  	_ =	shalt  }
0x86: {  	_ =	shalt  }
0x87: {  	_ =	shalt  }
.Lfunc_end0:
.L_simem_size_0:
called_computation.1_lowered:
.L_overlay_start_0:
0x88: {  	s2 =	sld [smem:$0x3FD9]  }
0x89: {  	s3 =	sld [smem:$0x3FFE];
	_ =	sdelay $0x1  }
0x8a: {  	s1 =	srdreg.scid  }
0x8b: {  	s0 =	sand.u32 $0x1, s1  }
0x8c: {  	s15 =	sshll.u32 s0, $0xA;
	s2 =	sadd.s32 s3, s2  }
0x8d: {  	s2 =	sadd.s32 s2, s15  }
0x8e: {  	[smem:$0x3FC3] =	sst s2  }
0x8f: {  	_ = 	snop  }
0x90: {  	s2 =	sld [smem:$0x3FD0];
	_ =	sdelay $0x2  }
0x91: {  	s4 =	simm.s32 $0xB;
	s5 =	simm.s32 $0x10;
	s16 =	sld [smem:$0x3FC7]  }
0x92: {  	[smem:s5], [sflag:s4] =	dma.local [hbm:s2], $0x1  }
0x93: {  	_ =	swait.eq [sflag:s4], $0x1  }
0x94: {  	[sflag:s4] =	ssyncset.done $0x0  }
0x95: {  	s17 =	sld [smem:$0x13];
	[sflag:s4] =	ssyncadd.s32 $0xFFFFFFFF  }
0x96: {  	s18 =	sld [smem:$0x14];
	(tm) =	ssettm $0x1  }
0x97: {  	s19 =	sld [smem:$0x3FFB];
	_ =	sdelay $0x3  }
0x98: {  	_ =	strace s19  }
0x99: {  	s5 =	sld [smem:$0x3FFC];
	_ =	sdelay $0x3  }
0x9a: {  	_ =	strace s5  }
0x9b: {  	s5 =	sld [smem:$0x3FFD];
	_ =	sdelay $0x3  }
0x9c: {  	_ =	strace s5  }
0x9d: {  	_ =	strace $0x8FFFFFFF  }
0x9e: {  	s20 =	sld [smem:$0x3FDB];
	_ =	sdelay $0x1  }
0x9f: {  	s6 =	simm.s32 $_scs_section_size  }
0xa0: {  	s7 =	simm.s32 $_size__tile_overlayer_lowered;
	s8 =	simm.s32 $_tile_overlayer_lowered  }
0xa1: {  	s23 =	simm.s32 $0x1BFF;
	s22 =	sshll.u32 s8, $0x1;
	s5 =	sadd.s32 s6, s20  }
0xa2: {  	s9 =	simm.s32 $0x0;
	s21 =	sshll.u32 s7, $0x1;
	s7 =	sadd.s32 s22, s5  }
0xa3: {  	[timem:s9], [sflag:s23] =	dma.local [hbm:s7], s21  }
0xa4: {  	_ =	swait.ge [sflag:s23], s21  }
0xa5: {  	s6 =	ssub.s32 $0x0, s21;
	[sflag:s23] =	ssyncset.done $0x0  }
0xa6: {  	[sflag:s23] =	ssyncadd.s32 s6;
	_ =	sdelay $0x1  }
0xa7: {  	s24 =	simm.s32 $0x1B8B  }
0xa8: {  	_ =	swait.ge [sflag:s24], $0x1  }
0xa9: {  	[sflag:s24] =	ssyncset.done $0x0  }
0xaa: {  	s25 =	simm.s32 $0x1B8E;
	[sflag:s24] =	ssyncadd.s32 $0xFFFFFFFF  }
0xab: {  	s26 =	simm.s32 $execute0_lowered;
	[smem:$0x3FD2] =	sst s25  }
0xac: {  	s6 =	sshll.u32 s26, $0x1;
	_ =	strace $0x80000049;
	[dreg:$0x1] =	wrdreg $0xFFFFFFFF  }
0xad: {  	s28 =	simm.s32 $_size_execute0_lowered;
	s5 =	sadd.s32 s5, s6;
	[dreg:$0x0] =	wrdreg $0x0  }
0xae: {  	s6 =	sshll.u32 s28, $0x1;
	[dreg:$0x2] =	wrdreg s5  }
0xaf: {  	[dreg:$0x3] =	wrdreg s6  }
0xb0: {  	[dreg:$0x4] =	wrdreg $0xC0  }
0xb1: {  	_ =	task [dreg:s9], $0x5FFFF  }
0xb2: {  	[dreg:$0x1] =	wrdreg $0xFFFFFFFF  }
0xb3: {  	[dreg:$0x0] =	wrdreg $0x60  }
0xb4: {  	[dreg:$0x2] =	wrdreg s16  }
0xb5: {  	[dreg:$0x3] =	wrdreg s18  }
0xb6: {  	[dreg:$0x4] =	wrdreg s17  }
0xb7: {  	[dreg:$0x5] =	wrdreg $0x9  }
0xb8: {  	_ =	task.clear_ibuf [dreg:s9], $0x6FFFF;
	_ =	strace $0x90000049  }
0xb9: {  	s29 =	simm.s32 $0x9;
	_ =	strace $0x8000004B  }
0xba: {  	_ =	swait.ge [sflag:s29], $0x1  }
0xbb: {  	[sflag:s29] =	ssyncadd.s32 $0xFFFFFFFF  }
0xbc: {  	_ =	strace $0x9000004B  }
0xbd: {  	_ =	sfence  }
0xbe: {  	s30 =	sld [smem:$0x0];
	_ =	sdelay $0x2  }
0xbf: {  	s31 =	sshll.u32 s1, $0xD;
	s1 =	sshrl.u32 s1, $0x2  }
0xc0: {  	s3 =	sand.u32 $0x4000, s31;
	s1 =	sadd.s32 s1, s30  }
0xc1: {  	s0 =	sor.u32 s3, s0;
	s1 =	sshll.u32 s1, $0x11  }
0xc2: {  	s0 =	sor.u32 s1, s0  }
0xc3: {  	s0 =	sadd.s32 $0x8F2B, s0  }
0xc4: {  	[sflag:s0] =	ssyncadd.remote.s32 $0x1  }
0xc5: {  	_ =	sfence.sel $0xFFFF  }
0xc6: {  	[dreg:$0x0] =	wrdreg $0xFFFFFFFF;
	(pc) =	sbr.abs _section_cstart, $3  }
0xc7: {  	[dreg:$0x1] =	wrdreg $0xFFFFFFFF  }
0xc8: {  	_ =	task.clear_ibuf [dreg:s9], $0x2FFFF;
	_ =	strace $0x9FFFFFFF  }
0xc9: {  	(tm) =	ssettm $0x7FFFFFFF  }
tec
execute0_lowered:
.L_overlay_start_1:
0x0: {  	(tag) =	ssettag $0x1  }
0x1: {  	s2 =	rddreg [dreg:$0x0]  }
0x2: {  	s4 =	rddreg [dreg:$0x1];
	s0 =	srdreg.scid  }
0x3: {  	s7 =	rddreg [dreg:$0x2];
	s1 =	stileid.u32;
	s3 =	simm.s32 $0x0  }
0x4: {  	s10 =	simm.s32 $0x80;
	s11 =	simm.s32 $0x880;
	s12 =	simm.s32 $0x1080  }
0x5: {  	s13 =	simm.s32 $0x1880;
	s14 =	simm.s32 $0x2080;
	s15 =	simm.s32 $0x2880  }
0x6: {  	s16 =	simm.s32 $0x3080;
	s17 =	simm.s32 $0x3880;
	s18 =	simm.s32 $0x4080  }
0x7: {  	s19 =	simm.s32 $0x4880;
	s20 =	simm.s32 $0x5080;
	s21 =	simm.s32 $0x5880  }
0x8: {  	s22 =	simm.s32 $0x1;
	s5 =	sand.u32 $0x1, s0;
	s0 =	rddreg [dreg:$0x3]  }
0x9: {  	s6 =	sshll.u32 s1, $0x3;
	s8 =	sshll.u32 s5, $0x2;
	s5 =	ssub.s32 $0x2, s5  }
0xa: {  	[smem:$0x7FF] =	sst s3;
	s6 =	sor.u32 s8, s6;
	s31 =	sshrl.u32 s5, $0x1  }
0xb: {  	v2 =	vlaneseq.u32;
	_ =	strace $0x8000004A;
	s9 =	smul.u32 $0x300, s6;
	s8 =	ssub.s32 s5, s31  }
0xc: {  	vm0 =	vmmov $0xffff;
	v1 =	vshrl.u32 v2, $0x3;
	s4 =	sadd.s32 s4, s6;
	s5 =	sadd.s32 $0x100, s2;
	s6 =	sadd.s32 $0x200, s2  }
0xd: {  	v0 =	vand.u32 $0x7, v2;
	v2 =	vor.u32 $0x8, v2;
	v1 =	vmul.u32 $0x8, v1;
	s8 =	smax.u32 s8, $0x1;
	s7 =	sadd.s32 s7, s9;
	s9 =	simm.s32 $0x2  }
.LBB2_1:
0xe: {  	[tilespmem:s3], [sflag:$0x2] =	stream.linear.gather [hbm4b:s4+s3], $0x20, $0x38;
	[tilespmem:$0x6080] =	vst v63  }
0xf: {  	_ =	swait.ge [sflag:s9], $0x20  }
0x10: {  	[sflag:s9] =	ssyncset.done $0x0  }
0x11: {  	[sflag:s9] =	ssyncadd.s32 $0xFFFFFFE0  }
0x12: {  	v3 =	vld [tilespmem:$0x0];
	_ =	sdelay $0x4  }
0x13: {  	v4 =	vshrl.u32 v3, $0x3  }
0x14: {  	v4 =	vmul.u32 $0x30, v4  }
0x15: {  	v3 =	vand.u32 $0x7, v3  }
0x16: {  	v3 =	vor.u32 v3, v4  }
0x17: {  	v4 =	vperm.xlane v3, v0;
	_ =	sdelay $0x1  }
0x18: {  	v4 =	vadd.s32 v1, v4;
	_ =	sdelay $0x3  }
0x19: {  	v3 =	vperm.xlane v3, v2  }
0x1a: {  	[tilespmem:s10], [sflag:$0x1] =	stream.indirect_vreg.gather [hbm4b:s2+s3], $0x80, v4, vm0, $0xb8;
	[tilespmem:$0x6080] =	vst v63  }
0x1b: {  	v3 =	vadd.s32 v1, v3  }
0x1c: {  	[tilespmem:s11], [sflag:$0x1] =	stream.indirect_vreg.gather [hbm4b:s5+s3], $0x80, v4, vm0, $0xb8;
	[tilespmem:$0x6080] =	vst v63  }
0x1d: {  	_ = 	snop  }
0x1e: {  	[tilespmem:s12], [sflag:$0x1] =	stream.indirect_vreg.gather [hbm4b:s6+s3], $0x80, v4, vm0, $0xb8;
	[tilespmem:$0x6080] =	vst v63  }
0x1f: {  	_ = 	snop  }
0x20: {  	[tilespmem:s13], [sflag:$0x1] =	stream.indirect_vreg.gather [hbm4b:s2+s3], $0x80, v3, vm0, $0xb8;
	[tilespmem:$0x6080] =	vst v63  }
0x21: {  	_ = 	snop  }
0x22: {  	[tilespmem:s14], [sflag:$0x1] =	stream.indirect_vreg.gather [hbm4b:s5+s3], $0x80, v3, vm0, $0xb8;
	[tilespmem:$0x6080] =	vst v63  }
0x23: {  	_ = 	snop  }
0x24: {  	[tilespmem:s15], [sflag:$0x1] =	stream.indirect_vreg.gather [hbm4b:s6+s3], $0x80, v3, vm0, $0xb8;
	[tilespmem:$0x6080] =	vst v63  }
0x25: {  	v3 =	vld [tilespmem:$0x10];
	_ =	sdelay $0x4  }
0x26: {  	v63 =	vshrl.u32 v3, $0x3  }
0x27: {  	v4 =	vmul.u32 $0x30, v63  }
0x28: {  	v3 =	vand.u32 $0x7, v3  }
0x29: {  	v3 =	vor.u32 v3, v4  }
0x2a: {  	v4 =	vperm.xlane v3, v0;
	_ =	sdelay $0x1  }
0x2b: {  	v4 =	vadd.s32 v1, v4;
	_ =	sdelay $0x3  }
0x2c: {  	v3 =	vperm.xlane v3, v2  }
0x2d: {  	[tilespmem:s16], [sflag:$0x1] =	stream.indirect_vreg.gather [hbm4b:s2+s3], $0x80, v4, vm0, $0xb8;
	[tilespmem:$0x6080] =	vst v63  }
0x2e: {  	v3 =	vadd.s32 v1, v3  }
0x2f: {  	[tilespmem:s17], [sflag:$0x1] =	stream.indirect_vreg.gather [hbm4b:s5+s3], $0x80, v4, vm0, $0xb8;
	[tilespmem:$0x6080] =	vst v63  }
0x30: {  	_ = 	snop  }
0x31: {  	[tilespmem:s18], [sflag:$0x1] =	stream.indirect_vreg.gather [hbm4b:s6+s3], $0x80, v4, vm0, $0xb8;
	[tilespmem:$0x6080] =	vst v63  }
0x32: {  	_ = 	snop  }
0x33: {  	[tilespmem:s19], [sflag:$0x1] =	stream.indirect_vreg.gather [hbm4b:s2+s3], $0x80, v3, vm0, $0xb8;
	[tilespmem:$0x6080] =	vst v63  }
0x34: {  	_ = 	snop  }
0x35: {  	[tilespmem:s20], [sflag:$0x1] =	stream.indirect_vreg.gather [hbm4b:s5+s3], $0x80, v3, vm0, $0xb8;
	[tilespmem:$0x6080] =	vst v63  }
0x36: {  	_ = 	snop  }
0x37: {  	[tilespmem:s21], [sflag:$0x1] =	stream.indirect_vreg.gather [hbm4b:s6+s3], $0x80, v3, vm0, $0xb8;
	[tilespmem:$0x6080] =	vst v63  }
0x38: {  	_ =	swait.ge [sflag:s22], $0x6000  }
0x39: {  	p0 =	sne.s32 s8, $0x1;
	[sflag:s22] =	ssyncset.done $0x0  }
.Ltmp0:
0x3a: {  	[sflag:s22] =	ssyncadd.s32 $0xFFFFA000;
	(pc) =	sbr.rel @p0 .LBB2_1-.Ltmp0, $4  }
0x3b: {  	[hbm4b:s7+s3] =	stream.linear.scatter [tilespmem:s10], [sflag:$0x2], $0x6000, $0x38;
	[tilespmem:$0x6080] =	vst v63  }
0x3c: {  	_ =	swait.ge [sflag:s9], $0x6000  }
0x3d: {  	[sflag:s9] =	ssyncset.done $0x0  }
0x3e: {  	s8 =	sadd.s32 $0xFFFFFFFF, s8;
	[sflag:s9] =	ssyncadd.s32 $0xFFFFA000  }
0x3f: {  	_ =	sfence.sel $0x180000  }
0x40: {  	[bflag:$0x0] =	sbarrier.arrive $0xFFFF  }
0x41: {  	p0 =	sne.s32 s1, $0x0;
	_ =	strace $0x9000004A  }
0x42: {  	s0 =	sadd.s32 @!p0 $0x100000, s0;
	[bflag:$0x2] =	sbarrier.arrive $0xFFFF  }
0x43: {  	[sflag:s0] =	ssyncadd.tile.s32 @!p0 $0x1;
	_ =	shalt  }
.Lfunc_end2:
_tile_overlayer_lowered:
.L_overlay_start_2:
0x44: {  	(tag) =	ssettag $0x2  }
0x45: {  	s0 =	rddreg [dreg:$0x0];
	s2 =	stileid.u32  }
0x46: {  	s1 =	rddreg [dreg:$0x1];
	p0 =	sne.s32 s2, $0x0  }
0x47: {  	s3 =	rddreg [dreg:$0x2];
	[bflag:$0x3] =	sbarrier.arrive $0xFFFF;
	s2 =	simm.s32 @!p0 $0x1C02  }
0x48: {  	[timem:s3], [sflag:s2] =	dma.local @!p0 [hbm:s0], s1  }
0x49: {  	s0 =	simm.s32 @!p0 $0x2  }
0x4a: {  	_ =	swait.ge @!p0 [sflag:s0], s1  }
0x4b: {  	s1 =	ssub.s32 @!p0 $0x0, s1;
	[sflag:s0] =	ssyncset.done @!p0 $0x0  }
0x4c: {  	[sflag:s0] =	ssyncadd.s32 @!p0 s1  }
0x4d: {  	[bflag:$0x3] =	sbarrier.arrive $0xFFFF  }
0x4e: {  	_ =	shalt  }

// kernel: kernel.22.cloned.1.call-start
scs
__scs_entry_jumppad:
0x0: {  	(pc) =	sbr.rel $0x88, $3  }
0x1: {  	(tag) =	ssettag $0x0;
	lr =	simm.s32 $0x1  }
0x2: {  	[smem:$0x3F9C] =	sst lr;
	_ =	strace $0xD0000000  }
0x3: {  	_ = 	snop  }
0x4: {  	_ = 	snop  }
0x5: {  	_ = 	snop  }
0x6: {  	_ = 	snop  }
0x7: {  	_ = 	snop  }
__scs_overlays_trampoline_lowered:
0x8: {  	[smem:$0x3FAB] =	sst s0  }
0x9: {  	[smem:$0x3FAC] =	sst s1  }
0xa: {  	[smem:$0x3FAD] =	sst s2  }
0xb: {  	[smem:$0x3FAE] =	sst s3  }
0xc: {  	[smem:$0x3FAF] =	sst s4  }
0xd: {  	[smem:$0x3FB0] =	sst s5  }
0xe: {  	[smem:$0x3FB1] =	sst s6  }
0xf: {  	[smem:$0x3FB2] =	sst s7  }
0x10: {  	[smem:$0x3FB3] =	sst s8  }
0x11: {  	[smem:$0x3FB4] =	sst s9;
	s0 =	simm.s32 @!p0 $0x0  }
0x12: {  	s1 =	sld [smem:$0x3F9A];
	s0 =	simm.s32 @p0 $0x1  }
0x13: {  	[smem:$0x3FB5] =	sst s0;
	s0 =	simm.s32 @!p1 $0x0  }
0x14: {  	s2 =	sld [smem:$0x3F99];
	s0 =	simm.s32 @p1 $0x1  }
0x15: {  	[smem:$0x3FB6] =	sst s0;
	s0 =	simm.s32 @!p2 $0x0  }
0x16: {  	s3 =	sld [smem:$0x3FDB];
	s0 =	simm.s32 @p2 $0x1  }
0x17: {  	s4 =	simm.s32 $0x1BF5;
	[smem:$0x3FB8] =	sst s0  }
0x18: {  	s0 =	sld [smem:$0x3F9B];
	_ =	swait.ge [sflag:s4], $0x0  }
0x19: {  	s7 =	sld [smem:$0x3F9C]  }
0x1a: {  	s8 =	sadd.s32 $0xFFFFE003, lr  }
0x1b: {  	s9 =	sadd.s32 $0xFFFFFEF7, lr;
	s5 =	simm.s32 $0xFFFFFFFF;
	p2 =	slt.u32 s8, $0xFFFFF086  }
0x1c: {  	p1 =	slt.u32 s9, $0xF7A;
	s5 =	simm.s32 @!p2 $0x0  }
0x1d: {  	s5 =	simm.s32 @p1 $0x1;
	p0 =	seq.s32 s7, s2  }
0x1e: {  	s7 =	smul.u32 @!p0 $0xF7A, s2;
	p2 =	seq.s32 @!p0 s5, $0x0  }
0x1f: {  	s9 =	smul.u32 $0xF7A, s1;
	s8 =	simm.s32 @!p0 $0x1BF5;
	p2 =	por !p2, p0  }
0x20: {  	[sflag:s8] =	ssyncset.s32 @!p0 $0xFFFFF086;
	s6 =	sadd.s32 @!p0 s3, s7;
	s7 =	simm.s32 @!p0 $0x108  }
0x21: {  	s3 =	sadd.s32 s3, s9;
	s6 =	sadd.s32 @!p0 $0x88, s6;
	s7 =	simm.s32 @p2 $0x1082  }
0x22: {  	[simem:s7], [sflag:s8] =	dma.local @!p0 [hbm:s6], $0xF7A  }
0x23: {  	s9 =	sor.u32 $0xD0000000, s2;
	s6 =	simm.s32 $0x108;
	_ =	swait.ge @!p0 [sflag:s8], $0x0  }
0x24: {  	s3 =	sadd.s32 $0x88, s3;
	s6 =	simm.s32 @!p1 $0x1082;
	[sflag:s4] =	ssyncset.s32 $0xFFFFF086  }
0x25: {  	[simem:s6], [sflag:s4] =	dma.local [hbm:s3], $0xF7A  }
0x26: {  	[smem:$0x3F9C] =	sst s1;
	(tag) =	ssettag s2;
	_ =	strace s9  }
0x27: {  	s1 =	sld [smem:$0x3FAC]  }
0x28: {  	s2 =	sld [smem:$0x3FAD]  }
0x29: {  	s4 =	sld [smem:$0x3FAF]  }
0x2a: {  	p0 =	seq.s32 s5, $0x0;
	s5 =	sld [smem:$0x3FB0]  }
0x2b: {  	s6 =	sld [smem:$0x3FB1]  }
0x2c: {  	s7 =	sld [smem:$0x3FB2]  }
0x2d: {  	s3 =	simm.s32 $0x108;
	s8 =	sld [smem:$0x3FB3]  }
0x2e: {  	s3 =	simm.s32 @!p0 $0x1082;
	s9 =	sld [smem:$0x3FB4]  }
0x2f: {  	lr =	sadd.s32 s0, s3;
	s0 =	sld [smem:$0x3FAB]  }
0x30: {  	s3 =	sld [smem:$0x3FAE]  }
0x31: {  	[smem:$0x3FB7] =	sst s10  }
0x32: {  	s10 =	sld [smem:$0x3FB5];
	_ =	sdelay $0x3  }
0x33: {  	p0 =	seq.s32 s10, $0x1;
	s10 =	sld [smem:$0x3FB7];
	_ =	sdelay $0x3  }
0x34: {  	[smem:$0x3FB7] =	sst s10  }
0x35: {  	s10 =	sld [smem:$0x3FB6];
	_ =	sdelay $0x3  }
0x36: {  	p1 =	seq.s32 s10, $0x1;
	s10 =	sld [smem:$0x3FB7];
	_ =	sdelay $0x3  }
0x37: {  	[smem:$0x3FB7] =	sst s10  }
0x38: {  	s10 =	sld [smem:$0x3FB8]  }
0x39: {  	_ = 	snop;
	(pc) =	sbr.ind lr, $3  }
0x3a: {  	_ = 	snop  }
0x3b: {  	_ = 	snop  }
0x3c: {  	p2 =	seq.s32 s10, $0x1;
	s10 =	sld [smem:$0x3FB7]  }
0x3d: {  	_ =	shalt  }
0x3e: {  	_ =	shalt  }
0x3f: {  	_ =	shalt  }
0x40: {  	_ =	shalt  }
0x41: {  	_ =	shalt  }
0x42: {  	_ =	shalt  }
0x43: {  	_ =	shalt  }
0x44: {  	_ =	shalt  }
0x45: {  	_ =	shalt  }
0x46: {  	_ =	shalt  }
0x47: {  	_ =	shalt  }
0x48: {  	_ =	shalt  }
0x49: {  	_ =	shalt  }
0x4a: {  	_ =	shalt  }
0x4b: {  	_ =	shalt  }
0x4c: {  	_ =	shalt  }
0x4d: {  	_ =	shalt  }
0x4e: {  	_ =	shalt  }
0x4f: {  	_ =	shalt  }
0x50: {  	_ =	shalt  }
0x51: {  	_ =	shalt  }
0x52: {  	_ =	shalt  }
0x53: {  	_ =	shalt  }
0x54: {  	_ =	shalt  }
0x55: {  	_ =	shalt  }
0x56: {  	_ =	shalt  }
0x57: {  	_ =	shalt  }
0x58: {  	_ =	shalt  }
0x59: {  	_ =	shalt  }
0x5a: {  	_ =	shalt  }
0x5b: {  	_ =	shalt  }
0x5c: {  	_ =	shalt  }
0x5d: {  	_ =	shalt  }
0x5e: {  	_ =	shalt  }
0x5f: {  	_ =	shalt  }
0x60: {  	_ =	shalt  }
0x61: {  	_ =	shalt  }
0x62: {  	_ =	shalt  }
0x63: {  	_ =	shalt  }
0x64: {  	_ =	shalt  }
0x65: {  	_ =	shalt  }
0x66: {  	_ =	shalt  }
0x67: {  	_ =	shalt  }
0x68: {  	_ =	shalt  }
0x69: {  	_ =	shalt  }
0x6a: {  	_ =	shalt  }
0x6b: {  	_ =	shalt  }
0x6c: {  	_ =	shalt  }
0x6d: {  	_ =	shalt  }
0x6e: {  	_ =	shalt  }
0x6f: {  	_ =	shalt  }
0x70: {  	_ =	shalt  }
0x71: {  	_ =	shalt  }
0x72: {  	_ =	shalt  }
0x73: {  	_ =	shalt  }
0x74: {  	_ =	shalt  }
0x75: {  	_ =	shalt  }
0x76: {  	_ =	shalt  }
0x77: {  	_ =	shalt  }
0x78: {  	_ =	shalt  }
0x79: {  	_ =	shalt  }
0x7a: {  	_ =	shalt  }
0x7b: {  	_ =	shalt  }
0x7c: {  	_ =	shalt  }
0x7d: {  	_ =	shalt  }
0x7e: {  	_ =	shalt  }
0x7f: {  	_ =	shalt  }
0x80: {  	_ =	shalt  }
0x81: {  	_ =	shalt  }
0x82: {  	_ =	shalt  }
0x83: {  	_ =	shalt  }
0x84: {  	_ =	shalt  }
0x85: {  	_ =	shalt  }
0x86: {  	_ =	shalt  }
0x87: {  	_ =	shalt  }
.Lfunc_end0:
.L_simem_size_0:
called_computation.2_lowered:
.L_overlay_start_0:
0x88: {  	s2 =	sld [smem:$0x3FD9]  }
0x89: {  	s3 =	sld [smem:$0x3FFE];
	_ =	sdelay $0x1  }
0x8a: {  	s1 =	srdreg.scid  }
0x8b: {  	s0 =	sand.u32 $0x1, s1  }
0x8c: {  	s15 =	sshll.u32 s0, $0xA;
	s2 =	sadd.s32 s3, s2  }
0x8d: {  	s2 =	sadd.s32 s2, s15  }
0x8e: {  	[smem:$0x3FC3] =	sst s2  }
0x8f: {  	_ = 	snop  }
0x90: {  	s2 =	sld [smem:$0x3FD0];
	_ =	sdelay $0x2  }
0x91: {  	s4 =	simm.s32 $0xB;
	s5 =	simm.s32 $0x10;
	s16 =	sld [smem:$0x3FC7]  }
0x92: {  	[smem:s5], [sflag:s4] =	dma.local [hbm:s2], $0x1  }
0x93: {  	_ =	swait.eq [sflag:s4], $0x1  }
0x94: {  	[sflag:s4] =	ssyncset.done $0x0  }
0x95: {  	s17 =	sld [smem:$0x13];
	[sflag:s4] =	ssyncadd.s32 $0xFFFFFFFF  }
0x96: {  	s18 =	sld [smem:$0x14];
	(tm) =	ssettm $0x1  }
0x97: {  	s19 =	sld [smem:$0x3FFB];
	_ =	sdelay $0x3  }
0x98: {  	_ =	strace s19  }
0x99: {  	s5 =	sld [smem:$0x3FFC];
	_ =	sdelay $0x3  }
0x9a: {  	_ =	strace s5  }
0x9b: {  	s5 =	sld [smem:$0x3FFD];
	_ =	sdelay $0x3  }
0x9c: {  	_ =	strace s5  }
0x9d: {  	_ =	strace $0x8FFFFFFF  }
0x9e: {  	s20 =	sld [smem:$0x3FDB];
	_ =	sdelay $0x1  }
0x9f: {  	s6 =	simm.s32 $_scs_section_size  }
0xa0: {  	s7 =	simm.s32 $_size__tile_overlayer_lowered;
	s8 =	simm.s32 $_tile_overlayer_lowered  }
0xa1: {  	s23 =	simm.s32 $0x1BFF;
	s22 =	sshll.u32 s8, $0x1;
	s5 =	sadd.s32 s6, s20  }
0xa2: {  	s9 =	simm.s32 $0x0;
	s21 =	sshll.u32 s7, $0x1;
	s7 =	sadd.s32 s22, s5  }
0xa3: {  	[timem:s9], [sflag:s23] =	dma.local [hbm:s7], s21  }
0xa4: {  	_ =	swait.ge [sflag:s23], s21  }
0xa5: {  	s6 =	ssub.s32 $0x0, s21;
	[sflag:s23] =	ssyncset.done $0x0  }
0xa6: {  	[sflag:s23] =	ssyncadd.s32 s6;
	_ =	sdelay $0x1  }
0xa7: {  	s24 =	simm.s32 $0x1B8B  }
0xa8: {  	_ =	swait.ge [sflag:s24], $0x1  }
0xa9: {  	[sflag:s24] =	ssyncset.done $0x0  }
0xaa: {  	s25 =	simm.s32 $0x1B8E;
	[sflag:s24] =	ssyncadd.s32 $0xFFFFFFFF  }
0xab: {  	s26 =	simm.s32 $execute0_lowered;
	[smem:$0x3FD2] =	sst s25  }
0xac: {  	s6 =	sshll.u32 s26, $0x1;
	_ =	strace $0x8000004C;
	[dreg:$0x1] =	wrdreg $0xFFFFFFFF  }
0xad: {  	s28 =	simm.s32 $_size_execute0_lowered;
	s5 =	sadd.s32 s5, s6;
	[dreg:$0x0] =	wrdreg $0x0  }
0xae: {  	s6 =	sshll.u32 s28, $0x1;
	[dreg:$0x2] =	wrdreg s5  }
0xaf: {  	[dreg:$0x3] =	wrdreg s6  }
0xb0: {  	[dreg:$0x4] =	wrdreg $0xC0  }
0xb1: {  	_ =	task [dreg:s9], $0x5FFFF  }
0xb2: {  	[dreg:$0x1] =	wrdreg $0xFFFFFFFF  }
0xb3: {  	[dreg:$0x0] =	wrdreg $0x60  }
0xb4: {  	[dreg:$0x2] =	wrdreg s16  }
0xb5: {  	[dreg:$0x3] =	wrdreg s18  }
0xb6: {  	[dreg:$0x4] =	wrdreg s17  }
0xb7: {  	[dreg:$0x5] =	wrdreg $0x9  }
0xb8: {  	_ =	task.clear_ibuf [dreg:s9], $0x6FFFF;
	_ =	strace $0x9000004C  }
0xb9: {  	s29 =	simm.s32 $0x9;
	_ =	strace $0x8000004E  }
0xba: {  	_ =	swait.ge [sflag:s29], $0x1  }
0xbb: {  	[sflag:s29] =	ssyncadd.s32 $0xFFFFFFFF  }
0xbc: {  	_ =	strace $0x9000004E  }
0xbd: {  	_ =	sfence  }
0xbe: {  	s30 =	sld [smem:$0x0];
	_ =	sdelay $0x2  }
0xbf: {  	s31 =	sshll.u32 s1, $0xD;
	s1 =	sshrl.u32 s1, $0x2  }
0xc0: {  	s3 =	sand.u32 $0x4000, s31;
	s1 =	sadd.s32 s1, s30  }
0xc1: {  	s0 =	sor.u32 s3, s0;
	s1 =	sshll.u32 s1, $0x11  }
0xc2: {  	s0 =	sor.u32 s1, s0  }
0xc3: {  	s0 =	sadd.s32 $0x8F2B, s0  }
0xc4: {  	[sflag:s0] =	ssyncadd.remote.s32 $0x1  }
0xc5: {  	_ =	sfence.sel $0xFFFF  }
0xc6: {  	[dreg:$0x0] =	wrdreg $0xFFFFFFFF;
	(pc) =	sbr.abs _section_cstart, $3  }
0xc7: {  	[dreg:$0x1] =	wrdreg $0xFFFFFFFF  }
0xc8: {  	_ =	task.clear_ibuf [dreg:s9], $0x2FFFF;
	_ =	strace $0x9FFFFFFF  }
0xc9: {  	(tm) =	ssettm $0x7FFFFFFF  }
tec
execute0_lowered:
.L_overlay_start_1:
0x0: {  	(tag) =	ssettag $0x1  }
0x1: {  	s2 =	rddreg [dreg:$0x0]  }
0x2: {  	s4 =	rddreg [dreg:$0x1];
	s0 =	srdreg.scid  }
0x3: {  	s7 =	rddreg [dreg:$0x2];
	s1 =	stileid.u32;
	s3 =	simm.s32 $0x0  }
0x4: {  	s10 =	simm.s32 $0x80;
	s11 =	simm.s32 $0x880;
	s12 =	simm.s32 $0x1080  }
0x5: {  	s13 =	simm.s32 $0x1880;
	s14 =	simm.s32 $0x2080;
	s15 =	simm.s32 $0x2880  }
0x6: {  	s16 =	simm.s32 $0x3080;
	s17 =	simm.s32 $0x3880;
	s18 =	simm.s32 $0x4080  }
0x7: {  	s19 =	simm.s32 $0x4880;
	s20 =	simm.s32 $0x5080;
	s21 =	simm.s32 $0x5880  }
0x8: {  	s22 =	simm.s32 $0x1;
	s5 =	sand.u32 $0x1, s0;
	s0 =	rddreg [dreg:$0x3]  }
0x9: {  	s6 =	sshll.u32 s1, $0x3;
	s8 =	sshll.u32 s5, $0x2;
	s5 =	ssub.s32 $0x2, s5  }
0xa: {  	[smem:$0x7FF] =	sst s3;
	s6 =	sor.u32 s8, s6;
	s31 =	sshrl.u32 s5, $0x1  }
0xb: {  	v2 =	vlaneseq.u32;
	_ =	strace $0x8000004D;
	s9 =	smul.u32 $0x300, s6;
	s8 =	ssub.s32 s5, s31  }
0xc: {  	vm0 =	vmmov $0xffff;
	v1 =	vshrl.u32 v2, $0x3;
	s4 =	sadd.s32 s4, s6;
	s5 =	sadd.s32 $0x100, s2;
	s6 =	sadd.s32 $0x200, s2  }
0xd: {  	v0 =	vand.u32 $0x7, v2;
	v2 =	vor.u32 $0x8, v2;
	v1 =	vmul.u32 $0x8, v1;
	s8 =	smax.u32 s8, $0x1;
	s7 =	sadd.s32 s7, s9;
	s9 =	simm.s32 $0x2  }
.LBB2_1:
0xe: {  	[tilespmem:s3], [sflag:$0x2] =	stream.linear.gather [hbm4b:s4+s3], $0x20, $0x38;
	[tilespmem:$0x6080] =	vst v63  }
0xf: {  	_ =	swait.ge [sflag:s9], $0x20  }
0x10: {  	[sflag:s9] =	ssyncset.done $0x0  }
0x11: {  	[sflag:s9] =	ssyncadd.s32 $0xFFFFFFE0  }
0x12: {  	v3 =	vld [tilespmem:$0x0];
	_ =	sdelay $0x4  }
0x13: {  	v4 =	vshrl.u32 v3, $0x3  }
0x14: {  	v4 =	vmul.u32 $0x30, v4  }
0x15: {  	v3 =	vand.u32 $0x7, v3  }
0x16: {  	v3 =	vor.u32 v3, v4  }
0x17: {  	v4 =	vperm.xlane v3, v0;
	_ =	sdelay $0x1  }
0x18: {  	v4 =	vadd.s32 v1, v4;
	_ =	sdelay $0x3  }
0x19: {  	v3 =	vperm.xlane v3, v2  }
0x1a: {  	[tilespmem:s10], [sflag:$0x1] =	stream.indirect_vreg.gather [hbm4b:s2+s3], $0x80, v4, vm0, $0xb8;
	[tilespmem:$0x6080] =	vst v63  }
0x1b: {  	v3 =	vadd.s32 v1, v3  }
0x1c: {  	[tilespmem:s11], [sflag:$0x1] =	stream.indirect_vreg.gather [hbm4b:s5+s3], $0x80, v4, vm0, $0xb8;
	[tilespmem:$0x6080] =	vst v63  }
0x1d: {  	_ = 	snop  }
0x1e: {  	[tilespmem:s12], [sflag:$0x1] =	stream.indirect_vreg.gather [hbm4b:s6+s3], $0x80, v4, vm0, $0xb8;
	[tilespmem:$0x6080] =	vst v63  }
0x1f: {  	_ = 	snop  }
0x20: {  	[tilespmem:s13], [sflag:$0x1] =	stream.indirect_vreg.gather [hbm4b:s2+s3], $0x80, v3, vm0, $0xb8;
	[tilespmem:$0x6080] =	vst v63  }
0x21: {  	_ = 	snop  }
0x22: {  	[tilespmem:s14], [sflag:$0x1] =	stream.indirect_vreg.gather [hbm4b:s5+s3], $0x80, v3, vm0, $0xb8;
	[tilespmem:$0x6080] =	vst v63  }
0x23: {  	_ = 	snop  }
0x24: {  	[tilespmem:s15], [sflag:$0x1] =	stream.indirect_vreg.gather [hbm4b:s6+s3], $0x80, v3, vm0, $0xb8;
	[tilespmem:$0x6080] =	vst v63  }
0x25: {  	v3 =	vld [tilespmem:$0x10];
	_ =	sdelay $0x4  }
0x26: {  	v63 =	vshrl.u32 v3, $0x3  }
0x27: {  	v4 =	vmul.u32 $0x30, v63  }
0x28: {  	v3 =	vand.u32 $0x7, v3  }
0x29: {  	v3 =	vor.u32 v3, v4  }
0x2a: {  	v4 =	vperm.xlane v3, v0;
	_ =	sdelay $0x1  }
0x2b: {  	v4 =	vadd.s32 v1, v4;
	_ =	sdelay $0x3  }
0x2c: {  	v3 =	vperm.xlane v3, v2  }
0x2d: {  	[tilespmem:s16], [sflag:$0x1] =	stream.indirect_vreg.gather [hbm4b:s2+s3], $0x80, v4, vm0, $0xb8;
	[tilespmem:$0x6080] =	vst v63  }
0x2e: {  	v3 =	vadd.s32 v1, v3  }
0x2f: {  	[tilespmem:s17], [sflag:$0x1] =	stream.indirect_vreg.gather [hbm4b:s5+s3], $0x80, v4, vm0, $0xb8;
	[tilespmem:$0x6080] =	vst v63  }
0x30: {  	_ = 	snop  }
0x31: {  	[tilespmem:s18], [sflag:$0x1] =	stream.indirect_vreg.gather [hbm4b:s6+s3], $0x80, v4, vm0, $0xb8;
	[tilespmem:$0x6080] =	vst v63  }
0x32: {  	_ = 	snop  }
0x33: {  	[tilespmem:s19], [sflag:$0x1] =	stream.indirect_vreg.gather [hbm4b:s2+s3], $0x80, v3, vm0, $0xb8;
	[tilespmem:$0x6080] =	vst v63  }
0x34: {  	_ = 	snop  }
0x35: {  	[tilespmem:s20], [sflag:$0x1] =	stream.indirect_vreg.gather [hbm4b:s5+s3], $0x80, v3, vm0, $0xb8;
	[tilespmem:$0x6080] =	vst v63  }
0x36: {  	_ = 	snop  }
0x37: {  	[tilespmem:s21], [sflag:$0x1] =	stream.indirect_vreg.gather [hbm4b:s6+s3], $0x80, v3, vm0, $0xb8;
	[tilespmem:$0x6080] =	vst v63  }
0x38: {  	_ =	swait.ge [sflag:s22], $0x6000  }
0x39: {  	p0 =	sne.s32 s8, $0x1;
	[sflag:s22] =	ssyncset.done $0x0  }
.Ltmp0:
0x3a: {  	[sflag:s22] =	ssyncadd.s32 $0xFFFFA000;
	(pc) =	sbr.rel @p0 .LBB2_1-.Ltmp0, $4  }
0x3b: {  	[hbm4b:s7+s3] =	stream.linear.scatter [tilespmem:s10], [sflag:$0x2], $0x6000, $0x38;
	[tilespmem:$0x6080] =	vst v63  }
0x3c: {  	_ =	swait.ge [sflag:s9], $0x6000  }
0x3d: {  	[sflag:s9] =	ssyncset.done $0x0  }
0x3e: {  	s8 =	sadd.s32 $0xFFFFFFFF, s8;
	[sflag:s9] =	ssyncadd.s32 $0xFFFFA000  }
0x3f: {  	_ =	sfence.sel $0x180000  }
0x40: {  	[bflag:$0x0] =	sbarrier.arrive $0xFFFF  }
0x41: {  	p0 =	sne.s32 s1, $0x0;
	_ =	strace $0x9000004D  }
0x42: {  	s0 =	sadd.s32 @!p0 $0x100000, s0;
	[bflag:$0x2] =	sbarrier.arrive $0xFFFF  }
0x43: {  	[sflag:s0] =	ssyncadd.tile.s32 @!p0 $0x1;
	_ =	shalt  }
.Lfunc_end2:
_tile_overlayer_lowered:
.L_overlay_start_2:
0x44: {  	(tag) =	ssettag $0x2  }
0x45: {  	s0 =	rddreg [dreg:$0x0];
	s2 =	stileid.u32  }
0x46: {  	s1 =	rddreg [dreg:$0x1];
	p0 =	sne.s32 s2, $0x0  }
0x47: {  	s3 =	rddreg [dreg:$0x2];
	[bflag:$0x3] =	sbarrier.arrive $0xFFFF;
	s2 =	simm.s32 @!p0 $0x1C02  }
0x48: {  	[timem:s3], [sflag:s2] =	dma.local @!p0 [hbm:s0], s1  }
0x49: {  	s0 =	simm.s32 @!p0 $0x2  }
0x4a: {  	_ =	swait.ge @!p0 [sflag:s0], s1  }
0x4b: {  	s1 =	ssub.s32 @!p0 $0x0, s1;
	[sflag:s0] =	ssyncset.done @!p0 $0x0  }
0x4c: {  	[sflag:s0] =	ssyncadd.s32 @!p0 s1  }
0x4d: {  	[bflag:$0x3] =	sbarrier.arrive $0xFFFF  }
0x4e: {  	_ =	shalt  }

// kernel: kernel.25.cloned.1.call-start
scs
__scs_entry_jumppad:
0x0: {  	(pc) =	sbr.rel $0x88, $3  }
0x1: {  	(tag) =	ssettag $0x0;
	lr =	simm.s32 $0x1  }
0x2: {  	[smem:$0x3F9C] =	sst lr;
	_ =	strace $0xD0000000  }
0x3: {  	_ = 	snop  }
0x4: {  	_ = 	snop  }
0x5: {  	_ = 	snop  }
0x6: {  	_ = 	snop  }
0x7: {  	_ = 	snop  }
__scs_overlays_trampoline_lowered:
0x8: {  	[smem:$0x3FAB] =	sst s0  }
0x9: {  	[smem:$0x3FAC] =	sst s1  }
0xa: {  	[smem:$0x3FAD] =	sst s2  }
0xb: {  	[smem:$0x3FAE] =	sst s3  }
0xc: {  	[smem:$0x3FAF] =	sst s4  }
0xd: {  	[smem:$0x3FB0] =	sst s5  }
0xe: {  	[smem:$0x3FB1] =	sst s6  }
0xf: {  	[smem:$0x3FB2] =	sst s7  }
0x10: {  	[smem:$0x3FB3] =	sst s8  }
0x11: {  	[smem:$0x3FB4] =	sst s9;
	s0 =	simm.s32 @!p0 $0x0  }
0x12: {  	s1 =	sld [smem:$0x3F9A];
	s0 =	simm.s32 @p0 $0x1  }
0x13: {  	[smem:$0x3FB5] =	sst s0;
	s0 =	simm.s32 @!p1 $0x0  }
0x14: {  	s2 =	sld [smem:$0x3F99];
	s0 =	simm.s32 @p1 $0x1  }
0x15: {  	[smem:$0x3FB6] =	sst s0;
	s0 =	simm.s32 @!p2 $0x0  }
0x16: {  	s3 =	sld [smem:$0x3FDB];
	s0 =	simm.s32 @p2 $0x1  }
0x17: {  	s4 =	simm.s32 $0x1BF5;
	[smem:$0x3FB8] =	sst s0  }
0x18: {  	s0 =	sld [smem:$0x3F9B];
	_ =	swait.ge [sflag:s4], $0x0  }
0x19: {  	s7 =	sld [smem:$0x3F9C]  }
0x1a: {  	s8 =	sadd.s32 $0xFFFFE003, lr  }
0x1b: {  	s9 =	sadd.s32 $0xFFFFFEF7, lr;
	s5 =	simm.s32 $0xFFFFFFFF;
	p2 =	slt.u32 s8, $0xFFFFF086  }
0x1c: {  	p1 =	slt.u32 s9, $0xF7A;
	s5 =	simm.s32 @!p2 $0x0  }
0x1d: {  	s5 =	simm.s32 @p1 $0x1;
	p0 =	seq.s32 s7, s2  }
0x1e: {  	s7 =	smul.u32 @!p0 $0xF7A, s2;
	p2 =	seq.s32 @!p0 s5, $0x0  }
0x1f: {  	s9 =	smul.u32 $0xF7A, s1;
	s8 =	simm.s32 @!p0 $0x1BF5;
	p2 =	por !p2, p0  }
0x20: {  	[sflag:s8] =	ssyncset.s32 @!p0 $0xFFFFF086;
	s6 =	sadd.s32 @!p0 s3, s7;
	s7 =	simm.s32 @!p0 $0x108  }
0x21: {  	s3 =	sadd.s32 s3, s9;
	s6 =	sadd.s32 @!p0 $0x88, s6;
	s7 =	simm.s32 @p2 $0x1082  }
0x22: {  	[simem:s7], [sflag:s8] =	dma.local @!p0 [hbm:s6], $0xF7A  }
0x23: {  	s9 =	sor.u32 $0xD0000000, s2;
	s6 =	simm.s32 $0x108;
	_ =	swait.ge @!p0 [sflag:s8], $0x0  }
0x24: {  	s3 =	sadd.s32 $0x88, s3;
	s6 =	simm.s32 @!p1 $0x1082;
	[sflag:s4] =	ssyncset.s32 $0xFFFFF086  }
0x25: {  	[simem:s6], [sflag:s4] =	dma.local [hbm:s3], $0xF7A  }
0x26: {  	[smem:$0x3F9C] =	sst s1;
	(tag) =	ssettag s2;
	_ =	strace s9  }
0x27: {  	s1 =	sld [smem:$0x3FAC]  }
0x28: {  	s2 =	sld [smem:$0x3FAD]  }
0x29: {  	s4 =	sld [smem:$0x3FAF]  }
0x2a: {  	p0 =	seq.s32 s5, $0x0;
	s5 =	sld [smem:$0x3FB0]  }
0x2b: {  	s6 =	sld [smem:$0x3FB1]  }
0x2c: {  	s7 =	sld [smem:$0x3FB2]  }
0x2d: {  	s3 =	simm.s32 $0x108;
	s8 =	sld [smem:$0x3FB3]  }
0x2e: {  	s3 =	simm.s32 @!p0 $0x1082;
	s9 =	sld [smem:$0x3FB4]  }
0x2f: {  	lr =	sadd.s32 s0, s3;
	s0 =	sld [smem:$0x3FAB]  }
0x30: {  	s3 =	sld [smem:$0x3FAE]  }
0x31: {  	[smem:$0x3FB7] =	sst s10  }
0x32: {  	s10 =	sld [smem:$0x3FB5];
	_ =	sdelay $0x3  }
0x33: {  	p0 =	seq.s32 s10, $0x1;
	s10 =	sld [smem:$0x3FB7];
	_ =	sdelay $0x3  }
0x34: {  	[smem:$0x3FB7] =	sst s10  }
0x35: {  	s10 =	sld [smem:$0x3FB6];
	_ =	sdelay $0x3  }
0x36: {  	p1 =	seq.s32 s10, $0x1;
	s10 =	sld [smem:$0x3FB7];
	_ =	sdelay $0x3  }
0x37: {  	[smem:$0x3FB7] =	sst s10  }
0x38: {  	s10 =	sld [smem:$0x3FB8]  }
0x39: {  	_ = 	snop;
	(pc) =	sbr.ind lr, $3  }
0x3a: {  	_ = 	snop  }
0x3b: {  	_ = 	snop  }
0x3c: {  	p2 =	seq.s32 s10, $0x1;
	s10 =	sld [smem:$0x3FB7]  }
0x3d: {  	_ =	shalt  }
0x3e: {  	_ =	shalt  }
0x3f: {  	_ =	shalt  }
0x40: {  	_ =	shalt  }
0x41: {  	_ =	shalt  }
0x42: {  	_ =	shalt  }
0x43: {  	_ =	shalt  }
0x44: {  	_ =	shalt  }
0x45: {  	_ =	shalt  }
0x46: {  	_ =	shalt  }
0x47: {  	_ =	shalt  }
0x48: {  	_ =	shalt  }
0x49: {  	_ =	shalt  }
0x4a: {  	_ =	shalt  }
0x4b: {  	_ =	shalt  }
0x4c: {  	_ =	shalt  }
0x4d: {  	_ =	shalt  }
0x4e: {  	_ =	shalt  }
0x4f: {  	_ =	shalt  }
0x50: {  	_ =	shalt  }
0x51: {  	_ =	shalt  }
0x52: {  	_ =	shalt  }
0x53: {  	_ =	shalt  }
0x54: {  	_ =	shalt  }
0x55: {  	_ =	shalt  }
0x56: {  	_ =	shalt  }
0x57: {  	_ =	shalt  }
0x58: {  	_ =	shalt  }
0x59: {  	_ =	shalt  }
0x5a: {  	_ =	shalt  }
0x5b: {  	_ =	shalt  }
0x5c: {  	_ =	shalt  }
0x5d: {  	_ =	shalt  }
0x5e: {  	_ =	shalt  }
0x5f: {  	_ =	shalt  }
0x60: {  	_ =	shalt  }
0x61: {  	_ =	shalt  }
0x62: {  	_ =	shalt  }
0x63: {  	_ =	shalt  }
0x64: {  	_ =	shalt  }
0x65: {  	_ =	shalt  }
0x66: {  	_ =	shalt  }
0x67: {  	_ =	shalt  }
0x68: {  	_ =	shalt  }
0x69: {  	_ =	shalt  }
0x6a: {  	_ =	shalt  }
0x6b: {  	_ =	shalt  }
0x6c: {  	_ =	shalt  }
0x6d: {  	_ =	shalt  }
0x6e: {  	_ =	shalt  }
0x6f: {  	_ =	shalt  }
0x70: {  	_ =	shalt  }
0x71: {  	_ =	shalt  }
0x72: {  	_ =	shalt  }
0x73: {  	_ =	shalt  }
0x74: {  	_ =	shalt  }
0x75: {  	_ =	shalt  }
0x76: {  	_ =	shalt  }
0x77: {  	_ =	shalt  }
0x78: {  	_ =	shalt  }
0x79: {  	_ =	shalt  }
0x7a: {  	_ =	shalt  }
0x7b: {  	_ =	shalt  }
0x7c: {  	_ =	shalt  }
0x7d: {  	_ =	shalt  }
0x7e: {  	_ =	shalt  }
0x7f: {  	_ =	shalt  }
0x80: {  	_ =	shalt  }
0x81: {  	_ =	shalt  }
0x82: {  	_ =	shalt  }
0x83: {  	_ =	shalt  }
0x84: {  	_ =	shalt  }
0x85: {  	_ =	shalt  }
0x86: {  	_ =	shalt  }
0x87: {  	_ =	shalt  }
.Lfunc_end0:
.L_simem_size_0:
called_computation.3_lowered:
.L_overlay_start_0:
0x88: {  	s2 =	sld [smem:$0x3FD9]  }
0x89: {  	s3 =	sld [smem:$0x3FFE];
	_ =	sdelay $0x1  }
0x8a: {  	s1 =	srdreg.scid  }
0x8b: {  	s0 =	sand.u32 $0x1, s1  }
0x8c: {  	s15 =	sshll.u32 s0, $0xA;
	s2 =	sadd.s32 s3, s2  }
0x8d: {  	s2 =	sadd.s32 s2, s15  }
0x8e: {  	[smem:$0x3FC3] =	sst s2  }
0x8f: {  	_ = 	snop  }
0x90: {  	s2 =	sld [smem:$0x3FD0];
	_ =	sdelay $0x2  }
0x91: {  	s4 =	simm.s32 $0xB;
	s5 =	simm.s32 $0x10;
	s16 =	sld [smem:$0x3FC7]  }
0x92: {  	[smem:s5], [sflag:s4] =	dma.local [hbm:s2], $0x1  }
0x93: {  	_ =	swait.eq [sflag:s4], $0x1  }
0x94: {  	[sflag:s4] =	ssyncset.done $0x0  }
0x95: {  	s17 =	sld [smem:$0x13];
	[sflag:s4] =	ssyncadd.s32 $0xFFFFFFFF  }
0x96: {  	s18 =	sld [smem:$0x14];
	(tm) =	ssettm $0x1  }
0x97: {  	s19 =	sld [smem:$0x3FFB];
	_ =	sdelay $0x3  }
0x98: {  	_ =	strace s19  }
0x99: {  	s5 =	sld [smem:$0x3FFC];
	_ =	sdelay $0x3  }
0x9a: {  	_ =	strace s5  }
0x9b: {  	s5 =	sld [smem:$0x3FFD];
	_ =	sdelay $0x3  }
0x9c: {  	_ =	strace s5  }
0x9d: {  	_ =	strace $0x8FFFFFFF  }
0x9e: {  	s20 =	sld [smem:$0x3FDB];
	_ =	sdelay $0x1  }
0x9f: {  	s6 =	simm.s32 $_scs_section_size  }
0xa0: {  	s7 =	simm.s32 $_size__tile_overlayer_lowered;
	s8 =	simm.s32 $_tile_overlayer_lowered  }
0xa1: {  	s23 =	simm.s32 $0x1BFF;
	s22 =	sshll.u32 s8, $0x1;
	s5 =	sadd.s32 s6, s20  }
0xa2: {  	s9 =	simm.s32 $0x0;
	s21 =	sshll.u32 s7, $0x1;
	s7 =	sadd.s32 s22, s5  }
0xa3: {  	[timem:s9], [sflag:s23] =	dma.local [hbm:s7], s21  }
0xa4: {  	_ =	swait.ge [sflag:s23], s21  }
0xa5: {  	s6 =	ssub.s32 $0x0, s21;
	[sflag:s23] =	ssyncset.done $0x0  }
0xa6: {  	[sflag:s23] =	ssyncadd.s32 s6;
	_ =	sdelay $0x1  }
0xa7: {  	s24 =	simm.s32 $0x1B8B  }
0xa8: {  	_ =	swait.ge [sflag:s24], $0x1  }
0xa9: {  	[sflag:s24] =	ssyncset.done $0x0  }
0xaa: {  	s25 =	simm.s32 $0x1B8E;
	[sflag:s24] =	ssyncadd.s32 $0xFFFFFFFF  }
0xab: {  	s26 =	simm.s32 $execute0_lowered;
	[smem:$0x3FD2] =	sst s25  }
0xac: {  	s6 =	sshll.u32 s26, $0x1;
	_ =	strace $0x8000004F;
	[dreg:$0x1] =	wrdreg $0xFFFFFFFF  }
0xad: {  	s28 =	simm.s32 $_size_execute0_lowered;
	s5 =	sadd.s32 s5, s6;
	[dreg:$0x0] =	wrdreg $0x0  }
0xae: {  	s6 =	sshll.u32 s28, $0x1;
	[dreg:$0x2] =	wrdreg s5  }
0xaf: {  	[dreg:$0x3] =	wrdreg s6  }
0xb0: {  	[dreg:$0x4] =	wrdreg $0xC0  }
0xb1: {  	_ =	task [dreg:s9], $0x5FFFF  }
0xb2: {  	[dreg:$0x1] =	wrdreg $0xFFFFFFFF  }
0xb3: {  	[dreg:$0x0] =	wrdreg $0x60  }
0xb4: {  	[dreg:$0x2] =	wrdreg s16  }
0xb5: {  	[dreg:$0x3] =	wrdreg s18  }
0xb6: {  	[dreg:$0x4] =	wrdreg s17  }
0xb7: {  	[dreg:$0x5] =	wrdreg $0x9  }
0xb8: {  	_ =	task.clear_ibuf [dreg:s9], $0x6FFFF;
	_ =	strace $0x9000004F  }
0xb9: {  	s29 =	simm.s32 $0x9;
	_ =	strace $0x80000051  }
0xba: {  	_ =	swait.ge [sflag:s29], $0x1  }
0xbb: {  	[sflag:s29] =	ssyncadd.s32 $0xFFFFFFFF  }
0xbc: {  	_ =	strace $0x90000051  }
0xbd: {  	_ =	sfence  }
0xbe: {  	s30 =	sld [smem:$0x0];
	_ =	sdelay $0x2  }
0xbf: {  	s31 =	sshll.u32 s1, $0xD;
	s1 =	sshrl.u32 s1, $0x2  }
0xc0: {  	s3 =	sand.u32 $0x4000, s31;
	s1 =	sadd.s32 s1, s30  }
0xc1: {  	s0 =	sor.u32 s3, s0;
	s1 =	sshll.u32 s1, $0x11  }
0xc2: {  	s0 =	sor.u32 s1, s0  }
0xc3: {  	s0 =	sadd.s32 $0x8F2B, s0  }
0xc4: {  	[sflag:s0] =	ssyncadd.remote.s32 $0x1  }
0xc5: {  	_ =	sfence.sel $0xFFFF  }
0xc6: {  	[dreg:$0x0] =	wrdreg $0xFFFFFFFF;
	(pc) =	sbr.abs _section_cstart, $3  }
0xc7: {  	[dreg:$0x1] =	wrdreg $0xFFFFFFFF  }
0xc8: {  	_ =	task.clear_ibuf [dreg:s9], $0x2FFFF;
	_ =	strace $0x9FFFFFFF  }
0xc9: {  	(tm) =	ssettm $0x7FFFFFFF  }
tec
execute0_lowered:
.L_overlay_start_1:
0x0: {  	(tag) =	ssettag $0x1  }
0x1: {  	s2 =	rddreg [dreg:$0x0]  }
0x2: {  	s4 =	rddreg [dreg:$0x1];
	s0 =	srdreg.scid  }
0x3: {  	s7 =	rddreg [dreg:$0x2];
	s1 =	stileid.u32;
	s3 =	simm.s32 $0x0  }
0x4: {  	s10 =	simm.s32 $0x80;
	s11 =	simm.s32 $0x880;
	s12 =	simm.s32 $0x1080  }
0x5: {  	s13 =	simm.s32 $0x1880;
	s14 =	simm.s32 $0x2080;
	s15 =	simm.s32 $0x2880  }
0x6: {  	s16 =	simm.s32 $0x3080;
	s17 =	simm.s32 $0x3880;
	s18 =	simm.s32 $0x4080  }
0x7: {  	s19 =	simm.s32 $0x4880;
	s20 =	simm.s32 $0x5080;
	s21 =	simm.s32 $0x5880  }
0x8: {  	s22 =	simm.s32 $0x1;
	s5 =	sand.u32 $0x1, s0;
	s0 =	rddreg [dreg:$0x3]  }
0x9: {  	s6 =	sshll.u32 s1, $0x3;
	s8 =	sshll.u32 s5, $0x2;
	s5 =	ssub.s32 $0x2, s5  }
0xa: {  	[smem:$0x7FF] =	sst s3;
	s6 =	sor.u32 s8, s6;
	s31 =	sshrl.u32 s5, $0x1  }
0xb: {  	v2 =	vlaneseq.u32;
	_ =	strace $0x80000050;
	s9 =	smul.u32 $0x300, s6;
	s8 =	ssub.s32 s5, s31  }
0xc: {  	vm0 =	vmmov $0xffff;
	v1 =	vshrl.u32 v2, $0x3;
	s4 =	sadd.s32 s4, s6;
	s5 =	sadd.s32 $0x100, s2;
	s6 =	sadd.s32 $0x200, s2  }
0xd: {  	v0 =	vand.u32 $0x7, v2;
	v2 =	vor.u32 $0x8, v2;
	v1 =	vmul.u32 $0x8, v1;
	s8 =	smax.u32 s8, $0x1;
	s7 =	sadd.s32 s7, s9;
	s9 =	simm.s32 $0x2  }
.LBB2_1:
0xe: {  	[tilespmem:s3], [sflag:$0x2] =	stream.linear.gather [hbm4b:s4+s3], $0x20, $0x38;
	[tilespmem:$0x6080] =	vst v63  }
0xf: {  	_ =	swait.ge [sflag:s9], $0x20  }
0x10: {  	[sflag:s9] =	ssyncset.done $0x0  }
0x11: {  	[sflag:s9] =	ssyncadd.s32 $0xFFFFFFE0  }
0x12: {  	v3 =	vld [tilespmem:$0x0];
	_ =	sdelay $0x4  }
0x13: {  	v4 =	vshrl.u32 v3, $0x3  }
0x14: {  	v4 =	vmul.u32 $0x30, v4  }
0x15: {  	v3 =	vand.u32 $0x7, v3  }
0x16: {  	v3 =	vor.u32 v3, v4  }
0x17: {  	v4 =	vperm.xlane v3, v0;
	_ =	sdelay $0x1  }
0x18: {  	v4 =	vadd.s32 v1, v4;
	_ =	sdelay $0x3  }
0x19: {  	v3 =	vperm.xlane v3, v2  }
0x1a: {  	[tilespmem:s10], [sflag:$0x1] =	stream.indirect_vreg.gather [hbm4b:s2+s3], $0x80, v4, vm0, $0xb8;
	[tilespmem:$0x6080] =	vst v63  }
0x1b: {  	v3 =	vadd.s32 v1, v3  }
0x1c: {  	[tilespmem:s11], [sflag:$0x1] =	stream.indirect_vreg.gather [hbm4b:s5+s3], $0x80, v4, vm0, $0xb8;
	[tilespmem:$0x6080] =	vst v63  }
0x1d: {  	_ = 	snop  }
0x1e: {  	[tilespmem:s12], [sflag:$0x1] =	stream.indirect_vreg.gather [hbm4b:s6+s3], $0x80, v4, vm0, $0xb8;
	[tilespmem:$0x6080] =	vst v63  }
0x1f: {  	_ = 	snop  }
0x20: {  	[tilespmem:s13], [sflag:$0x1] =	stream.indirect_vreg.gather [hbm4b:s2+s3], $0x80, v3, vm0, $0xb8;
	[tilespmem:$0x6080] =	vst v63  }
0x21: {  	_ = 	snop  }
0x22: {  	[tilespmem:s14], [sflag:$0x1] =	stream.indirect_vreg.gather [hbm4b:s5+s3], $0x80, v3, vm0, $0xb8;
	[tilespmem:$0x6080] =	vst v63  }
0x23: {  	_ = 	snop  }
0x24: {  	[tilespmem:s15], [sflag:$0x1] =	stream.indirect_vreg.gather [hbm4b:s6+s3], $0x80, v3, vm0, $0xb8;
	[tilespmem:$0x6080] =	vst v63  }
0x25: {  	v3 =	vld [tilespmem:$0x10];
	_ =	sdelay $0x4  }
0x26: {  	v63 =	vshrl.u32 v3, $0x3  }
0x27: {  	v4 =	vmul.u32 $0x30, v63  }
0x28: {  	v3 =	vand.u32 $0x7, v3  }
0x29: {  	v3 =	vor.u32 v3, v4  }
0x2a: {  	v4 =	vperm.xlane v3, v0;
	_ =	sdelay $0x1  }
0x2b: {  	v4 =	vadd.s32 v1, v4;
	_ =	sdelay $0x3  }
0x2c: {  	v3 =	vperm.xlane v3, v2  }
0x2d: {  	[tilespmem:s16], [sflag:$0x1] =	stream.indirect_vreg.gather [hbm4b:s2+s3], $0x80, v4, vm0, $0xb8;
	[tilespmem:$0x6080] =	vst v63  }
0x2e: {  	v3 =	vadd.s32 v1, v3  }
0x2f: {  	[tilespmem:s17], [sflag:$0x1] =	stream.indirect_vreg.gather [hbm4b:s5+s3], $0x80, v4, vm0, $0xb8;
	[tilespmem:$0x6080] =	vst v63  }
0x30: {  	_ = 	snop  }
0x31: {  	[tilespmem:s18], [sflag:$0x1] =	stream.indirect_vreg.gather [hbm4b:s6+s3], $0x80, v4, vm0, $0xb8;
	[tilespmem:$0x6080] =	vst v63  }
0x32: {  	_ = 	snop  }
0x33: {  	[tilespmem:s19], [sflag:$0x1] =	stream.indirect_vreg.gather [hbm4b:s2+s3], $0x80, v3, vm0, $0xb8;
	[tilespmem:$0x6080] =	vst v63  }
0x34: {  	_ = 	snop  }
0x35: {  	[tilespmem:s20], [sflag:$0x1] =	stream.indirect_vreg.gather [hbm4b:s5+s3], $0x80, v3, vm0, $0xb8;
	[tilespmem:$0x6080] =	vst v63  }
0x36: {  	_ = 	snop  }
0x37: {  	[tilespmem:s21], [sflag:$0x1] =	stream.indirect_vreg.gather [hbm4b:s6+s3], $0x80, v3, vm0, $0xb8;
	[tilespmem:$0x6080] =	vst v63  }
0x38: {  	_ =	swait.ge [sflag:s22], $0x6000  }
0x39: {  	p0 =	sne.s32 s8, $0x1;
	[sflag:s22] =	ssyncset.done $0x0  }
.Ltmp0:
0x3a: {  	[sflag:s22] =	ssyncadd.s32 $0xFFFFA000;
	(pc) =	sbr.rel @p0 .LBB2_1-.Ltmp0, $4  }
0x3b: {  	[hbm4b:s7+s3] =	stream.linear.scatter [tilespmem:s10], [sflag:$0x2], $0x6000, $0x38;
	[tilespmem:$0x6080] =	vst v63  }
0x3c: {  	_ =	swait.ge [sflag:s9], $0x6000  }
0x3d: {  	[sflag:s9] =	ssyncset.done $0x0  }
0x3e: {  	s8 =	sadd.s32 $0xFFFFFFFF, s8;
	[sflag:s9] =	ssyncadd.s32 $0xFFFFA000  }
0x3f: {  	_ =	sfence.sel $0x180000  }
0x40: {  	[bflag:$0x0] =	sbarrier.arrive $0xFFFF  }
0x41: {  	p0 =	sne.s32 s1, $0x0;
	_ =	strace $0x90000050  }
0x42: {  	s0 =	sadd.s32 @!p0 $0x100000, s0;
	[bflag:$0x2] =	sbarrier.arrive $0xFFFF  }
0x43: {  	[sflag:s0] =	ssyncadd.tile.s32 @!p0 $0x1;
	_ =	shalt  }
.Lfunc_end2:
_tile_overlayer_lowered:
.L_overlay_start_2:
0x44: {  	(tag) =	ssettag $0x2  }
0x45: {  	s0 =	rddreg [dreg:$0x0];
	s2 =	stileid.u32  }
0x46: {  	s1 =	rddreg [dreg:$0x1];
	p0 =	sne.s32 s2, $0x0  }
0x47: {  	s3 =	rddreg [dreg:$0x2];
	[bflag:$0x3] =	sbarrier.arrive $0xFFFF;
	s2 =	simm.s32 @!p0 $0x1C02  }
0x48: {  	[timem:s3], [sflag:s2] =	dma.local @!p0 [hbm:s0], s1  }
0x49: {  	s0 =	simm.s32 @!p0 $0x2  }
0x4a: {  	_ =	swait.ge @!p0 [sflag:s0], s1  }
0x4b: {  	s1 =	ssub.s32 @!p0 $0x0, s1;
	[sflag:s0] =	ssyncset.done @!p0 $0x0  }
0x4c: {  	[sflag:s0] =	ssyncadd.s32 @!p0 s1  }
0x4d: {  	[bflag:$0x3] =	sbarrier.arrive $0xFFFF  }
0x4e: {  	_ =	shalt  }

// kernel: kernel.28.cloned.1.call-start
scs
__scs_entry_jumppad:
0x0: {  	(pc) =	sbr.rel $0x88, $3  }
0x1: {  	(tag) =	ssettag $0x0;
	lr =	simm.s32 $0x1  }
0x2: {  	[smem:$0x3F9C] =	sst lr;
	_ =	strace $0xD0000000  }
0x3: {  	_ = 	snop  }
0x4: {  	_ = 	snop  }
0x5: {  	_ = 	snop  }
0x6: {  	_ = 	snop  }
0x7: {  	_ = 	snop  }
__scs_overlays_trampoline_lowered:
0x8: {  	[smem:$0x3FAB] =	sst s0  }
0x9: {  	[smem:$0x3FAC] =	sst s1  }
0xa: {  	[smem:$0x3FAD] =	sst s2  }
0xb: {  	[smem:$0x3FAE] =	sst s3  }
0xc: {  	[smem:$0x3FAF] =	sst s4  }
0xd: {  	[smem:$0x3FB0] =	sst s5  }
0xe: {  	[smem:$0x3FB1] =	sst s6  }
0xf: {  	[smem:$0x3FB2] =	sst s7  }
0x10: {  	[smem:$0x3FB3] =	sst s8  }
0x11: {  	[smem:$0x3FB4] =	sst s9;
	s0 =	simm.s32 @!p0 $0x0  }
0x12: {  	s1 =	sld [smem:$0x3F9A];
	s0 =	simm.s32 @p0 $0x1  }
0x13: {  	[smem:$0x3FB5] =	sst s0;
	s0 =	simm.s32 @!p1 $0x0  }
0x14: {  	s2 =	sld [smem:$0x3F99];
	s0 =	simm.s32 @p1 $0x1  }
0x15: {  	[smem:$0x3FB6] =	sst s0;
	s0 =	simm.s32 @!p2 $0x0  }
0x16: {  	s3 =	sld [smem:$0x3FDB];
	s0 =	simm.s32 @p2 $0x1  }
0x17: {  	s4 =	simm.s32 $0x1BF5;
	[smem:$0x3FB8] =	sst s0  }
0x18: {  	s0 =	sld [smem:$0x3F9B];
	_ =	swait.ge [sflag:s4], $0x0  }
0x19: {  	s7 =	sld [smem:$0x3F9C]  }
0x1a: {  	s8 =	sadd.s32 $0xFFFFE003, lr  }
0x1b: {  	s9 =	sadd.s32 $0xFFFFFEF7, lr;
	s5 =	simm.s32 $0xFFFFFFFF;
	p2 =	slt.u32 s8, $0xFFFFF086  }
0x1c: {  	p1 =	slt.u32 s9, $0xF7A;
	s5 =	simm.s32 @!p2 $0x0  }
0x1d: {  	s5 =	simm.s32 @p1 $0x1;
	p0 =	seq.s32 s7, s2  }
0x1e: {  	s7 =	smul.u32 @!p0 $0xF7A, s2;
	p2 =	seq.s32 @!p0 s5, $0x0  }
0x1f: {  	s9 =	smul.u32 $0xF7A, s1;
	s8 =	simm.s32 @!p0 $0x1BF5;
	p2 =	por !p2, p0  }
0x20: {  	[sflag:s8] =	ssyncset.s32 @!p0 $0xFFFFF086;
	s6 =	sadd.s32 @!p0 s3, s7;
	s7 =	simm.s32 @!p0 $0x108  }
0x21: {  	s3 =	sadd.s32 s3, s9;
	s6 =	sadd.s32 @!p0 $0x88, s6;
	s7 =	simm.s32 @p2 $0x1082  }
0x22: {  	[simem:s7], [sflag:s8] =	dma.local @!p0 [hbm:s6], $0xF7A  }
0x23: {  	s9 =	sor.u32 $0xD0000000, s2;
	s6 =	simm.s32 $0x108;
	_ =	swait.ge @!p0 [sflag:s8], $0x0  }
0x24: {  	s3 =	sadd.s32 $0x88, s3;
	s6 =	simm.s32 @!p1 $0x1082;
	[sflag:s4] =	ssyncset.s32 $0xFFFFF086  }
0x25: {  	[simem:s6], [sflag:s4] =	dma.local [hbm:s3], $0xF7A  }
0x26: {  	[smem:$0x3F9C] =	sst s1;
	(tag) =	ssettag s2;
	_ =	strace s9  }
0x27: {  	s1 =	sld [smem:$0x3FAC]  }
0x28: {  	s2 =	sld [smem:$0x3FAD]  }
0x29: {  	s4 =	sld [smem:$0x3FAF]  }
0x2a: {  	p0 =	seq.s32 s5, $0x0;
	s5 =	sld [smem:$0x3FB0]  }
0x2b: {  	s6 =	sld [smem:$0x3FB1]  }
0x2c: {  	s7 =	sld [smem:$0x3FB2]  }
0x2d: {  	s3 =	simm.s32 $0x108;
	s8 =	sld [smem:$0x3FB3]  }
0x2e: {  	s3 =	simm.s32 @!p0 $0x1082;
	s9 =	sld [smem:$0x3FB4]  }
0x2f: {  	lr =	sadd.s32 s0, s3;
	s0 =	sld [smem:$0x3FAB]  }
0x30: {  	s3 =	sld [smem:$0x3FAE]  }
0x31: {  	[smem:$0x3FB7] =	sst s10  }
0x32: {  	s10 =	sld [smem:$0x3FB5];
	_ =	sdelay $0x3  }
0x33: {  	p0 =	seq.s32 s10, $0x1;
	s10 =	sld [smem:$0x3FB7];
	_ =	sdelay $0x3  }
0x34: {  	[smem:$0x3FB7] =	sst s10  }
0x35: {  	s10 =	sld [smem:$0x3FB6];
	_ =	sdelay $0x3  }
0x36: {  	p1 =	seq.s32 s10, $0x1;
	s10 =	sld [smem:$0x3FB7];
	_ =	sdelay $0x3  }
0x37: {  	[smem:$0x3FB7] =	sst s10  }
0x38: {  	s10 =	sld [smem:$0x3FB8]  }
0x39: {  	_ = 	snop;
	(pc) =	sbr.ind lr, $3  }
0x3a: {  	_ = 	snop  }
0x3b: {  	_ = 	snop  }
0x3c: {  	p2 =	seq.s32 s10, $0x1;
	s10 =	sld [smem:$0x3FB7]  }
0x3d: {  	_ =	shalt  }
0x3e: {  	_ =	shalt  }
0x3f: {  	_ =	shalt  }
0x40: {  	_ =	shalt  }
0x41: {  	_ =	shalt  }
0x42: {  	_ =	shalt  }
0x43: {  	_ =	shalt  }
0x44: {  	_ =	shalt  }
0x45: {  	_ =	shalt  }
0x46: {  	_ =	shalt  }
0x47: {  	_ =	shalt  }
0x48: {  	_ =	shalt  }
0x49: {  	_ =	shalt  }
0x4a: {  	_ =	shalt  }
0x4b: {  	_ =	shalt  }
0x4c: {  	_ =	shalt  }
0x4d: {  	_ =	shalt  }
0x4e: {  	_ =	shalt  }
0x4f: {  	_ =	shalt  }
0x50: {  	_ =	shalt  }
0x51: {  	_ =	shalt  }
0x52: {  	_ =	shalt  }
0x53: {  	_ =	shalt  }
0x54: {  	_ =	shalt  }
0x55: {  	_ =	shalt  }
0x56: {  	_ =	shalt  }
0x57: {  	_ =	shalt  }
0x58: {  	_ =	shalt  }
0x59: {  	_ =	shalt  }
0x5a: {  	_ =	shalt  }
0x5b: {  	_ =	shalt  }
0x5c: {  	_ =	shalt  }
0x5d: {  	_ =	shalt  }
0x5e: {  	_ =	shalt  }
0x5f: {  	_ =	shalt  }
0x60: {  	_ =	shalt  }
0x61: {  	_ =	shalt  }
0x62: {  	_ =	shalt  }
0x63: {  	_ =	shalt  }
0x64: {  	_ =	shalt  }
0x65: {  	_ =	shalt  }
0x66: {  	_ =	shalt  }
0x67: {  	_ =	shalt  }
0x68: {  	_ =	shalt  }
0x69: {  	_ =	shalt  }
0x6a: {  	_ =	shalt  }
0x6b: {  	_ =	shalt  }
0x6c: {  	_ =	shalt  }
0x6d: {  	_ =	shalt  }
0x6e: {  	_ =	shalt  }
0x6f: {  	_ =	shalt  }
0x70: {  	_ =	shalt  }
0x71: {  	_ =	shalt  }
0x72: {  	_ =	shalt  }
0x73: {  	_ =	shalt  }
0x74: {  	_ =	shalt  }
0x75: {  	_ =	shalt  }
0x76: {  	_ =	shalt  }
0x77: {  	_ =	shalt  }
0x78: {  	_ =	shalt  }
0x79: {  	_ =	shalt  }
0x7a: {  	_ =	shalt  }
0x7b: {  	_ =	shalt  }
0x7c: {  	_ =	shalt  }
0x7d: {  	_ =	shalt  }
0x7e: {  	_ =	shalt  }
0x7f: {  	_ =	shalt  }
0x80: {  	_ =	shalt  }
0x81: {  	_ =	shalt  }
0x82: {  	_ =	shalt  }
0x83: {  	_ =	shalt  }
0x84: {  	_ =	shalt  }
0x85: {  	_ =	shalt  }
0x86: {  	_ =	shalt  }
0x87: {  	_ =	shalt  }
.Lfunc_end0:
.L_simem_size_0:
called_computation.4_lowered:
.L_overlay_start_0:
0x88: {  	s2 =	sld [smem:$0x3FD9]  }
0x89: {  	s3 =	sld [smem:$0x3FFE];
	_ =	sdelay $0x1  }
0x8a: {  	s1 =	srdreg.scid  }
0x8b: {  	s0 =	sand.u32 $0x1, s1  }
0x8c: {  	s15 =	sshll.u32 s0, $0xA;
	s2 =	sadd.s32 s3, s2  }
0x8d: {  	s2 =	sadd.s32 s2, s15  }
0x8e: {  	[smem:$0x3FC3] =	sst s2  }
0x8f: {  	_ = 	snop  }
0x90: {  	s16 =	sld [smem:$0x3FD0];
	_ =	sdelay $0x2  }
0x91: {  	s4 =	simm.s32 $0xB;
	s5 =	simm.s32 $0x10;
	s2 =	sld [smem:$0x3FC6]  }
0x92: {  	[smem:s5], [sflag:s4] =	dma.local [hbm:s16], $0x1  }
0x93: {  	_ =	swait.eq [sflag:s4], $0x1  }
0x94: {  	[sflag:s4] =	ssyncset.done $0x0  }
0x95: {  	[sflag:s4] =	ssyncadd.s32 $0xFFFFFFFF  }
0x96: {  	s17 =	sld [smem:$0x11];
	(tm) =	ssettm $0x1  }
0x97: {  	s18 =	sld [smem:$0x3FFB];
	_ =	sdelay $0x3  }
0x98: {  	_ =	strace s18  }
0x99: {  	s3 =	sld [smem:$0x3FFC];
	_ =	sdelay $0x3  }
0x9a: {  	_ =	strace s3  }
0x9b: {  	s3 =	sld [smem:$0x3FFD];
	_ =	sdelay $0x3  }
0x9c: {  	_ =	strace s3  }
0x9d: {  	_ =	strace $0x8FFFFFFF  }
0x9e: {  	s19 =	sld [smem:$0x3FDB];
	_ =	sdelay $0x1  }
0x9f: {  	s20 =	simm.s32 $_scs_section_size  }
0xa0: {  	s6 =	simm.s32 $_size__tile_overlayer_lowered;
	s7 =	simm.s32 $_tile_overlayer_lowered  }
0xa1: {  	s8 =	simm.s32 $0x1BFF;
	s21 =	sshll.u32 s7, $0x1;
	s5 =	sadd.s32 s20, s19  }
0xa2: {  	s22 =	simm.s32 $0x0;
	s6 =	sshll.u32 s6, $0x1;
	s7 =	sadd.s32 s21, s5  }
0xa3: {  	[timem:s22], [sflag:s8] =	dma.local [hbm:s7], s6  }
0xa4: {  	_ =	swait.ge [sflag:s8], s6  }
0xa5: {  	s6 =	ssub.s32 $0x0, s6;
	[sflag:s8] =	ssyncset.done $0x0  }
0xa6: {  	[sflag:s8] =	ssyncadd.s32 s6;
	_ =	sdelay $0x1  }
0xa7: {  	s23 =	simm.s32 $0x1B8B  }
0xa8: {  	_ =	swait.ge [sflag:s23], $0x1  }
0xa9: {  	[sflag:s23] =	ssyncset.done $0x0  }
0xaa: {  	[sflag:s23] =	ssyncadd.s32 $0xFFFFFFFF  }
0xab: {  	s6 =	sld [smem:$0x0]  }
0xac: {  	s7 =	sand.u32 $0xFFFFFFFE, s1  }
0xad: {  	p0 =	sne.s32 s1, s7  }
0xae: {  	s7 =	sshll.u32 @p0 s7, $0xE  }
0xaf: {  	s7 =	sadd.s32 @p0 $0x11B8D, s7;
	s8 =	sshll.u32 @p0 s6, $0x11  }
0xb0: {  	s7 =	sor.u32 @p0 s8, s7  }
0xb1: {  	[sflag:s7] =	ssyncadd.remote.s32 @p0 $0x1;
	_ =	sdelay $0x1  }
0xb2: {  	s7 =	simm.s32 @p0 $0x1B8D  }
0xb3: {  	_ =	swait.eq @p0 [sflag:s7], $0x1  }
0xb4: {  	[sflag:s7] =	ssyncadd.s32 @p0 $0xFFFFFFFF  }
0xb5: {  	s8 =	sshll.u32 @!p0 s1, $0xE  }
0xb6: {  	s8 =	sor.u32 @!p0 $0x4000, s8;
	s7 =	simm.s32 @!p0 $0x1B8D  }
0xb7: {  	s6 =	sshll.u32 @!p0 s6, $0x11;
	s8 =	sadd.s32 @!p0 $0x11B8D, s8;
	_ =	swait.eq @!p0 [sflag:s7], $0x1  }
0xb8: {  	s6 =	sor.u32 @!p0 s6, s8;
	[sflag:s7] =	ssyncadd.s32 @!p0 $0xFFFFFFFF  }
0xb9: {  	s25 =	simm.s32 $0x1B8E;
	s24 =	sld [smem:$0x3FFE];
	[sflag:s6] =	ssyncadd.remote.s32 @!p0 $0x1  }
0xba: {  	s26 =	simm.s32 $execute0_lowered;
	[smem:$0x3FD2] =	sst s25  }
0xbb: {  	s7 =	sshll.u32 s26, $0x1;
	_ =	strace $0x80000052;
	[dreg:$0x1] =	wrdreg $0xFFFFFFFF  }
0xbc: {  	s28 =	simm.s32 $_size_execute0_lowered;
	s5 =	sadd.s32 s5, s7;
	[dreg:$0x0] =	wrdreg $0x0  }
0xbd: {  	s7 =	sshll.u32 s28, $0x1;
	[dreg:$0x2] =	wrdreg s5  }
0xbe: {  	[dreg:$0x3] =	wrdreg s7  }
0xbf: {  	[dreg:$0x4] =	wrdreg $0xC0  }
0xc0: {  	_ =	task [dreg:s22], $0x5FFFF  }
0xc1: {  	[dreg:$0x1] =	wrdreg $0xFFFFFFFF  }
0xc2: {  	[dreg:$0x0] =	wrdreg $0x60  }
0xc3: {  	[dreg:$0x2] =	wrdreg s2  }
0xc4: {  	[dreg:$0x3] =	wrdreg s17  }
0xc5: {  	[dreg:$0x4] =	wrdreg s24  }
0xc6: {  	[dreg:$0x5] =	wrdreg $0xA  }
0xc7: {  	_ =	task.clear_ibuf [dreg:s22], $0x6FFFF;
	_ =	strace $0x90000052  }
0xc8: {  	s29 =	simm.s32 $0xA;
	_ =	strace $0x80000054  }
0xc9: {  	_ =	swait.ge [sflag:s29], $0x1  }
0xca: {  	[sflag:s29] =	ssyncadd.s32 $0xFFFFFFFF  }
0xcb: {  	_ =	strace $0x90000054  }
0xcc: {  	_ =	sfence  }
0xcd: {  	s30 =	sld [smem:$0x0];
	_ =	sdelay $0x2  }
0xce: {  	s31 =	sshll.u32 s1, $0xD;
	s1 =	sshrl.u32 s1, $0x2  }
0xcf: {  	s4 =	sand.u32 $0x4000, s31;
	s1 =	sadd.s32 s1, s30  }
0xd0: {  	s0 =	sor.u32 s4, s0;
	s1 =	sshll.u32 s1, $0x11  }
0xd1: {  	s0 =	sor.u32 s1, s0  }
0xd2: {  	s0 =	sadd.s32 $0x8F2B, s0  }
0xd3: {  	[sflag:s0] =	ssyncadd.remote.s32 $0x1  }
0xd4: {  	_ =	sfence.sel $0xFFFF  }
0xd5: {  	[dreg:$0x0] =	wrdreg $0xFFFFFFFF;
	(pc) =	sbr.abs _section_cstart, $3  }
0xd6: {  	[dreg:$0x1] =	wrdreg $0xFFFFFFFF  }
0xd7: {  	_ =	task.clear_ibuf [dreg:s22], $0x2FFFF;
	_ =	strace $0x9FFFFFFF  }
0xd8: {  	(tm) =	ssettm $0x7FFFFFFF  }
0xd9: {  	_ =	shalt  }
tec
execute0_lowered:
.L_overlay_start_1:
0x0: {  	(tag) =	ssettag $0x1  }
0x1: {  	s1 =	rddreg [dreg:$0x0]  }
0x2: {  	s4 =	rddreg [dreg:$0x1]  }
0x3: {  	s5 =	rddreg [dreg:$0x2];
	s3 =	simm.s32 $0x0  }
0x4: {  	s24 =	simm.s32 $0x880;
	[smem:$0x7FF] =	sst s3  }
0x5: {  	s25 =	simm.s32 $0x1080;
	_ =	strace $0x80000053;
	[dreg:$0x6] =	wrdreg s24  }
0x6: {  	s0 =	stileid.u32;
	s26 =	simm.s32 $0x1880;
	[dreg:$0x7] =	wrdreg s25  }
0x7: {  	s6 =	sshll.u32 s0, $0x5;
	s0 =	simm.s32 $0x2080;
	[dreg:$0x8] =	wrdreg s26  }
0x8: {  	s8 =	simm.s32 $0x4080;
	[dreg:$0x9] =	wrdreg s0  }
0x9: {  	s9 =	simm.s32 $0x4880;
	[dreg:$0xd] =	wrdreg s8  }
0xa: {  	s10 =	simm.s32 $0x5080;
	[dreg:$0xe] =	wrdreg s9  }
0xb: {  	s11 =	simm.s32 $0x5880;
	[dreg:$0xf] =	wrdreg s10  }
0xc: {  	s12 =	simm.s32 $0x6080;
	[dreg:$0x10] =	wrdreg s11  }
0xd: {  	s13 =	simm.s32 $0x6880;
	[dreg:$0x11] =	wrdreg s12  }
0xe: {  	s14 =	simm.s32 $0x7080;
	[dreg:$0x12] =	wrdreg s13  }
0xf: {  	s15 =	simm.s32 $0x7880;
	[dreg:$0x13] =	wrdreg s14  }
0x10: {  	s2 =	srdreg.scid;
	s16 =	simm.s32 $0x8080;
	[dreg:$0x14] =	wrdreg s15  }
0x11: {  	s17 =	simm.s32 $0x8880;
	s18 =	simm.s32 $0x9080;
	[dreg:$0x15] =	wrdreg s16  }
0x12: {  	s20 =	simm.s32 $0x9880;
	s21 =	simm.s32 $0xA080;
	[dreg:$0x16] =	wrdreg s17  }
0x13: {  	s22 =	simm.s32 $0xA880;
	s28 =	simm.s32 $0x16080;
	[dreg:$0x17] =	wrdreg s18  }
0x14: {  	s29 =	simm.s32 $0x16880;
	s30 =	simm.s32 $0x17080;
	[dreg:$0x18] =	wrdreg s20  }
0x15: {  	s31 =	simm.s32 $0x17880;
	s2 =	sand.u32 $0x1, s2;
	[dreg:$0x19] =	wrdreg s21  }
0x16: {  	s7 =	sshll.u32 s2, $0x4;
	s2 =	ssub.s32 $0x2, s2;
	[dreg:$0x1a] =	wrdreg s22  }
0x17: {  	s24 =	simm.s32 $0xB880;
	s25 =	simm.s32 $0xC080;
	s8 =	simm.s32 $0x80  }
0x18: {  	s26 =	simm.s32 $0xC880;
	s10 =	simm.s32 $0xD880;
	s11 =	simm.s32 $0xE080  }
0x19: {  	s12 =	simm.s32 $0xE880;
	s13 =	simm.s32 $0xF080;
	s14 =	simm.s32 $0xF880  }
0x1a: {  	s15 =	simm.s32 $0x10080;
	s16 =	simm.s32 $0x10880;
	s17 =	simm.s32 $0x11080  }
0x1b: {  	s18 =	simm.s32 $0x11880;
	s20 =	simm.s32 $0x12880;
	[dreg:$0x1c] =	wrdreg s24  }
0x1c: {  	s21 =	simm.s32 $0x13080;
	s22 =	simm.s32 $0x13880;
	[dreg:$0x1d] =	wrdreg s25  }
0x1d: {  	s6 =	sor.u32 s7, s6;
	s19 =	sshrl.u32 s2, $0x1;
	[dreg:$0x1e] =	wrdreg s26  }
0x1e: {  	s24 =	simm.s32 $0x14880;
	s25 =	simm.s32 $0x15080;
	s26 =	simm.s32 $0x15880  }
0x1f: {  	s7 =	smul.u32 $0x300, s6;
	s4 =	sadd.s32 s4, s6;
	s6 =	simm.s32 $0x3080  }
0x20: {  	s2 =	ssub.s32 s2, s19;
	s19 =	simm.s32 $0x12080;
	[dreg:$0x4] =	wrdreg s4  }
0x21: {  	[dreg:$0xb] =	wrdreg s6;
	s4 =	sadd.s32 $0x100, s1;
	s23 =	sadd.s32 s5, s7  }
0x22: {  	s6 =	smax.u32 s2, $0x1;
	s5 =	simm.s32 $0x2880;
	[dreg:$0x5] =	wrdreg s23  }
0x23: {  	v2 =	vlaneseq.u32;
	s2 =	simm.s32 $0x1;
	s7 =	simm.s32 $0x3880;
	[dreg:$0xa] =	wrdreg s5  }
0x24: {  	vm0 =	vmmov $0xffff;
	v1 =	vshrl.u32 v2, $0x3;
	[dreg:$0xc] =	wrdreg s7;
	s5 =	sadd.s32 $0x200, s1;
	s23 =	simm.s32 $0xB080  }
0x25: {  	v0 =	vand.u32 $0x7, v2;
	v2 =	vor.u32 $0x8, v2;
	v1 =	vmul.u32 $0x8, v1;
	s7 =	simm.s32 $0x2;
	[dreg:$0x1b] =	wrdreg s23;
	s23 =	simm.s32 $0x14080  }
.LBB2_1:
0x26: {  	s0 =	rddreg [dreg:$0x4]  }
0x27: {  	[tilespmem:s3], [sflag:$0x2] =	stream.linear.gather [hbm4b:s0+s3], $0x80, $0x38;
	[tilespmem:$0x18080] =	vst v63  }
0x28: {  	_ =	swait.ge [sflag:s7], $0x80  }
0x29: {  	[sflag:s7] =	ssyncset.done $0x0  }
0x2a: {  	[sflag:s7] =	ssyncadd.s32 $0xFFFFFF80  }
0x2b: {  	v3 =	vld [tilespmem:$0x0];
	_ =	sdelay $0x4  }
0x2c: {  	v4 =	vshrl.u32 v3, $0x3  }
0x2d: {  	v4 =	vmul.u32 $0x30, v4  }
0x2e: {  	v3 =	vand.u32 $0x7, v3  }
0x2f: {  	v3 =	vor.u32 v3, v4  }
0x30: {  	v4 =	vperm.xlane v3, v0;
	_ =	sdelay $0x1  }
0x31: {  	v4 =	vadd.s32 v1, v4;
	_ =	sdelay $0x3  }
0x32: {  	v3 =	vperm.xlane v3, v2  }
0x33: {  	[tilespmem:s8], [sflag:$0x1] =	stream.indirect_vreg.gather [hbm4b:s1+s3], $0x80, v4, vm0, $0xb8;
	[tilespmem:$0x18080] =	vst v63  }
0x34: {  	s0 =	rddreg [dreg:$0x6];
	v3 =	vadd.s32 v1, v3  }
0x35: {  	[tilespmem:s0], [sflag:$0x1] =	stream.indirect_vreg.gather [hbm4b:s4+s3], $0x80, v4, vm0, $0xb8;
	[tilespmem:$0x18080] =	vst v63  }
0x36: {  	s9 =	rddreg [dreg:$0x7]  }
0x37: {  	[tilespmem:s9], [sflag:$0x1] =	stream.indirect_vreg.gather [hbm4b:s5+s3], $0x80, v4, vm0, $0xb8;
	[tilespmem:$0x18080] =	vst v63  }
0x38: {  	s0 =	rddreg [dreg:$0x8]  }
0x39: {  	[tilespmem:s0], [sflag:$0x1] =	stream.indirect_vreg.gather [hbm4b:s1+s3], $0x80, v3, vm0, $0xb8;
	[tilespmem:$0x18080] =	vst v63  }
0x3a: {  	s9 =	rddreg [dreg:$0x9]  }
0x3b: {  	[tilespmem:s9], [sflag:$0x1] =	stream.indirect_vreg.gather [hbm4b:s4+s3], $0x80, v3, vm0, $0xb8;
	[tilespmem:$0x18080] =	vst v63  }
0x3c: {  	s0 =	rddreg [dreg:$0xa]  }
0x3d: {  	[tilespmem:s0], [sflag:$0x1] =	stream.indirect_vreg.gather [hbm4b:s5+s3], $0x80, v3, vm0, $0xb8;
	[tilespmem:$0x18080] =	vst v63  }
0x3e: {  	v3 =	vld [tilespmem:$0x10];
	_ =	sdelay $0x4  }
0x3f: {  	v57 =	vshrl.u32 v3, $0x3  }
0x40: {  	v4 =	vmul.u32 $0x30, v57  }
0x41: {  	v3 =	vand.u32 $0x7, v3  }
0x42: {  	v3 =	vor.u32 v3, v4  }
0x43: {  	v4 =	vperm.xlane v3, v0;
	_ =	sdelay $0x1  }
0x44: {  	v4 =	vadd.s32 v1, v4;
	_ =	sdelay $0x3  }
0x45: {  	s0 =	rddreg [dreg:$0xb];
	v3 =	vperm.xlane v3, v2  }
0x46: {  	[tilespmem:s0], [sflag:$0x1] =	stream.indirect_vreg.gather [hbm4b:s1+s3], $0x80, v4, vm0, $0xb8;
	[tilespmem:$0x18080] =	vst v63  }
0x47: {  	s9 =	rddreg [dreg:$0xc];
	v3 =	vadd.s32 v1, v3  }
0x48: {  	[tilespmem:s9], [sflag:$0x1] =	stream.indirect_vreg.gather [hbm4b:s4+s3], $0x80, v4, vm0, $0xb8;
	[tilespmem:$0x18080] =	vst v63  }
0x49: {  	s0 =	rddreg [dreg:$0xd]  }
0x4a: {  	[tilespmem:s0], [sflag:$0x1] =	stream.indirect_vreg.gather [hbm4b:s5+s3], $0x80, v4, vm0, $0xb8;
	[tilespmem:$0x18080] =	vst v63  }
0x4b: {  	s9 =	rddreg [dreg:$0xe]  }
0x4c: {  	[tilespmem:s9], [sflag:$0x1] =	stream.indirect_vreg.gather [hbm4b:s1+s3], $0x80, v3, vm0, $0xb8;
	[tilespmem:$0x18080] =	vst v63  }
0x4d: {  	s0 =	rddreg [dreg:$0xf]  }
0x4e: {  	[tilespmem:s0], [sflag:$0x1] =	stream.indirect_vreg.gather [hbm4b:s4+s3], $0x80, v3, vm0, $0xb8;
	[tilespmem:$0x18080] =	vst v63  }
0x4f: {  	s9 =	rddreg [dreg:$0x10]  }
0x50: {  	[tilespmem:s9], [sflag:$0x1] =	stream.indirect_vreg.gather [hbm4b:s5+s3], $0x80, v3, vm0, $0xb8;
	[tilespmem:$0x18080] =	vst v63  }
0x51: {  	v3 =	vld [tilespmem:$0x20];
	_ =	sdelay $0x4  }
0x52: {  	v58 =	vshrl.u32 v3, $0x3  }
0x53: {  	v4 =	vmul.u32 $0x30, v58  }
0x54: {  	v3 =	vand.u32 $0x7, v3  }
0x55: {  	v3 =	vor.u32 v3, v4  }
0x56: {  	v4 =	vperm.xlane v3, v0;
	_ =	sdelay $0x1  }
0x57: {  	v4 =	vadd.s32 v1, v4;
	_ =	sdelay $0x3  }
0x58: {  	s0 =	rddreg [dreg:$0x11];
	v3 =	vperm.xlane v3, v2  }
0x59: {  	[tilespmem:s0], [sflag:$0x1] =	stream.indirect_vreg.gather [hbm4b:s1+s3], $0x80, v4, vm0, $0xb8;
	[tilespmem:$0x18080] =	vst v63  }
0x5a: {  	s9 =	rddreg [dreg:$0x12];
	v3 =	vadd.s32 v1, v3  }
0x5b: {  	[tilespmem:s9], [sflag:$0x1] =	stream.indirect_vreg.gather [hbm4b:s4+s3], $0x80, v4, vm0, $0xb8;
	[tilespmem:$0x18080] =	vst v63  }
0x5c: {  	s0 =	rddreg [dreg:$0x13]  }
0x5d: {  	[tilespmem:s0], [sflag:$0x1] =	stream.indirect_vreg.gather [hbm4b:s5+s3], $0x80, v4, vm0, $0xb8;
	[tilespmem:$0x18080] =	vst v63  }
0x5e: {  	s9 =	rddreg [dreg:$0x14]  }
0x5f: {  	[tilespmem:s9], [sflag:$0x1] =	stream.indirect_vreg.gather [hbm4b:s1+s3], $0x80, v3, vm0, $0xb8;
	[tilespmem:$0x18080] =	vst v63  }
0x60: {  	s0 =	rddreg [dreg:$0x15]  }
0x61: {  	[tilespmem:s0], [sflag:$0x1] =	stream.indirect_vreg.gather [hbm4b:s4+s3], $0x80, v3, vm0, $0xb8;
	[tilespmem:$0x18080] =	vst v63  }
0x62: {  	s9 =	rddreg [dreg:$0x16]  }
0x63: {  	[tilespmem:s9], [sflag:$0x1] =	stream.indirect_vreg.gather [hbm4b:s5+s3], $0x80, v3, vm0, $0xb8;
	[tilespmem:$0x18080] =	vst v63  }
0x64: {  	v3 =	vld [tilespmem:$0x30];
	_ =	sdelay $0x4  }
0x65: {  	v59 =	vshrl.u32 v3, $0x3  }
0x66: {  	v4 =	vmul.u32 $0x30, v59  }
0x67: {  	v3 =	vand.u32 $0x7, v3  }
0x68: {  	v3 =	vor.u32 v3, v4  }
0x69: {  	v4 =	vperm.xlane v3, v0;
	_ =	sdelay $0x1  }
0x6a: {  	v4 =	vadd.s32 v1, v4;
	_ =	sdelay $0x3  }
0x6b: {  	s0 =	rddreg [dreg:$0x17];
	v3 =	vperm.xlane v3, v2  }
0x6c: {  	[tilespmem:s0], [sflag:$0x1] =	stream.indirect_vreg.gather [hbm4b:s1+s3], $0x80, v4, vm0, $0xb8;
	[tilespmem:$0x18080] =	vst v63  }
0x6d: {  	s9 =	rddreg [dreg:$0x18];
	v3 =	vadd.s32 v1, v3  }
0x6e: {  	[tilespmem:s9], [sflag:$0x1] =	stream.indirect_vreg.gather [hbm4b:s4+s3], $0x80, v4, vm0, $0xb8;
	[tilespmem:$0x18080] =	vst v63  }
0x6f: {  	s0 =	rddreg [dreg:$0x19]  }
0x70: {  	[tilespmem:s0], [sflag:$0x1] =	stream.indirect_vreg.gather [hbm4b:s5+s3], $0x80, v4, vm0, $0xb8;
	[tilespmem:$0x18080] =	vst v63  }
0x71: {  	s9 =	rddreg [dreg:$0x1a]  }
0x72: {  	[tilespmem:s9], [sflag:$0x1] =	stream.indirect_vreg.gather [hbm4b:s1+s3], $0x80, v3, vm0, $0xb8;
	[tilespmem:$0x18080] =	vst v63  }
0x73: {  	s0 =	rddreg [dreg:$0x1b]  }
0x74: {  	[tilespmem:s0], [sflag:$0x1] =	stream.indirect_vreg.gather [hbm4b:s4+s3], $0x80, v3, vm0, $0xb8;
	[tilespmem:$0x18080] =	vst v63  }
0x75: {  	s9 =	rddreg [dreg:$0x1c]  }
0x76: {  	[tilespmem:s9], [sflag:$0x1] =	stream.indirect_vreg.gather [hbm4b:s5+s3], $0x80, v3, vm0, $0xb8;
	[tilespmem:$0x18080] =	vst v63  }
0x77: {  	v3 =	vld [tilespmem:$0x40];
	_ =	sdelay $0x4  }
0x78: {  	v60 =	vshrl.u32 v3, $0x3  }
0x79: {  	v4 =	vmul.u32 $0x30, v60  }
0x7a: {  	v3 =	vand.u32 $0x7, v3  }
0x7b: {  	v3 =	vor.u32 v3, v4  }
0x7c: {  	v4 =	vperm.xlane v3, v0;
	_ =	sdelay $0x1  }
0x7d: {  	v4 =	vadd.s32 v1, v4;
	_ =	sdelay $0x3  }
0x7e: {  	s0 =	rddreg [dreg:$0x1d];
	v3 =	vperm.xlane v3, v2  }
0x7f: {  	[tilespmem:s0], [sflag:$0x1] =	stream.indirect_vreg.gather [hbm4b:s1+s3], $0x80, v4, vm0, $0xb8;
	[tilespmem:$0x18080] =	vst v63  }
0x80: {  	s9 =	rddreg [dreg:$0x1e];
	v3 =	vadd.s32 v1, v3  }
0x81: {  	[tilespmem:s9], [sflag:$0x1] =	stream.indirect_vreg.gather [hbm4b:s4+s3], $0x80, v4, vm0, $0xb8;
	[tilespmem:$0x18080] =	vst v63  }
0x82: {  	s9 =	simm.s32 $0xD080  }
0x83: {  	[tilespmem:s9], [sflag:$0x1] =	stream.indirect_vreg.gather [hbm4b:s5+s3], $0x80, v4, vm0, $0xb8;
	[tilespmem:$0x18080] =	vst v63  }
0x84: {  	_ = 	snop  }
0x85: {  	[tilespmem:s10], [sflag:$0x1] =	stream.indirect_vreg.gather [hbm4b:s1+s3], $0x80, v3, vm0, $0xb8;
	[tilespmem:$0x18080] =	vst v63  }
0x86: {  	_ = 	snop  }
0x87: {  	[tilespmem:s11], [sflag:$0x1] =	stream.indirect_vreg.gather [hbm4b:s4+s3], $0x80, v3, vm0, $0xb8;
	[tilespmem:$0x18080] =	vst v63  }
0x88: {  	_ = 	snop  }
0x89: {  	[tilespmem:s12], [sflag:$0x1] =	stream.indirect_vreg.gather [hbm4b:s5+s3], $0x80, v3, vm0, $0xb8;
	[tilespmem:$0x18080] =	vst v63  }
0x8a: {  	v3 =	vld [tilespmem:$0x50];
	_ =	sdelay $0x4  }
0x8b: {  	v61 =	vshrl.u32 v3, $0x3  }
0x8c: {  	v4 =	vmul.u32 $0x30, v61  }
0x8d: {  	v3 =	vand.u32 $0x7, v3  }
0x8e: {  	v3 =	vor.u32 v3, v4  }
0x8f: {  	v4 =	vperm.xlane v3, v0;
	_ =	sdelay $0x1  }
0x90: {  	v4 =	vadd.s32 v1, v4;
	_ =	sdelay $0x3  }
0x91: {  	v3 =	vperm.xlane v3, v2  }
0x92: {  	[tilespmem:s13], [sflag:$0x1] =	stream.indirect_vreg.gather [hbm4b:s1+s3], $0x80, v4, vm0, $0xb8;
	[tilespmem:$0x18080] =	vst v63  }
0x93: {  	v3 =	vadd.s32 v1, v3  }
0x94: {  	[tilespmem:s14], [sflag:$0x1] =	stream.indirect_vreg.gather [hbm4b:s4+s3], $0x80, v4, vm0, $0xb8;
	[tilespmem:$0x18080] =	vst v63  }
0x95: {  	_ = 	snop  }
0x96: {  	[tilespmem:s15], [sflag:$0x1] =	stream.indirect_vreg.gather [hbm4b:s5+s3], $0x80, v4, vm0, $0xb8;
	[tilespmem:$0x18080] =	vst v63  }
0x97: {  	_ = 	snop  }
0x98: {  	[tilespmem:s16], [sflag:$0x1] =	stream.indirect_vreg.gather [hbm4b:s1+s3], $0x80, v3, vm0, $0xb8;
	[tilespmem:$0x18080] =	vst v63  }
0x99: {  	_ = 	snop  }
0x9a: {  	[tilespmem:s17], [sflag:$0x1] =	stream.indirect_vreg.gather [hbm4b:s4+s3], $0x80, v3, vm0, $0xb8;
	[tilespmem:$0x18080] =	vst v63  }
0x9b: {  	_ = 	snop  }
0x9c: {  	[tilespmem:s18], [sflag:$0x1] =	stream.indirect_vreg.gather [hbm4b:s5+s3], $0x80, v3, vm0, $0xb8;
	[tilespmem:$0x18080] =	vst v63  }
0x9d: {  	v3 =	vld [tilespmem:$0x60];
	_ =	sdelay $0x4  }
0x9e: {  	v62 =	vshrl.u32 v3, $0x3  }
0x9f: {  	v4 =	vmul.u32 $0x30, v62  }
0xa0: {  	v3 =	vand.u32 $0x7, v3  }
0xa1: {  	v3 =	vor.u32 v3, v4  }
0xa2: {  	v4 =	vperm.xlane v3, v0;
	_ =	sdelay $0x1  }
0xa3: {  	v4 =	vadd.s32 v1, v4;
	_ =	sdelay $0x3  }
0xa4: {  	v3 =	vperm.xlane v3, v2  }
0xa5: {  	[tilespmem:s19], [sflag:$0x1] =	stream.indirect_vreg.gather [hbm4b:s1+s3], $0x80, v4, vm0, $0xb8;
	[tilespmem:$0x18080] =	vst v63  }
0xa6: {  	v3 =	vadd.s32 v1, v3  }
0xa7: {  	[tilespmem:s20], [sflag:$0x1] =	stream.indirect_vreg.gather [hbm4b:s4+s3], $0x80, v4, vm0, $0xb8;
	[tilespmem:$0x18080] =	vst v63  }
0xa8: {  	_ = 	snop  }
0xa9: {  	[tilespmem:s21], [sflag:$0x1] =	stream.indirect_vreg.gather [hbm4b:s5+s3], $0x80, v4, vm0, $0xb8;
	[tilespmem:$0x18080] =	vst v63  }
0xaa: {  	_ = 	snop  }
0xab: {  	[tilespmem:s22], [sflag:$0x1] =	stream.indirect_vreg.gather [hbm4b:s1+s3], $0x80, v3, vm0, $0xb8;
	[tilespmem:$0x18080] =	vst v63  }
0xac: {  	_ = 	snop  }
0xad: {  	[tilespmem:s23], [sflag:$0x1] =	stream.indirect_vreg.gather [hbm4b:s4+s3], $0x80, v3, vm0, $0xb8;
	[tilespmem:$0x18080] =	vst v63  }
0xae: {  	_ = 	snop  }
0xaf: {  	[tilespmem:s24], [sflag:$0x1] =	stream.indirect_vreg.gather [hbm4b:s5+s3], $0x80, v3, vm0, $0xb8;
	[tilespmem:$0x18080] =	vst v63  }
0xb0: {  	v3 =	vld [tilespmem:$0x70];
	_ =	sdelay $0x4  }
0xb1: {  	v63 =	vshrl.u32 v3, $0x3  }
0xb2: {  	v4 =	vmul.u32 $0x30, v63  }
0xb3: {  	v3 =	vand.u32 $0x7, v3  }
0xb4: {  	v3 =	vor.u32 v3, v4  }
0xb5: {  	v4 =	vperm.xlane v3, v0;
	_ =	sdelay $0x1  }
0xb6: {  	v4 =	vadd.s32 v1, v4;
	_ =	sdelay $0x3  }
0xb7: {  	v3 =	vperm.xlane v3, v2  }
0xb8: {  	[tilespmem:s25], [sflag:$0x1] =	stream.indirect_vreg.gather [hbm4b:s1+s3], $0x80, v4, vm0, $0xb8;
	[tilespmem:$0x18080] =	vst v63  }
0xb9: {  	v3 =	vadd.s32 v1, v3  }
0xba: {  	[tilespmem:s26], [sflag:$0x1] =	stream.indirect_vreg.gather [hbm4b:s4+s3], $0x80, v4, vm0, $0xb8;
	[tilespmem:$0x18080] =	vst v63  }
0xbb: {  	_ = 	snop  }
0xbc: {  	[tilespmem:s28], [sflag:$0x1] =	stream.indirect_vreg.gather [hbm4b:s5+s3], $0x80, v4, vm0, $0xb8;
	[tilespmem:$0x18080] =	vst v63  }
0xbd: {  	_ = 	snop  }
0xbe: {  	[tilespmem:s29], [sflag:$0x1] =	stream.indirect_vreg.gather [hbm4b:s1+s3], $0x80, v3, vm0, $0xb8;
	[tilespmem:$0x18080] =	vst v63  }
0xbf: {  	_ = 	snop  }
0xc0: {  	[tilespmem:s30], [sflag:$0x1] =	stream.indirect_vreg.gather [hbm4b:s4+s3], $0x80, v3, vm0, $0xb8;
	[tilespmem:$0x18080] =	vst v63  }
0xc1: {  	_ = 	snop  }
0xc2: {  	[tilespmem:s31], [sflag:$0x1] =	stream.indirect_vreg.gather [hbm4b:s5+s3], $0x80, v3, vm0, $0xb8;
	[tilespmem:$0x18080] =	vst v63  }
0xc3: {  	_ =	swait.ge [sflag:s2], $0x18000  }
0xc4: {  	p0 =	sne.s32 s6, $0x1;
	[sflag:s2] =	ssyncset.done $0x0  }
.Ltmp0:
0xc5: {  	s9 =	rddreg [dreg:$0x5];
	[sflag:s2] =	ssyncadd.s32 $0xFFFE8000;
	(pc) =	sbr.rel @p0 .LBB2_1-.Ltmp0, $4  }
0xc6: {  	[hbm4b:s9+s3] =	stream.linear.scatter [tilespmem:s8], [sflag:$0x2], $0x18000, $0x38;
	[tilespmem:$0x18080] =	vst v63  }
0xc7: {  	_ =	swait.ge [sflag:s7], $0x18000  }
0xc8: {  	[sflag:s7] =	ssyncset.done $0x0  }
0xc9: {  	s6 =	sadd.s32 $0xFFFFFFFF, s6;
	[sflag:s7] =	ssyncadd.s32 $0xFFFE8000  }
0xca: {  	_ =	sfence.sel $0x180000  }
0xcb: {  	[bflag:$0x0] =	sbarrier.arrive $0xFFFF  }
0xcc: {  	_ =	strace $0x90000053  }
0xcd: {  	s0 =	stileid.u32;
	[bflag:$0x2] =	sbarrier.arrive $0xFFFF  }
0xce: {  	p0 =	sne.s32 s0, $0x0;
	s0 =	rddreg [dreg:$0x3]  }
0xcf: {  	s0 =	sadd.s32 @!p0 $0x100000, s0  }
0xd0: {  	[sflag:s0] =	ssyncadd.tile.s32 @!p0 $0x1;
	_ =	shalt  }
.Lfunc_end2:
_tile_overlayer_lowered:
.L_overlay_start_2:
0xd1: {  	(tag) =	ssettag $0x2  }
0xd2: {  	s0 =	rddreg [dreg:$0x0];
	s2 =	stileid.u32  }
0xd3: {  	s1 =	rddreg [dreg:$0x1];
	p0 =	sne.s32 s2, $0x0  }
0xd4: {  	s3 =	rddreg [dreg:$0x2];
	[bflag:$0x3] =	sbarrier.arrive $0xFFFF;
	s2 =	simm.s32 @!p0 $0x1C02  }
0xd5: {  	[timem:s3], [sflag:s2] =	dma.local @!p0 [hbm:s0], s1  }
0xd6: {  	s0 =	simm.s32 @!p0 $0x2  }
0xd7: {  	_ =	swait.ge @!p0 [sflag:s0], s1  }
0xd8: {  	s1 =	ssub.s32 @!p0 $0x0, s1;
	[sflag:s0] =	ssyncset.done @!p0 $0x0  }
0xd9: {  	[sflag:s0] =	ssyncadd.s32 @!p0 s1  }
0xda: {  	[bflag:$0x3] =	sbarrier.arrive $0xFFFF  }
0xdb: {  	_ =	shalt  }

</sc_bundles>
